<compile_context>
chip_gen: v7x
topology: tpu7x:2x2x1
jax: 0.10.2.dev20260603
libtpu: 0.0.44.dev20260713+nightly
codegen_flags: <defaults>
</compile_context>

<pallas_src>
import functools

import jax
import jax.numpy as jnp
from jax import lax
from jax.experimental import pallas as pl
from jax.experimental.pallas import tpu as pltpu
from jax.experimental.pallas import tpu_sc as plsc

BATCH_BLK = 2048


def _encode_body(x_ref, w_ref, b_ref, a1t_ref):
    xblk = x_ref[...]
    z = lax.dot_general(
        w_ref[...], xblk, (((1,), (1,)), ((), ())),
        preferred_element_type=jnp.float32,
        precision=lax.Precision.DEFAULT,
    )
    z = z + b_ref[...]
    a1t_ref[...] = jnp.where(z > 0, z, 0.0)


def _encode(x, W, b2d):
    B, D = x.shape
    U = W.shape[0]
    grid = B // BATCH_BLK
    return pl.pallas_call(
        _encode_body,
        grid=(grid,),
        in_specs=[
            pl.BlockSpec((BATCH_BLK, D), lambda i: (i, 0)),
            pl.BlockSpec((U, D), lambda i: (0, 0)),
            pl.BlockSpec((U, 1), lambda i: (0, 0)),
        ],
        out_specs=pl.BlockSpec((U, BATCH_BLK), lambda i: (0, i)),
        out_shape=jax.ShapeDtypeStruct((U, B), jnp.float32),
    )(x, W, b2d)


_SUB_PASSES = ((16, 6), (10, 6), (4, 6), (0, 4))
_P1_SHIFT, _P1_BITS = 22, 10
_P1_NB = 1 << (_P1_BITS - 1)
_P1_STRIDE = _P1_NB + 1
_HIST_WORDS = 16 * _P1_STRIDE + 112


def _sc_select_body(kcount, a1t_hbm, out_hbm, colbuf, cand1, cand2, hist,
                    thrbuf, dmasem):
    info = plsc.get_sparse_core_info()
    nc = info.num_cores
    wid = lax.axis_index("s") * nc + lax.axis_index("c")
    lanes = lax.iota(jnp.int32, 16)
    ones = jnp.ones((16,), jnp.int32)
    kc = jnp.int32(kcount)
    B = a1t_hbm.shape[1]
    U = a1t_hbm.shape[0]

    def col_dma(col, base):
        return pltpu.make_async_copy(
            a1t_hbm.at[col], colbuf.at[pl.ds(base, B)], dmasem)

    def zero_hist(nwords):
        def zb(i):
            hist[pl.ds(i * 16, 16)] = jnp.zeros((16,), jnp.int32)
        plsc.parallel_loop(0, nwords // 16, 1, unroll=8)(zb)

    def group_detail(stride, base, above, r):
        acc = jnp.zeros((16,), jnp.int32)
        for l in range(16):
            acc = acc + hist[pl.ds(l * stride + base, 16)]
        s = lax.rev(jnp.cumsum(lax.rev(acc, (0,))), (0,))
        si = s + above
        se = si - acc
        m = (se < r) & (si >= r)
        bmax = lax.reduce_max(jnp.where(m, base + lanes, jnp.int32(-1)), (0,))
        semax = lax.reduce_max(jnp.where(m, se, jnp.int32(0)), (0,))
        return bmax, semax, lax.reduce_sum(acc, (0,))

    def find_bucket(nb, stride, base_list, r):
        above = jnp.int32(0)
        bstar = jnp.int32(-1)
        rnew = jnp.int32(-1)
        for g in reversed(base_list):
            bmax, semax, gtot = group_detail(stride, g, above, r)
            found = bmax >= 0
            bstar = jnp.where(found, bmax, bstar)
            rnew = jnp.where(found, r - semax, rnew)
            above = above + gtot
        return bstar, rnew

    def find_bucket_2level(stride, r):
        def gt_body(gi, carry):
            gtv0, gtv1 = carry
            acc = jnp.zeros((16,), jnp.int32)
            base = gi * 16
            for l in range(16):
                acc = acc + hist[pl.ds(l * stride + base, 16)]
            totv = jnp.full((16,), lax.reduce_sum(acc, (0,)), jnp.int32)
            gtv0 = jnp.where(lanes == gi, totv, gtv0)
            gtv1 = jnp.where(lanes == gi - 16, totv, gtv1)
            return gtv0, gtv1
        z16 = jnp.zeros((16,), jnp.int32)
        gtv0, gtv1 = plsc.parallel_loop(
            0, 32, 1, unroll=2, carry=(z16, z16))(gt_body)
        s1 = lax.rev(jnp.cumsum(lax.rev(gtv1, (0,))), (0,))
        s0 = lax.rev(jnp.cumsum(lax.rev(gtv0, (0,))), (0,))
        tot1 = lax.reduce_sum(gtv1, (0,))
        si0 = s0 + tot1
        se0 = si0 - gtv0
        se1 = s1 - gtv1
        m0 = (se0 < r) & (si0 >= r)
        m1 = (se1 < r) & (s1 >= r)
        g0 = lax.reduce_max(jnp.where(m0, lanes, jnp.int32(-1)), (0,))
        g1 = lax.reduce_max(jnp.where(m1, lanes + 16, jnp.int32(-1)), (0,))
        gc = jnp.maximum(g0, g1)
        above = jnp.maximum(
            lax.reduce_max(jnp.where(m0, se0, jnp.int32(0)), (0,)),
            lax.reduce_max(jnp.where(m1, se1, jnp.int32(0)), (0,)))
        bmax, semax, _ = group_detail(stride, gc * 16, above, r)
        return bmax, r - semax

    def process_column(j, thrvec):
        col = wid * jnp.int32(_COLS_PER_TILE) + j
        bufbase = (j & 1) * B
        col_dma(col, bufbase).wait()

        @pl.when(j < _COLS_PER_TILE - 1)
        def _prefetch():
            col_dma(col + 1, B - bufbase).start()

        nvec = B // 16

        zero_hist(16 * _P1_STRIDE)
        lane_base1 = lanes * jnp.int32(_P1_STRIDE)

        def h1(i):
            v = colbuf[pl.ds(bufbase + i * 16, 16)]
            u = lax.bitcast_convert_type(v, jnp.int32)
            bkt = lax.shift_right_logical(u, jnp.int32(_P1_SHIFT))
            plsc.addupdate_scatter(hist, [lane_base1 + bkt], ones)
        plsc.parallel_loop(0, nvec, 1, unroll=8)(h1)
        b1, r = find_bucket_2level(_P1_STRIDE, kc)

        def cp1(i, cnt):
            v = colbuf[pl.ds(bufbase + i * 16, 16)]
            u = lax.bitcast_convert_type(v, jnp.int32)
            m = lax.shift_right_logical(u, jnp.int32(_P1_SHIFT)) == b1
            plsc.store_compressed(cand1.at[pl.ds(cnt, 16)], u, mask=m)
            return cnt + plsc.all_reduce_population_count(m)[0]
        n = plsc.parallel_loop(0, nvec, 1, unroll=8,
                               carry=jnp.int32(0))(cp1)
        prefix = b1
        src, dst = cand1, cand2

        for pi, (shift, bits) in enumerate(_SUB_PASSES):
            nb = 1 << bits
            stride = nb + 1
            zero_hist(16 * stride)
            lane_base = lanes * jnp.int32(stride)
            shift_c = jnp.int32(shift)
            mask_c = jnp.int32(nb - 1)
            nvr = lax.shift_right_logical(n + jnp.int32(15), 4)

            def hb(i):
                base_i = i * 16
                u = src[pl.ds(base_i, 16)]
                valid = (base_i + lanes) < n
                bkt = lax.shift_right_logical(u, shift_c) & mask_c
                plsc.addupdate_scatter(hist, [lane_base + bkt], ones,
                                       mask=valid)
            plsc.parallel_loop(0, nvr, 1, unroll=2)(hb)
            bstar, r = find_bucket(nb, stride,
                                   [g * 16 for g in range(nb // 16)], r)
            prefix = lax.shift_left(prefix, jnp.int32(bits)) | bstar

            if pi != len(_SUB_PASSES) - 1:
                def cpb(i, cnt):
                    base_i = i * 16
                    u = src[pl.ds(base_i, 16)]
                    valid = (base_i + lanes) < n
                    m = (lax.shift_right_logical(u, shift_c) == prefix) & valid
                    plsc.store_compressed(dst.at[pl.ds(cnt, 16)], u, mask=m)
                    return cnt + plsc.all_reduce_population_count(m)[0]
                n = plsc.parallel_loop(0, nvr, 1, unroll=2,
                                       carry=jnp.int32(0))(cpb)
                src, dst = dst, src

        thrf = lax.bitcast_convert_type(jnp.full((16,), prefix, jnp.int32), jnp.float32)
        return jnp.where(lanes == j, thrf, thrvec)

    col_dma(wid * jnp.int32(_COLS_PER_TILE), 0).start()
    thrvec = lax.fori_loop(0, _COLS_PER_TILE, process_column,
                           jnp.zeros((16,), jnp.float32))
    thrbuf[...] = thrvec
    pltpu.sync_copy(thrbuf, out_hbm.at[wid])


_NTILES = 32
_COLS_PER_TILE = 8


def _sc_select(a1T, kcount):
    U, B = a1T.shape
    mesh = plsc.VectorSubcoreMesh(core_axis_name="c", subcore_axis_name="s")
    sel = pl.kernel(
        functools.partial(_sc_select_body, kcount),
        mesh=mesh,
        compiler_params=pltpu.CompilerParams(needs_layout_passes=False),
        out_type=jax.ShapeDtypeStruct((_NTILES, 16), jnp.float32),
        scratch_types=[
            pltpu.VMEM((2 * B,), jnp.float32),
            pltpu.VMEM((B + 128,), jnp.int32),
            pltpu.VMEM((B + 128,), jnp.int32),
            pltpu.VMEM((_HIST_WORDS,), jnp.int32),
            pltpu.VMEM((16,), jnp.float32),
            pltpu.SemaphoreType.DMA,
        ],
    )
    out = sel(a1T)
    return out[:, :_COLS_PER_TILE].reshape(U, 1)


def _decode_body(a1t_ref, w_ref, thr_ref, db_ref, out_ref):
    a = a1t_ref[...]
    am = jnp.where(a >= thr_ref[...], a, 0.0)
    out = lax.dot_general(
        am, w_ref[...], (((0,), (0,)), ((), ())),
        preferred_element_type=jnp.float32,
        precision=lax.Precision.DEFAULT,
    )
    out_ref[...] = out + db_ref[...]


def _decode(a1T, W, thr, db2d):
    U, B = a1T.shape
    D = W.shape[1]
    grid = B // BATCH_BLK
    return pl.pallas_call(
        _decode_body,
        grid=(grid,),
        in_specs=[
            pl.BlockSpec((U, BATCH_BLK), lambda i: (0, i)),
            pl.BlockSpec((U, D), lambda i: (0, 0)),
            pl.BlockSpec((U, 1), lambda i: (0, 0)),
            pl.BlockSpec((1, D), lambda i: (0, 0)),
        ],
        out_specs=pl.BlockSpec((BATCH_BLK, D), lambda i: (i, 0)),
        out_shape=jax.ShapeDtypeStruct((B, D), jnp.float32),
    )(a1T, W, thr, db2d)


def kernel(x, W, b, decoder_bias):
    B = x.shape[0]
    kcount = max(1, int(B * 0.05))
    a1T = _encode(x, W, b.reshape(-1, 1))
    thr = _sc_select(a1T, kcount)
    return _decode(a1T, W, thr, decoder_bias.reshape(1, -1))

# --- scband reference (transcript-rebuilt; emitter-appended) ---
"""Pipeline reference for scband-fc-wta-autoencoder-30305289241004 (READ-ONLY COPY).

The authoritative reference and input builder live on the scoring server;
editing this copy changes nothing except your own understanding.
"""

import jax, jax.numpy as jnp
import numpy as np

INPUT_DIM = 128
BOTTLENECK_DIM = 256
BATCH = 16384
K_FRAC = 0.05


def setup_inputs(seed: int = 0) -> dict:
    key = jax.random.key(seed)
    k1, k2, k3, k4 = jax.random.split(key, 4)
    x = jax.random.normal(k1, (BATCH, INPUT_DIM), dtype=jnp.float32)
    # encoder weight, torch nn.Linear layout: [out_features, in_features]
    bound = 1.0 / np.sqrt(INPUT_DIM)
    W = jax.random.uniform(k2, (BOTTLENECK_DIM, INPUT_DIM), dtype=jnp.float32, minval=-bound, maxval=bound)
    b = jax.random.uniform(k3, (BOTTLENECK_DIM,), dtype=jnp.float32, minval=-bound, maxval=bound)
    decoder_bias = jnp.zeros((INPUT_DIM,), dtype=jnp.float32)
    return {"x": x, "W": W, "b": b, "decoder_bias": decoder_bias}


def reference(x, W, b, decoder_bias):
    # encode
    z1 = x @ W.T + b                      # [B, bottleneck]
    a1 = jax.nn.relu(z1)
    # winner-take-all masking across the batch dimension (training path)
    B = x.shape[0]
    kcount = max(1, int(B * K_FRAC))
    a1T = a1.T                            # [bottleneck, B]
    _, topk_idx = jax.lax.top_k(a1T, kcount)   # [bottleneck, kcount]
    rows = jnp.arange(a1T.shape[0])[:, None]
    maskT = jnp.zeros(a1T.shape, dtype=a1T.dtype).at[rows, topk_idx].set(1.0)
    a1 = a1 * maskT.T
    # tied decoder: F.linear(a1, W.t(), decoder_bias) == a1 @ W + decoder_bias
    z2 = a1 @ W + decoder_bias
    return z2

if __name__ == "__main__":
    import jax
    _d = setup_inputs()
    print(jax.jit(kernel)(*tuple(_d.values())))

</pallas_src>

<mosaic_0001>
#map = affine_map<(d0, d1) -> (0, 0)>
module attributes {stable_mosaic.version = 14 : i64} {
  func.func @_sc_select_body(%arg0: i32, %arg1: i32, %arg2: memref<256x16384xf32, #tpu.memory_space<hbm>>, %arg3: memref<32x16xf32, #tpu.memory_space<hbm>>, %arg4: memref<32768xf32, #tpu.memory_space<vmem>>, %arg5: memref<16512xi32, #tpu.memory_space<vmem>>, %arg6: memref<16512xi32, #tpu.memory_space<vmem>>, %arg7: memref<8320xi32, #tpu.memory_space<vmem>>, %arg8: memref<16xf32, #tpu.memory_space<vmem>>, %arg9: memref<!tpu.dma_semaphore, #tpu.memory_space<semaphore_mem>>) attributes {dimension_semantics = [#tpu.dimension_semantics<core_parallel>, #tpu.dimension_semantics<subcore_parallel>], iteration_bounds = array<i64: 2, 16>, scalar_prefetch = 0 : i64, scratch_operands = 6 : i64, tpu.core_type = #tpu.core_type<sc_vector_subcore>, window_params = [{transform_indices = #map}, {transform_indices = #map}]} {
    %mul3A = arith.constant 2 : i32
    %mul3A_0 = arith.muli %arg1, %mul3A : i32
    %add3A = arith.addi %mul3A_0, %arg0 : i32
    %iota3A = tpu.iota {dimensions = array<i32: 0>} : vector<16xi32>
    %broadcast_in_dim3A = arith.constant 1 : i32
    %broadcast_in_dim3A_1 = vector.broadcast %broadcast_in_dim3A : i32 to vector<16xi32>
    %mul3A_2 = arith.constant 8 : i32
    %mul3A_3 = arith.muli %add3A, %mul3A_2 : i32
    %dma_start3A = arith.constant 0 : i32
    %dma_start3A_4 = tpu.memref_slice %arg4[%dma_start3A] : memref<32768xf32, #tpu.memory_space<vmem>> -> memref<16384xf32, #tpu.memory_space<vmem>>
    %dma_start3A_5 = arith.constant 0 : i32
    %dma_start3A_6 = tpu.memref_slice %arg2[%mul3A_3, %dma_start3A_5] : memref<256x16384xf32, #tpu.memory_space<hbm>> -> memref<1x16384xf32, #tpu.memory_space<hbm>>
    %dma_start3A_7 = tpu.memref_squeeze %dma_start3A_6 : memref<1x16384xf32, #tpu.memory_space<hbm>> -> memref<16384xf32, #tpu.memory_space<hbm>>
    %dma_start3A_8 = arith.constant 0 : i32
    %dma_start3A_9 = tpu.memref_slice %arg4[%dma_start3A_8] : memref<32768xf32, #tpu.memory_space<vmem>> -> memref<16384xf32, #tpu.memory_space<vmem>>
    %dma_start3A_10 = arith.constant 0 : i32
    %dma_start3A_11 = tpu.memref_slice %arg2[%mul3A_3, %dma_start3A_10] : memref<256x16384xf32, #tpu.memory_space<hbm>> -> memref<1x16384xf32, #tpu.memory_space<hbm>>
    %dma_start3A_12 = tpu.memref_squeeze %dma_start3A_11 : memref<1x16384xf32, #tpu.memory_space<hbm>> -> memref<16384xf32, #tpu.memory_space<hbm>>
    tpu.enqueue_dma source(%dma_start3A_12 : memref<16384xf32, #tpu.memory_space<hbm>>) target(%dma_start3A_9 : memref<16384xf32, #tpu.memory_space<vmem>>) target_semaphore(%arg9 : memref<!tpu.dma_semaphore, #tpu.memory_space<semaphore_mem>>)
    %broadcast_in_dim3A_13 = arith.constant 0.000000e+00 : f32
    %broadcast_in_dim3A_14 = vector.broadcast %broadcast_in_dim3A_13 : f32 to vector<16xf32>
    %scan3A = arith.constant 819 : i32
    %scan3A_15 = arith.constant 0 : i32
    %scan3A_16 = arith.constant 8 : i32
    %scan3A_17 = arith.addi %scan3A_15, %scan3A_16 : i32
    %scan3A_18 = arith.constant 1 : i32
    %scan3A_19 = scf.for %scan3A_22 = %scan3A_15 to %scan3A_17 step %scan3A_18 iter_args(%scan3A_23 = %broadcast_in_dim3A_14) -> (vector<16xf32>)  : i32 {
      %mul3A_24 = arith.constant 8 : i32
      %mul3A_25 = arith.muli %add3A, %mul3A_24 : i32
      %add3A_26 = arith.addi %mul3A_25, %scan3A_22 : i32
      %and3A = arith.constant 1 : i32
      %and3A_27 = arith.andi %scan3A_22, %and3A : i32
      %mul3A_28 = arith.constant 16384 : i32
      %mul3A_29 = arith.muli %and3A_27, %mul3A_28 : i32
      %dma_wait3A = tpu.memref_slice %arg4[%mul3A_29] : memref<32768xf32, #tpu.memory_space<vmem>> -> memref<16384xf32, #tpu.memory_space<vmem>>
      %dma_wait3A_30 = arith.constant 0 : i32
      %dma_wait3A_31 = tpu.memref_slice %arg2[%add3A_26, %dma_wait3A_30] : memref<256x16384xf32, #tpu.memory_space<hbm>> -> memref<1x16384xf32, #tpu.memory_space<hbm>>
      %dma_wait3A_32 = tpu.memref_squeeze %dma_wait3A_31 : memref<1x16384xf32, #tpu.memory_space<hbm>> -> memref<16384xf32, #tpu.memory_space<hbm>>
      %dma_wait3A_33 = tpu.memref_slice %arg4[%mul3A_29] : memref<32768xf32, #tpu.memory_space<vmem>> -> memref<16384xf32, #tpu.memory_space<vmem>>
      %dma_wait3A_34 = arith.constant 0 : i32
      %dma_wait3A_35 = tpu.memref_slice %arg2[%add3A_26, %dma_wait3A_34] : memref<256x16384xf32, #tpu.memory_space<hbm>> -> memref<1x16384xf32, #tpu.memory_space<hbm>>
      %dma_wait3A_36 = tpu.memref_squeeze %dma_wait3A_35 : memref<1x16384xf32, #tpu.memory_space<hbm>> -> memref<16384xf32, #tpu.memory_space<hbm>>
      tpu.wait_dma2 semaphore(%arg9 : memref<!tpu.dma_semaphore, #tpu.memory_space<semaphore_mem>>) src(%dma_wait3A_36 : memref<16384xf32, #tpu.memory_space<hbm>>) dst(%dma_wait3A_33 : memref<16384xf32, #tpu.memory_space<vmem>>)
      %lt3A = arith.constant 7 : i32
      %lt3A_37 = arith.cmpi slt, %scan3A_22, %lt3A : i32
      %convert_element_type3A = arith.extui %lt3A_37 : i1 to i32
      %cond3A = arith.constant 0 : i32
      %cond3A_38 = arith.cmpi ne, %convert_element_type3A, %cond3A : i32
      scf.if %cond3A_38 {
        %add3A_1752 = arith.constant 1 : i32
        %add3A_1753 = arith.addi %add3A_26, %add3A_1752 : i32
        %sub3A_1754 = arith.constant 16384 : i32
        %sub3A_1755 = arith.subi %sub3A_1754, %mul3A_29 : i32
        %dma_start3A_1756 = tpu.memref_slice %arg4[%sub3A_1755] : memref<32768xf32, #tpu.memory_space<vmem>> -> memref<16384xf32, #tpu.memory_space<vmem>>
        %dma_start3A_1757 = arith.constant 0 : i32
        %dma_start3A_1758 = tpu.memref_slice %arg2[%add3A_1753, %dma_start3A_1757] : memref<256x16384xf32, #tpu.memory_space<hbm>> -> memref<1x16384xf32, #tpu.memory_space<hbm>>
        %dma_start3A_1759 = tpu.memref_squeeze %dma_start3A_1758 : memref<1x16384xf32, #tpu.memory_space<hbm>> -> memref<16384xf32, #tpu.memory_space<hbm>>
        %dma_start3A_1760 = tpu.memref_slice %arg4[%sub3A_1755] : memref<32768xf32, #tpu.memory_space<vmem>> -> memref<16384xf32, #tpu.memory_space<vmem>>
        %dma_start3A_1761 = arith.constant 0 : i32
        %dma_start3A_1762 = tpu.memref_slice %arg2[%add3A_1753, %dma_start3A_1761] : memref<256x16384xf32, #tpu.memory_space<hbm>> -> memref<1x16384xf32, #tpu.memory_space<hbm>>
        %dma_start3A_1763 = tpu.memref_squeeze %dma_start3A_1762 : memref<1x16384xf32, #tpu.memory_space<hbm>> -> memref<16384xf32, #tpu.memory_space<hbm>>
        tpu.enqueue_dma source(%dma_start3A_1763 : memref<16384xf32, #tpu.memory_space<hbm>>) target(%dma_start3A_1760 : memref<16384xf32, #tpu.memory_space<vmem>>) target_semaphore(%arg9 : memref<!tpu.dma_semaphore, #tpu.memory_space<semaphore_mem>>)
      } else {
      }
      %parallel_loop3A = arith.constant 0 : i32
      %parallel_loop3A_39 = arith.constant 513 : i32
      %parallel_loop3A_40 = arith.constant 1 : i32
      scf.for %parallel_loop3A_1752 = %parallel_loop3A to %parallel_loop3A_39 step %parallel_loop3A_40  : i32 {
        %parallel_loop3A_1753 = arith.constant 0 : i32
        %parallel_loop3A_1754 = vector.broadcast %parallel_loop3A_1753 : i32 to vector<16xi32>
        %parallel_loop3A_1755 = arith.constant 16 : i32
        %parallel_loop3A_1756 = arith.muli %parallel_loop3A_1752, %parallel_loop3A_1755 : i32
        %parallel_loop3A_1757 = arith.index_cast %parallel_loop3A_1756 : i32 to index
        %parallel_loop3A_1758 = tpu.vector_load %arg7[%parallel_loop3A_1757] {strides = array<i32>} : memref<8320xi32, #tpu.memory_space<vmem>>, vector<16xi32>,
        tpu.vector_store %arg7[%parallel_loop3A_1757], %parallel_loop3A_1754 {strides = array<i32>} : memref<8320xi32, #tpu.memory_space<vmem>>, vector<16xi32>,
      } {sc.loop_unroll_factor = 8 : i64, sc.parallel_access}
      %mul3A_41 = arith.constant 513 : i32
      %mul3A_42 = vector.broadcast %mul3A_41 : i32 to vector<16xi32>
      %mul3A_43 = arith.muli %iota3A, %mul3A_42 : vector<16xi32>
      %parallel_loop3A_44 = arith.constant 0 : i32
      %parallel_loop3A_45 = arith.constant 1024 : i32
      %parallel_loop3A_46 = arith.constant 1 : i32
      scf.for %parallel_loop3A_1752 = %parallel_loop3A_44 to %parallel_loop3A_45 step %parallel_loop3A_46  : i32 {
        %parallel_loop3A_1753 = arith.constant 16 : i32
        %parallel_loop3A_1754 = arith.muli %parallel_loop3A_1752, %parallel_loop3A_1753 : i32
        %parallel_loop3A_1755 = arith.addi %mul3A_29, %parallel_loop3A_1754 : i32
        %parallel_loop3A_1756 = arith.index_cast %parallel_loop3A_1755 : i32 to index
        %parallel_loop3A_1757 = tpu.vector_load %arg4[%parallel_loop3A_1756] {strides = array<i32>} : memref<32768xf32, #tpu.memory_space<vmem>>, vector<16xf32>,
        %parallel_loop3A_1758 = tpu.bitcast %parallel_loop3A_1757 : vector<16xf32> -> vector<16xi32>
        %parallel_loop3A_1759 = arith.constant 22 : i32
        %parallel_loop3A_1760 = vector.broadcast %parallel_loop3A_1759 : i32 to vector<16xi32>
        %parallel_loop3A_1761 = arith.shrui %parallel_loop3A_1758, %parallel_loop3A_1760 : vector<16xi32>
        %parallel_loop3A_1762 = arith.addi %mul3A_43, %parallel_loop3A_1761 : vector<16xi32>
        tpu.vector_store_idx %arg7[%parallel_loop3A_1762], %broadcast_in_dim3A_1 {add = true} : memref<8320xi32, #tpu.memory_space<vmem>>[vector<16xi32>], vector<16xi32>,
      } {sc.loop_unroll_factor = 8 : i64, sc.parallel_access}
      %broadcast_in_dim3A_47 = arith.constant 0 : i32
      %broadcast_in_dim3A_48 = vector.broadcast %broadcast_in_dim3A_47 : i32 to vector<16xi32>
      %parallel_loop3A_49 = arith.constant 0 : i32
      %parallel_loop3A_50 = arith.constant 32 : i32
      %parallel_loop3A_51 = arith.constant 1 : i32
      %parallel_loop3A_52:2 = scf.for %parallel_loop3A_1752 = %parallel_loop3A_49 to %parallel_loop3A_50 step %parallel_loop3A_51 iter_args(%parallel_loop3A_1753 = %broadcast_in_dim3A_48, %parallel_loop3A_1754 = %broadcast_in_dim3A_48) -> (vector<16xi32>, vector<16xi32>)  : i32 {
        %parallel_loop3A_1755 = arith.constant 0 : i32
        %parallel_loop3A_1756 = vector.broadcast %parallel_loop3A_1755 : i32 to vector<16xi32>
        %parallel_loop3A_1757 = arith.constant 16 : i32
        %parallel_loop3A_1758 = arith.muli %parallel_loop3A_1752, %parallel_loop3A_1757 : i32
        %parallel_loop3A_1759 = arith.constant 0 : i32
        %parallel_loop3A_1760 = arith.addi %parallel_loop3A_1759, %parallel_loop3A_1758 : i32
        %parallel_loop3A_1761 = arith.index_cast %parallel_loop3A_1760 : i32 to index
        %parallel_loop3A_1762 = tpu.vector_load %arg7[%parallel_loop3A_1761] {strides = array<i32>} : memref<8320xi32, #tpu.memory_space<vmem>>, vector<16xi32>,
        %parallel_loop3A_1763 = arith.addi %parallel_loop3A_1756, %parallel_loop3A_1762 : vector<16xi32>
        %parallel_loop3A_1764 = arith.constant 513 : i32
        %parallel_loop3A_1765 = arith.addi %parallel_loop3A_1764, %parallel_loop3A_1758 : i32
        %parallel_loop3A_1766 = arith.index_cast %parallel_loop3A_1765 : i32 to index
        %parallel_loop3A_1767 = tpu.vector_load %arg7[%parallel_loop3A_1766] {strides = array<i32>} : memref<8320xi32, #tpu.memory_space<vmem>>, vector<16xi32>,
        %parallel_loop3A_1768 = arith.addi %parallel_loop3A_1763, %parallel_loop3A_1767 : vector<16xi32>
        %parallel_loop3A_1769 = arith.constant 1026 : i32
        %parallel_loop3A_1770 = arith.addi %parallel_loop3A_1769, %parallel_loop3A_1758 : i32
        %parallel_loop3A_1771 = arith.index_cast %parallel_loop3A_1770 : i32 to index
        %parallel_loop3A_1772 = tpu.vector_load %arg7[%parallel_loop3A_1771] {strides = array<i32>} : memref<8320xi32, #tpu.memory_space<vmem>>, vector<16xi32>,
        %parallel_loop3A_1773 = arith.addi %parallel_loop3A_1768, %parallel_loop3A_1772 : vector<16xi32>
        %parallel_loop3A_1774 = arith.constant 1539 : i32
        %parallel_loop3A_1775 = arith.addi %parallel_loop3A_1774, %parallel_loop3A_1758 : i32
        %parallel_loop3A_1776 = arith.index_cast %parallel_loop3A_1775 : i32 to index
        %parallel_loop3A_1777 = tpu.vector_load %arg7[%parallel_loop3A_1776] {strides = array<i32>} : memref<8320xi32, #tpu.memory_space<vmem>>, vector<16xi32>,
        %parallel_loop3A_1778 = arith.addi %parallel_loop3A_1773, %parallel_loop3A_1777 : vector<16xi32>
        %parallel_loop3A_1779 = arith.constant 2052 : i32
        %parallel_loop3A_1780 = arith.addi %parallel_loop3A_1779, %parallel_loop3A_1758 : i32
        %parallel_loop3A_1781 = arith.index_cast %parallel_loop3A_1780 : i32 to index
        %parallel_loop3A_1782 = tpu.vector_load %arg7[%parallel_loop3A_1781] {strides = array<i32>} : memref<8320xi32, #tpu.memory_space<vmem>>, vector<16xi32>,
        %parallel_loop3A_1783 = arith.addi %parallel_loop3A_1778, %parallel_loop3A_1782 : vector<16xi32>
        %parallel_loop3A_1784 = arith.constant 2565 : i32
        %parallel_loop3A_1785 = arith.addi %parallel_loop3A_1784, %parallel_loop3A_1758 : i32
        %parallel_loop3A_1786 = arith.index_cast %parallel_loop3A_1785 : i32 to index
        %parallel_loop3A_1787 = tpu.vector_load %arg7[%parallel_loop3A_1786] {strides = array<i32>} : memref<8320xi32, #tpu.memory_space<vmem>>, vector<16xi32>,
        %parallel_loop3A_1788 = arith.addi %parallel_loop3A_1783, %parallel_loop3A_1787 : vector<16xi32>
        %parallel_loop3A_1789 = arith.constant 3078 : i32
        %parallel_loop3A_1790 = arith.addi %parallel_loop3A_1789, %parallel_loop3A_1758 : i32
        %parallel_loop3A_1791 = arith.index_cast %parallel_loop3A_1790 : i32 to index
        %parallel_loop3A_1792 = tpu.vector_load %arg7[%parallel_loop3A_1791] {strides = array<i32>} : memref<8320xi32, #tpu.memory_space<vmem>>, vector<16xi32>,
        %parallel_loop3A_1793 = arith.addi %parallel_loop3A_1788, %parallel_loop3A_1792 : vector<16xi32>
        %parallel_loop3A_1794 = arith.constant 3591 : i32
        %parallel_loop3A_1795 = arith.addi %parallel_loop3A_1794, %parallel_loop3A_1758 : i32
        %parallel_loop3A_1796 = arith.index_cast %parallel_loop3A_1795 : i32 to index
        %parallel_loop3A_1797 = tpu.vector_load %arg7[%parallel_loop3A_1796] {strides = array<i32>} : memref<8320xi32, #tpu.memory_space<vmem>>, vector<16xi32>,
        %parallel_loop3A_1798 = arith.addi %parallel_loop3A_1793, %parallel_loop3A_1797 : vector<16xi32>
        %parallel_loop3A_1799 = arith.constant 4104 : i32
        %parallel_loop3A_1800 = arith.addi %parallel_loop3A_1799, %parallel_loop3A_1758 : i32
        %parallel_loop3A_1801 = arith.index_cast %parallel_loop3A_1800 : i32 to index
        %parallel_loop3A_1802 = tpu.vector_load %arg7[%parallel_loop3A_1801] {strides = array<i32>} : memref<8320xi32, #tpu.memory_space<vmem>>, vector<16xi32>,
        %parallel_loop3A_1803 = arith.addi %parallel_loop3A_1798, %parallel_loop3A_1802 : vector<16xi32>
        %parallel_loop3A_1804 = arith.constant 4617 : i32
        %parallel_loop3A_1805 = arith.addi %parallel_loop3A_1804, %parallel_loop3A_1758 : i32
        %parallel_loop3A_1806 = arith.index_cast %parallel_loop3A_1805 : i32 to index
        %parallel_loop3A_1807 = tpu.vector_load %arg7[%parallel_loop3A_1806] {strides = array<i32>} : memref<8320xi32, #tpu.memory_space<vmem>>, vector<16xi32>,
        %parallel_loop3A_1808 = arith.addi %parallel_loop3A_1803, %parallel_loop3A_1807 : vector<16xi32>
        %parallel_loop3A_1809 = arith.constant 5130 : i32
        %parallel_loop3A_1810 = arith.addi %parallel_loop3A_1809, %parallel_loop3A_1758 : i32
        %parallel_loop3A_1811 = arith.index_cast %parallel_loop3A_1810 : i32 to index
        %parallel_loop3A_1812 = tpu.vector_load %arg7[%parallel_loop3A_1811] {strides = array<i32>} : memref<8320xi32, #tpu.memory_space<vmem>>, vector<16xi32>,
        %parallel_loop3A_1813 = arith.addi %parallel_loop3A_1808, %parallel_loop3A_1812 : vector<16xi32>
        %parallel_loop3A_1814 = arith.constant 5643 : i32
        %parallel_loop3A_1815 = arith.addi %parallel_loop3A_1814, %parallel_loop3A_1758 : i32
        %parallel_loop3A_1816 = arith.index_cast %parallel_loop3A_1815 : i32 to index
        %parallel_loop3A_1817 = tpu.vector_load %arg7[%parallel_loop3A_1816] {strides = array<i32>} : memref<8320xi32, #tpu.memory_space<vmem>>, vector<16xi32>,
        %parallel_loop3A_1818 = arith.addi %parallel_loop3A_1813, %parallel_loop3A_1817 : vector<16xi32>
        %parallel_loop3A_1819 = arith.constant 6156 : i32
        %parallel_loop3A_1820 = arith.addi %parallel_loop3A_1819, %parallel_loop3A_1758 : i32
        %parallel_loop3A_1821 = arith.index_cast %parallel_loop3A_1820 : i32 to index
        %parallel_loop3A_1822 = tpu.vector_load %arg7[%parallel_loop3A_1821] {strides = array<i32>} : memref<8320xi32, #tpu.memory_space<vmem>>, vector<16xi32>,
        %parallel_loop3A_1823 = arith.addi %parallel_loop3A_1818, %parallel_loop3A_1822 : vector<16xi32>
        %parallel_loop3A_1824 = arith.constant 6669 : i32
        %parallel_loop3A_1825 = arith.addi %parallel_loop3A_1824, %parallel_loop3A_1758 : i32
        %parallel_loop3A_1826 = arith.index_cast %parallel_loop3A_1825 : i32 to index
        %parallel_loop3A_1827 = tpu.vector_load %arg7[%parallel_loop3A_1826] {strides = array<i32>} : memref<8320xi32, #tpu.memory_space<vmem>>, vector<16xi32>,
        %parallel_loop3A_1828 = arith.addi %parallel_loop3A_1823, %parallel_loop3A_1827 : vector<16xi32>
        %parallel_loop3A_1829 = arith.constant 7182 : i32
        %parallel_loop3A_1830 = arith.addi %parallel_loop3A_1829, %parallel_loop3A_1758 : i32
        %parallel_loop3A_1831 = arith.index_cast %parallel_loop3A_1830 : i32 to index
        %parallel_loop3A_1832 = tpu.vector_load %arg7[%parallel_loop3A_1831] {strides = array<i32>} : memref<8320xi32, #tpu.memory_space<vmem>>, vector<16xi32>,
        %parallel_loop3A_1833 = arith.addi %parallel_loop3A_1828, %parallel_loop3A_1832 : vector<16xi32>
        %parallel_loop3A_1834 = arith.constant 7695 : i32
        %parallel_loop3A_1835 = arith.addi %parallel_loop3A_1834, %parallel_loop3A_1758 : i32
        %parallel_loop3A_1836 = arith.index_cast %parallel_loop3A_1835 : i32 to index
        %parallel_loop3A_1837 = tpu.vector_load %arg7[%parallel_loop3A_1836] {strides = array<i32>} : memref<8320xi32, #tpu.memory_space<vmem>>, vector<16xi32>,
        %parallel_loop3A_1838 = arith.addi %parallel_loop3A_1833, %parallel_loop3A_1837 : vector<16xi32>
        %parallel_loop3A_1839 = arith.constant true
        %parallel_loop3A_1840 = vector.broadcast %parallel_loop3A_1839 : i1 to vector<16xi1>
        %parallel_loop3A_1841 = tpu.scan <sum>, %parallel_loop3A_1838 masked %parallel_loop3A_1840 : vector<16xi32>, vector<16xi1> -> vector<16xi32>
        %parallel_loop3A_1842 = vector.extract %parallel_loop3A_1841[15] : i32 from vector<16xi32>
        %parallel_loop3A_1843 = vector.broadcast %parallel_loop3A_1842 : i32 to vector<16xi32>
        %parallel_loop3A_1844 = vector.broadcast %parallel_loop3A_1752 : i32 to vector<16xi32>
        %parallel_loop3A_1845 = arith.cmpi eq, %iota3A, %parallel_loop3A_1844 : vector<16xi32>
        %parallel_loop3A_1846 = arith.select %parallel_loop3A_1845, %parallel_loop3A_1843, %parallel_loop3A_1753 : vector<16xi1>, vector<16xi32>
        %parallel_loop3A_1847 = arith.constant 16 : i32
        %parallel_loop3A_1848 = arith.subi %parallel_loop3A_1752, %parallel_loop3A_1847 : i32
        %parallel_loop3A_1849 = vector.broadcast %parallel_loop3A_1848 : i32 to vector<16xi32>
        %parallel_loop3A_1850 = arith.cmpi eq, %iota3A, %parallel_loop3A_1849 : vector<16xi32>
        %parallel_loop3A_1851 = arith.select %parallel_loop3A_1850, %parallel_loop3A_1843, %parallel_loop3A_1754 : vector<16xi1>, vector<16xi32>
        scf.yield %parallel_loop3A_1846, %parallel_loop3A_1851 : vector<16xi32>, vector<16xi32>
      } {sc.loop_unroll_factor = 2 : i64, sc.parallel_access}
      %rev3A = arith.constant 15 : i32
      %rev3A_53 = vector.broadcast %rev3A : i32 to vector<16xi32>
      %rev3A_54 = tpu.iota {dimensions = array<i32: 0>} : vector<16xi32>
      %rev3A_55 = arith.subi %rev3A_53, %rev3A_54 : vector<16xi32>
      %rev3A_56 = tpu.dynamic_gather %parallel_loop3A_52#1[%rev3A_55] in [0] : vector<16xi32>, vector<16xi32> -> vector<16xi32>
      %cumsum3A = arith.constant true
      %cumsum3A_57 = vector.broadcast %cumsum3A : i1 to vector<16xi1>
      %cumsum3A_58 = tpu.scan <sum>, %rev3A_56 masked %cumsum3A_57 : vector<16xi32>, vector<16xi1> -> vector<16xi32>
      %rev3A_59 = arith.constant 15 : i32
      %rev3A_60 = vector.broadcast %rev3A_59 : i32 to vector<16xi32>
      %rev3A_61 = tpu.iota {dimensions = array<i32: 0>} : vector<16xi32>
      %rev3A_62 = arith.subi %rev3A_60, %rev3A_61 : vector<16xi32>
      %rev3A_63 = tpu.dynamic_gather %cumsum3A_58[%rev3A_62] in [0] : vector<16xi32>, vector<16xi32> -> vector<16xi32>
      %rev3A_64 = arith.constant 15 : i32
      %rev3A_65 = vector.broadcast %rev3A_64 : i32 to vector<16xi32>
      %rev3A_66 = tpu.iota {dimensions = array<i32: 0>} : vector<16xi32>
      %rev3A_67 = arith.subi %rev3A_65, %rev3A_66 : vector<16xi32>
      %rev3A_68 = tpu.dynamic_gather %parallel_loop3A_52#0[%rev3A_67] in [0] : vector<16xi32>, vector<16xi32> -> vector<16xi32>
      %cumsum3A_69 = arith.constant true
      %cumsum3A_70 = vector.broadcast %cumsum3A_69 : i1 to vector<16xi1>
      %cumsum3A_71 = tpu.scan <sum>, %rev3A_68 masked %cumsum3A_70 : vector<16xi32>, vector<16xi1> -> vector<16xi32>
      %rev3A_72 = arith.constant 15 : i32
      %rev3A_73 = vector.broadcast %rev3A_72 : i32 to vector<16xi32>
      %rev3A_74 = tpu.iota {dimensions = array<i32: 0>} : vector<16xi32>
      %rev3A_75 = arith.subi %rev3A_73, %rev3A_74 : vector<16xi32>
      %rev3A_76 = tpu.dynamic_gather %cumsum3A_71[%rev3A_75] in [0] : vector<16xi32>, vector<16xi32> -> vector<16xi32>
      %reduce_sum3A = arith.constant true
      %reduce_sum3A_77 = vector.broadcast %reduce_sum3A : i1 to vector<16xi1>
      %reduce_sum3A_78 = tpu.scan <sum>, %parallel_loop3A_52#1 masked %reduce_sum3A_77 : vector<16xi32>, vector<16xi1> -> vector<16xi32>
      %reduce_sum3A_79 = vector.extract %reduce_sum3A_78[15] : i32 from vector<16xi32>
      %add3A_80 = vector.broadcast %reduce_sum3A_79 : i32 to vector<16xi32>
      %add3A_81 = arith.addi %rev3A_76, %add3A_80 : vector<16xi32>
      %sub3A = arith.subi %add3A_81, %parallel_loop3A_52#0 : vector<16xi32>
      %sub3A_82 = arith.subi %rev3A_63, %parallel_loop3A_52#1 : vector<16xi32>
      %lt3A_83 = vector.broadcast %scan3A : i32 to vector<16xi32>
      %lt3A_84 = arith.cmpi slt, %sub3A, %lt3A_83 : vector<16xi32>
      %ge3A = vector.broadcast %scan3A : i32 to vector<16xi32>
      %ge3A_85 = arith.cmpi sge, %add3A_81, %ge3A : vector<16xi32>
      %and3A_86 = arith.andi %lt3A_84, %ge3A_85 : vector<16xi1>
      %lt3A_87 = vector.broadcast %scan3A : i32 to vector<16xi32>
      %lt3A_88 = arith.cmpi slt, %sub3A_82, %lt3A_87 : vector<16xi32>
      %ge3A_89 = vector.broadcast %scan3A : i32 to vector<16xi32>
      %ge3A_90 = arith.cmpi sge, %rev3A_63, %ge3A_89 : vector<16xi32>
      %and3A_91 = arith.andi %lt3A_88, %ge3A_90 : vector<16xi1>
      %jit3A = arith.constant -1 : i32
      %broadcast_in_dim3A_92 = vector.broadcast %jit3A : i32 to vector<16xi32>
      %select_n3A = arith.select %and3A_86, %iota3A, %broadcast_in_dim3A_92 : vector<16xi1>, vector<16xi32>
      %reduce_max3A = arith.constant true
      %reduce_max3A_93 = vector.broadcast %reduce_max3A : i1 to vector<16xi1>
      %reduce_max3A_94 = arith.constant -2147483648 : i32
      %reduce_max3A_95 = vector.broadcast %reduce_max3A_94 : i32 to vector<16xi32>
      %reduce_max3A_96 = arith.xori %select_n3A, %reduce_max3A_95 : vector<16xi32>
      %reduce_max3A_97 = tpu.scan <max>, %reduce_max3A_96 masked %reduce_max3A_93 : vector<16xi32>, vector<16xi1> -> vector<16xi32>
      %reduce_max3A_98 = arith.xori %reduce_max3A_97, %reduce_max3A_95 : vector<16xi32>
      %reduce_max3A_99 = vector.extract %reduce_max3A_98[15] : i32 from vector<16xi32>
      %add3A_100 = arith.constant 16 : i32
      %add3A_101 = vector.broadcast %add3A_100 : i32 to vector<16xi32>
      %add3A_102 = arith.addi %iota3A, %add3A_101 : vector<16xi32>
      %jit3A_103 = arith.constant -1 : i32
      %broadcast_in_dim3A_104 = vector.broadcast %jit3A_103 : i32 to vector<16xi32>
      %select_n3A_105 = arith.select %and3A_91, %add3A_102, %broadcast_in_dim3A_104 : vector<16xi1>, vector<16xi32>
      %reduce_max3A_106 = arith.constant true
      %reduce_max3A_107 = vector.broadcast %reduce_max3A_106 : i1 to vector<16xi1>
      %reduce_max3A_108 = arith.constant -2147483648 : i32
      %reduce_max3A_109 = vector.broadcast %reduce_max3A_108 : i32 to vector<16xi32>
      %reduce_max3A_110 = arith.xori %select_n3A_105, %reduce_max3A_109 : vector<16xi32>
      %reduce_max3A_111 = tpu.scan <max>, %reduce_max3A_110 masked %reduce_max3A_107 : vector<16xi32>, vector<16xi1> -> vector<16xi32>
      %reduce_max3A_112 = arith.xori %reduce_max3A_111, %reduce_max3A_109 : vector<16xi32>
      %reduce_max3A_113 = vector.extract %reduce_max3A_112[15] : i32 from vector<16xi32>
      %max3A = arith.maxsi %reduce_max3A_99, %reduce_max3A_113 : i32
      %jit3A_114 = arith.constant 0 : i32
      %broadcast_in_dim3A_115 = vector.broadcast %jit3A_114 : i32 to vector<16xi32>
      %select_n3A_116 = arith.select %and3A_86, %sub3A, %broadcast_in_dim3A_115 : vector<16xi1>, vector<16xi32>
      %reduce_max3A_117 = arith.constant true
      %reduce_max3A_118 = vector.broadcast %reduce_max3A_117 : i1 to vector<16xi1>
      %reduce_max3A_119 = arith.constant -2147483648 : i32
      %reduce_max3A_120 = vector.broadcast %reduce_max3A_119 : i32 to vector<16xi32>
      %reduce_max3A_121 = arith.xori %select_n3A_116, %reduce_max3A_120 : vector<16xi32>
      %reduce_max3A_122 = tpu.scan <max>, %reduce_max3A_121 masked %reduce_max3A_118 : vector<16xi32>, vector<16xi1> -> vector<16xi32>
      %reduce_max3A_123 = arith.xori %reduce_max3A_122, %reduce_max3A_120 : vector<16xi32>
      %reduce_max3A_124 = vector.extract %reduce_max3A_123[15] : i32 from vector<16xi32>
      %jit3A_125 = arith.constant 0 : i32
      %broadcast_in_dim3A_126 = vector.broadcast %jit3A_125 : i32 to vector<16xi32>
      %select_n3A_127 = arith.select %and3A_91, %sub3A_82, %broadcast_in_dim3A_126 : vector<16xi1>, vector<16xi32>
      %reduce_max3A_128 = arith.constant true
      %reduce_max3A_129 = vector.broadcast %reduce_max3A_128 : i1 to vector<16xi1>
      %reduce_max3A_130 = arith.constant -2147483648 : i32
      %reduce_max3A_131 = vector.broadcast %reduce_max3A_130 : i32 to vector<16xi32>
      %reduce_max3A_132 = arith.xori %select_n3A_127, %reduce_max3A_131 : vector<16xi32>
      %reduce_max3A_133 = tpu.scan <max>, %reduce_max3A_132 masked %reduce_max3A_129 : vector<16xi32>, vector<16xi1> -> vector<16xi32>
      %reduce_max3A_134 = arith.xori %reduce_max3A_133, %reduce_max3A_131 : vector<16xi32>
      %reduce_max3A_135 = vector.extract %reduce_max3A_134[15] : i32 from vector<16xi32>
      %max3A_136 = arith.maxsi %reduce_max3A_124, %reduce_max3A_135 : i32
      %mul3A_137 = arith.constant 16 : i32
      %mul3A_138 = arith.muli %max3A, %mul3A_137 : i32
      %broadcast_in_dim3A_139 = arith.constant 0 : i32
      %broadcast_in_dim3A_140 = vector.broadcast %broadcast_in_dim3A_139 : i32 to vector<16xi32>
      %add3A_141 = arith.constant 0 : i32
      %add3A_142 = arith.addi %add3A_141, %mul3A_138 : i32
      %get3A = arith.index_cast %add3A_142 : i32 to index
      %get3A_143 = tpu.vector_load %arg7[%get3A] {strides = array<i32>} : memref<8320xi32, #tpu.memory_space<vmem>>, vector<16xi32>,
      %add3A_144 = arith.addi %broadcast_in_dim3A_140, %get3A_143 : vector<16xi32>
      %add3A_145 = arith.constant 513 : i32
      %add3A_146 = arith.addi %add3A_145, %mul3A_138 : i32
      %get3A_147 = arith.index_cast %add3A_146 : i32 to index
      %get3A_148 = tpu.vector_load %arg7[%get3A_147] {strides = array<i32>} : memref<8320xi32, #tpu.memory_space<vmem>>, vector<16xi32>,
      %add3A_149 = arith.addi %add3A_144, %get3A_148 : vector<16xi32>
      %add3A_150 = arith.constant 1026 : i32
      %add3A_151 = arith.addi %add3A_150, %mul3A_138 : i32
      %get3A_152 = arith.index_cast %add3A_151 : i32 to index
      %get3A_153 = tpu.vector_load %arg7[%get3A_152] {strides = array<i32>} : memref<8320xi32, #tpu.memory_space<vmem>>, vector<16xi32>,
      %add3A_154 = arith.addi %add3A_149, %get3A_153 : vector<16xi32>
      %add3A_155 = arith.constant 1539 : i32
      %add3A_156 = arith.addi %add3A_155, %mul3A_138 : i32
      %get3A_157 = arith.index_cast %add3A_156 : i32 to index
      %get3A_158 = tpu.vector_load %arg7[%get3A_157] {strides = array<i32>} : memref<8320xi32, #tpu.memory_space<vmem>>, vector<16xi32>,
      %add3A_159 = arith.addi %add3A_154, %get3A_158 : vector<16xi32>
      %add3A_160 = arith.constant 2052 : i32
      %add3A_161 = arith.addi %add3A_160, %mul3A_138 : i32
      %get3A_162 = arith.index_cast %add3A_161 : i32 to index
      %get3A_163 = tpu.vector_load %arg7[%get3A_162] {strides = array<i32>} : memref<8320xi32, #tpu.memory_space<vmem>>, vector<16xi32>,
      %add3A_164 = arith.addi %add3A_159, %get3A_163 : vector<16xi32>
      %add3A_165 = arith.constant 2565 : i32
      %add3A_166 = arith.addi %add3A_165, %mul3A_138 : i32
      %get3A_167 = arith.index_cast %add3A_166 : i32 to index
      %get3A_168 = tpu.vector_load %arg7[%get3A_167] {strides = array<i32>} : memref<8320xi32, #tpu.memory_space<vmem>>, vector<16xi32>,
      %add3A_169 = arith.addi %add3A_164, %get3A_168 : vector<16xi32>
      %add3A_170 = arith.constant 3078 : i32
      %add3A_171 = arith.addi %add3A_170, %mul3A_138 : i32
      %get3A_172 = arith.index_cast %add3A_171 : i32 to index
      %get3A_173 = tpu.vector_load %arg7[%get3A_172] {strides = array<i32>} : memref<8320xi32, #tpu.memory_space<vmem>>, vector<16xi32>,
      %add3A_174 = arith.addi %add3A_169, %get3A_173 : vector<16xi32>
      %add3A_175 = arith.constant 3591 : i32
      %add3A_176 = arith.addi %add3A_175, %mul3A_138 : i32
      %get3A_177 = arith.index_cast %add3A_176 : i32 to index
      %get3A_178 = tpu.vector_load %arg7[%get3A_177] {strides = array<i32>} : memref<8320xi32, #tpu.memory_space<vmem>>, vector<16xi32>,
      %add3A_179 = arith.addi %add3A_174, %get3A_178 : vector<16xi32>
      %add3A_180 = arith.constant 4104 : i32
      %add3A_181 = arith.addi %add3A_180, %mul3A_138 : i32
      %get3A_182 = arith.index_cast %add3A_181 : i32 to index
      %get3A_183 = tpu.vector_load %arg7[%get3A_182] {strides = array<i32>} : memref<8320xi32, #tpu.memory_space<vmem>>, vector<16xi32>,
      %add3A_184 = arith.addi %add3A_179, %get3A_183 : vector<16xi32>
      %add3A_185 = arith.constant 4617 : i32
      %add3A_186 = arith.addi %add3A_185, %mul3A_138 : i32
      %get3A_187 = arith.index_cast %add3A_186 : i32 to index
      %get3A_188 = tpu.vector_load %arg7[%get3A_187] {strides = array<i32>} : memref<8320xi32, #tpu.memory_space<vmem>>, vector<16xi32>,
      %add3A_189 = arith.addi %add3A_184, %get3A_188 : vector<16xi32>
      %add3A_190 = arith.constant 5130 : i32
      %add3A_191 = arith.addi %add3A_190, %mul3A_138 : i32
      %get3A_192 = arith.index_cast %add3A_191 : i32 to index
      %get3A_193 = tpu.vector_load %arg7[%get3A_192] {strides = array<i32>} : memref<8320xi32, #tpu.memory_space<vmem>>, vector<16xi32>,
      %add3A_194 = arith.addi %add3A_189, %get3A_193 : vector<16xi32>
      %add3A_195 = arith.constant 5643 : i32
      %add3A_196 = arith.addi %add3A_195, %mul3A_138 : i32
      %get3A_197 = arith.index_cast %add3A_196 : i32 to index
      %get3A_198 = tpu.vector_load %arg7[%get3A_197] {strides = array<i32>} : memref<8320xi32, #tpu.memory_space<vmem>>, vector<16xi32>,
      %add3A_199 = arith.addi %add3A_194, %get3A_198 : vector<16xi32>
      %add3A_200 = arith.constant 6156 : i32
      %add3A_201 = arith.addi %add3A_200, %mul3A_138 : i32
      %get3A_202 = arith.index_cast %add3A_201 : i32 to index
      %get3A_203 = tpu.vector_load %arg7[%get3A_202] {strides = array<i32>} : memref<8320xi32, #tpu.memory_space<vmem>>, vector<16xi32>,
      %add3A_204 = arith.addi %add3A_199, %get3A_203 : vector<16xi32>
      %add3A_205 = arith.constant 6669 : i32
      %add3A_206 = arith.addi %add3A_205, %mul3A_138 : i32
      %get3A_207 = arith.index_cast %add3A_206 : i32 to index
      %get3A_208 = tpu.vector_load %arg7[%get3A_207] {strides = array<i32>} : memref<8320xi32, #tpu.memory_space<vmem>>, vector<16xi32>,
      %add3A_209 = arith.addi %add3A_204, %get3A_208 : vector<16xi32>
      %add3A_210 = arith.constant 7182 : i32
      %add3A_211 = arith.addi %add3A_210, %mul3A_138 : i32
      %get3A_212 = arith.index_cast %add3A_211 : i32 to index
      %get3A_213 = tpu.vector_load %arg7[%get3A_212] {strides = array<i32>} : memref<8320xi32, #tpu.memory_space<vmem>>, vector<16xi32>,
      %add3A_214 = arith.addi %add3A_209, %get3A_213 : vector<16xi32>
      %add3A_215 = arith.constant 7695 : i32
      %add3A_216 = arith.addi %add3A_215, %mul3A_138 : i32
      %get3A_217 = arith.index_cast %add3A_216 : i32 to index
      %get3A_218 = tpu.vector_load %arg7[%get3A_217] {strides = array<i32>} : memref<8320xi32, #tpu.memory_space<vmem>>, vector<16xi32>,
      %add3A_219 = arith.addi %add3A_214, %get3A_218 : vector<16xi32>
      %rev3A_220 = arith.constant 15 : i32
      %rev3A_221 = vector.broadcast %rev3A_220 : i32 to vector<16xi32>
      %rev3A_222 = tpu.iota {dimensions = array<i32: 0>} : vector<16xi32>
      %rev3A_223 = arith.subi %rev3A_221, %rev3A_222 : vector<16xi32>
      %rev3A_224 = tpu.dynamic_gather %add3A_219[%rev3A_223] in [0] : vector<16xi32>, vector<16xi32> -> vector<16xi32>
      %cumsum3A_225 = arith.constant true
      %cumsum3A_226 = vector.broadcast %cumsum3A_225 : i1 to vector<16xi1>
      %cumsum3A_227 = tpu.scan <sum>, %rev3A_224 masked %cumsum3A_226 : vector<16xi32>, vector<16xi1> -> vector<16xi32>
      %rev3A_228 = arith.constant 15 : i32
      %rev3A_229 = vector.broadcast %rev3A_228 : i32 to vector<16xi32>
      %rev3A_230 = tpu.iota {dimensions = array<i32: 0>} : vector<16xi32>
      %rev3A_231 = arith.subi %rev3A_229, %rev3A_230 : vector<16xi32>
      %rev3A_232 = tpu.dynamic_gather %cumsum3A_227[%rev3A_231] in [0] : vector<16xi32>, vector<16xi32> -> vector<16xi32>
      %add3A_233 = vector.broadcast %max3A_136 : i32 to vector<16xi32>
      %add3A_234 = arith.addi %rev3A_232, %add3A_233 : vector<16xi32>
      %sub3A_235 = arith.subi %add3A_234, %add3A_219 : vector<16xi32>
      %lt3A_236 = vector.broadcast %scan3A : i32 to vector<16xi32>
      %lt3A_237 = arith.cmpi slt, %sub3A_235, %lt3A_236 : vector<16xi32>
      %ge3A_238 = vector.broadcast %scan3A : i32 to vector<16xi32>
      %ge3A_239 = arith.cmpi sge, %add3A_234, %ge3A_238 : vector<16xi32>
      %and3A_240 = arith.andi %lt3A_237, %ge3A_239 : vector<16xi1>
      %add3A_241 = vector.broadcast %mul3A_138 : i32 to vector<16xi32>
      %add3A_242 = arith.addi %add3A_241, %iota3A : vector<16xi32>
      %jit3A_243 = arith.constant -1 : i32
      %broadcast_in_dim3A_244 = vector.broadcast %jit3A_243 : i32 to vector<16xi32>
      %select_n3A_245 = arith.select %and3A_240, %add3A_242, %broadcast_in_dim3A_244 : vector<16xi1>, vector<16xi32>
      %reduce_max3A_246 = arith.constant true
      %reduce_max3A_247 = vector.broadcast %reduce_max3A_246 : i1 to vector<16xi1>
      %reduce_max3A_248 = arith.constant -2147483648 : i32
      %reduce_max3A_249 = vector.broadcast %reduce_max3A_248 : i32 to vector<16xi32>
      %reduce_max3A_250 = arith.xori %select_n3A_245, %reduce_max3A_249 : vector<16xi32>
      %reduce_max3A_251 = tpu.scan <max>, %reduce_max3A_250 masked %reduce_max3A_247 : vector<16xi32>, vector<16xi1> -> vector<16xi32>
      %reduce_max3A_252 = arith.xori %reduce_max3A_251, %reduce_max3A_249 : vector<16xi32>
      %reduce_max3A_253 = vector.extract %reduce_max3A_252[15] : i32 from vector<16xi32>
      %jit3A_254 = arith.constant 0 : i32
      %broadcast_in_dim3A_255 = vector.broadcast %jit3A_254 : i32 to vector<16xi32>
      %select_n3A_256 = arith.select %and3A_240, %sub3A_235, %broadcast_in_dim3A_255 : vector<16xi1>, vector<16xi32>
      %reduce_max3A_257 = arith.constant true
      %reduce_max3A_258 = vector.broadcast %reduce_max3A_257 : i1 to vector<16xi1>
      %reduce_max3A_259 = arith.constant -2147483648 : i32
      %reduce_max3A_260 = vector.broadcast %reduce_max3A_259 : i32 to vector<16xi32>
      %reduce_max3A_261 = arith.xori %select_n3A_256, %reduce_max3A_260 : vector<16xi32>
      %reduce_max3A_262 = tpu.scan <max>, %reduce_max3A_261 masked %reduce_max3A_258 : vector<16xi32>, vector<16xi1> -> vector<16xi32>
      %reduce_max3A_263 = arith.xori %reduce_max3A_262, %reduce_max3A_260 : vector<16xi32>
      %reduce_max3A_264 = vector.extract %reduce_max3A_263[15] : i32 from vector<16xi32>
      %reduce_sum3A_265 = arith.constant true
      %reduce_sum3A_266 = vector.broadcast %reduce_sum3A_265 : i1 to vector<16xi1>
      %reduce_sum3A_267 = tpu.scan <sum>, %add3A_219 masked %reduce_sum3A_266 : vector<16xi32>, vector<16xi1> -> vector<16xi32>
      %reduce_sum3A_268 = vector.extract %reduce_sum3A_267[15] : i32 from vector<16xi32>
      %sub3A_269 = arith.subi %scan3A, %reduce_max3A_264 : i32
      %parallel_loop3A_270 = arith.constant 0 : i32
      %parallel_loop3A_271 = arith.constant 1024 : i32
      %parallel_loop3A_272 = arith.constant 1 : i32
      %parallel_loop3A_273 = arith.constant 0 : i32
      %parallel_loop3A_274 = scf.for %parallel_loop3A_1752 = %parallel_loop3A_270 to %parallel_loop3A_271 step %parallel_loop3A_272 iter_args(%parallel_loop3A_1753 = %parallel_loop3A_273) -> (i32)  : i32 {
        %parallel_loop3A_1754 = arith.constant 16 : i32
        %parallel_loop3A_1755 = arith.muli %parallel_loop3A_1752, %parallel_loop3A_1754 : i32
        %parallel_loop3A_1756 = arith.addi %mul3A_29, %parallel_loop3A_1755 : i32
        %parallel_loop3A_1757 = arith.index_cast %parallel_loop3A_1756 : i32 to index
        %parallel_loop3A_1758 = tpu.vector_load %arg4[%parallel_loop3A_1757] {strides = array<i32>} : memref<32768xf32, #tpu.memory_space<vmem>>, vector<16xf32>,
        %parallel_loop3A_1759 = tpu.bitcast %parallel_loop3A_1758 : vector<16xf32> -> vector<16xi32>
        %parallel_loop3A_1760 = arith.constant 22 : i32
        %parallel_loop3A_1761 = vector.broadcast %parallel_loop3A_1760 : i32 to vector<16xi32>
        %parallel_loop3A_1762 = arith.shrui %parallel_loop3A_1759, %parallel_loop3A_1761 : vector<16xi32>
        %parallel_loop3A_1763 = vector.broadcast %reduce_max3A_253 : i32 to vector<16xi32>
        %parallel_loop3A_1764 = arith.cmpi eq, %parallel_loop3A_1762, %parallel_loop3A_1763 : vector<16xi32>
        %parallel_loop3A_1765 = arith.index_cast %parallel_loop3A_1753 : i32 to index
        %parallel_loop3A_1766 = tpu.vector_load %arg5[%parallel_loop3A_1765] masked %parallel_loop3A_1764 {strides = array<i32>} : memref<16512xi32, #tpu.memory_space<vmem>>, vector<16xi32>, vector<16xi1>
        tpu.vector_store %arg5[%parallel_loop3A_1765], %parallel_loop3A_1759 masked %parallel_loop3A_1764 {strides = array<i32>} : memref<16512xi32, #tpu.memory_space<vmem>>, vector<16xi32>, vector<16xi1>
        %parallel_loop3A_1767 = tpu.all_reduce %parallel_loop3A_1764 {dim = 0 : i64, kind = #tpu.reduction_kind<sum>} : vector<16xi1> -> vector<16xi32>
        %parallel_loop3A_1768 = vector.extract_strided_slice %parallel_loop3A_1767 {offsets = [0], sizes = [1], strides = [1]} : vector<16xi32> to vector<1xi32>
        %parallel_loop3A_1769 = vector.extract %parallel_loop3A_1768[0] : i32 from vector<1xi32>
        %parallel_loop3A_1770 = arith.addi %parallel_loop3A_1753, %parallel_loop3A_1769 : i32
        scf.yield %parallel_loop3A_1770 : i32
      } {sc.loop_unroll_factor = 8 : i64, sc.parallel_access}
      %parallel_loop3A_275 = arith.constant 0 : i32
      %parallel_loop3A_276 = arith.constant 65 : i32
      %parallel_loop3A_277 = arith.constant 1 : i32
      scf.for %parallel_loop3A_1752 = %parallel_loop3A_275 to %parallel_loop3A_276 step %parallel_loop3A_277  : i32 {
        %parallel_loop3A_1753 = arith.constant 0 : i32
        %parallel_loop3A_1754 = vector.broadcast %parallel_loop3A_1753 : i32 to vector<16xi32>
        %parallel_loop3A_1755 = arith.constant 16 : i32
        %parallel_loop3A_1756 = arith.muli %parallel_loop3A_1752, %parallel_loop3A_1755 : i32
        %parallel_loop3A_1757 = arith.index_cast %parallel_loop3A_1756 : i32 to index
        %parallel_loop3A_1758 = tpu.vector_load %arg7[%parallel_loop3A_1757] {strides = array<i32>} : memref<8320xi32, #tpu.memory_space<vmem>>, vector<16xi32>,
        tpu.vector_store %arg7[%parallel_loop3A_1757], %parallel_loop3A_1754 {strides = array<i32>} : memref<8320xi32, #tpu.memory_space<vmem>>, vector<16xi32>,
      } {sc.loop_unroll_factor = 8 : i64, sc.parallel_access}
      %mul3A_278 = arith.constant 65 : i32
      %mul3A_279 = vector.broadcast %mul3A_278 : i32 to vector<16xi32>
      %mul3A_280 = arith.muli %iota3A, %mul3A_279 : vector<16xi32>
      %add3A_281 = arith.constant 15 : i32
      %add3A_282 = arith.addi %parallel_loop3A_274, %add3A_281 : i32
      %shift_right_logical3A = arith.constant 4 : i32
      %shift_right_logical3A_283 = arith.shrui %add3A_282, %shift_right_logical3A : i32
      %parallel_loop3A_284 = arith.constant 0 : i32
      %parallel_loop3A_285 = arith.constant 1 : i32
      %parallel_loop3A_286 = arith.constant 16 : i32
      %parallel_loop3A_287 = arith.constant 63 : i32
      scf.for %parallel_loop3A_1752 = %parallel_loop3A_284 to %shift_right_logical3A_283 step %parallel_loop3A_285  : i32 {
        %parallel_loop3A_1753 = arith.constant 16 : i32
        %parallel_loop3A_1754 = arith.muli %parallel_loop3A_1752, %parallel_loop3A_1753 : i32
        %parallel_loop3A_1755 = arith.index_cast %parallel_loop3A_1754 : i32 to index
        %parallel_loop3A_1756 = tpu.vector_load %arg5[%parallel_loop3A_1755] {strides = array<i32>} : memref<16512xi32, #tpu.memory_space<vmem>>, vector<16xi32>,
        %parallel_loop3A_1757 = vector.broadcast %parallel_loop3A_1754 : i32 to vector<16xi32>
        %parallel_loop3A_1758 = arith.addi %parallel_loop3A_1757, %iota3A : vector<16xi32>
        %parallel_loop3A_1759 = vector.broadcast %parallel_loop3A_274 : i32 to vector<16xi32>
        %parallel_loop3A_1760 = arith.cmpi slt, %parallel_loop3A_1758, %parallel_loop3A_1759 : vector<16xi32>
        %parallel_loop3A_1761 = vector.broadcast %parallel_loop3A_286 : i32 to vector<16xi32>
        %parallel_loop3A_1762 = arith.shrui %parallel_loop3A_1756, %parallel_loop3A_1761 : vector<16xi32>
        %parallel_loop3A_1763 = vector.broadcast %parallel_loop3A_287 : i32 to vector<16xi32>
        %parallel_loop3A_1764 = arith.andi %parallel_loop3A_1762, %parallel_loop3A_1763 : vector<16xi32>
        %parallel_loop3A_1765 = arith.addi %mul3A_280, %parallel_loop3A_1764 : vector<16xi32>
        tpu.vector_store_idx %arg7[%parallel_loop3A_1765], %broadcast_in_dim3A_1 masked %parallel_loop3A_1760 {add = true} : memref<8320xi32, #tpu.memory_space<vmem>>[vector<16xi32>], vector<16xi32>, vector<16xi1>
      } {sc.loop_unroll_factor = 2 : i64, sc.parallel_access}
      %broadcast_in_dim3A_288 = arith.constant 0 : i32
      %broadcast_in_dim3A_289 = vector.broadcast %broadcast_in_dim3A_288 : i32 to vector<16xi32>
      %get3A_290 = arith.constant 48 : index
      %get3A_291 = tpu.vector_load %arg7[%get3A_290] {strides = array<i32>} : memref<8320xi32, #tpu.memory_space<vmem>>, vector<16xi32>,
      %add3A_292 = arith.addi %broadcast_in_dim3A_289, %get3A_291 : vector<16xi32>
      %get3A_293 = arith.constant 113 : index
      %get3A_294 = tpu.vector_load %arg7[%get3A_293] {strides = array<i32>} : memref<8320xi32, #tpu.memory_space<vmem>>, vector<16xi32>,
      %add3A_295 = arith.addi %add3A_292, %get3A_294 : vector<16xi32>
      %get3A_296 = arith.constant 178 : index
      %get3A_297 = tpu.vector_load %arg7[%get3A_296] {strides = array<i32>} : memref<8320xi32, #tpu.memory_space<vmem>>, vector<16xi32>,
      %add3A_298 = arith.addi %add3A_295, %get3A_297 : vector<16xi32>
      %get3A_299 = arith.constant 243 : index
      %get3A_300 = tpu.vector_load %arg7[%get3A_299] {strides = array<i32>} : memref<8320xi32, #tpu.memory_space<vmem>>, vector<16xi32>,
      %add3A_301 = arith.addi %add3A_298, %get3A_300 : vector<16xi32>
      %get3A_302 = arith.constant 308 : index
      %get3A_303 = tpu.vector_load %arg7[%get3A_302] {strides = array<i32>} : memref<8320xi32, #tpu.memory_space<vmem>>, vector<16xi32>,
      %add3A_304 = arith.addi %add3A_301, %get3A_303 : vector<16xi32>
      %get3A_305 = arith.constant 373 : index
      %get3A_306 = tpu.vector_load %arg7[%get3A_305] {strides = array<i32>} : memref<8320xi32, #tpu.memory_space<vmem>>, vector<16xi32>,
      %add3A_307 = arith.addi %add3A_304, %get3A_306 : vector<16xi32>
      %get3A_308 = arith.constant 438 : index
      %get3A_309 = tpu.vector_load %arg7[%get3A_308] {strides = array<i32>} : memref<8320xi32, #tpu.memory_space<vmem>>, vector<16xi32>,
      %add3A_310 = arith.addi %add3A_307, %get3A_309 : vector<16xi32>
      %get3A_311 = arith.constant 503 : index
      %get3A_312 = tpu.vector_load %arg7[%get3A_311] {strides = array<i32>} : memref<8320xi32, #tpu.memory_space<vmem>>, vector<16xi32>,
      %add3A_313 = arith.addi %add3A_310, %get3A_312 : vector<16xi32>
      %get3A_314 = arith.constant 568 : index
      %get3A_315 = tpu.vector_load %arg7[%get3A_314] {strides = array<i32>} : memref<8320xi32, #tpu.memory_space<vmem>>, vector<16xi32>,
      %add3A_316 = arith.addi %add3A_313, %get3A_315 : vector<16xi32>
      %get3A_317 = arith.constant 633 : index
      %get3A_318 = tpu.vector_load %arg7[%get3A_317] {strides = array<i32>} : memref<8320xi32, #tpu.memory_space<vmem>>, vector<16xi32>,
      %add3A_319 = arith.addi %add3A_316, %get3A_318 : vector<16xi32>
      %get3A_320 = arith.constant 698 : index
      %get3A_321 = tpu.vector_load %arg7[%get3A_320] {strides = array<i32>} : memref<8320xi32, #tpu.memory_space<vmem>>, vector<16xi32>,
      %add3A_322 = arith.addi %add3A_319, %get3A_321 : vector<16xi32>
      %get3A_323 = arith.constant 763 : index
      %get3A_324 = tpu.vector_load %arg7[%get3A_323] {strides = array<i32>} : memref<8320xi32, #tpu.memory_space<vmem>>, vector<16xi32>,
      %add3A_325 = arith.addi %add3A_322, %get3A_324 : vector<16xi32>
      %get3A_326 = arith.constant 828 : index
      %get3A_327 = tpu.vector_load %arg7[%get3A_326] {strides = array<i32>} : memref<8320xi32, #tpu.memory_space<vmem>>, vector<16xi32>,
      %add3A_328 = arith.addi %add3A_325, %get3A_327 : vector<16xi32>
      %get3A_329 = arith.constant 893 : index
      %get3A_330 = tpu.vector_load %arg7[%get3A_329] {strides = array<i32>} : memref<8320xi32, #tpu.memory_space<vmem>>, vector<16xi32>,
      %add3A_331 = arith.addi %add3A_328, %get3A_330 : vector<16xi32>
      %get3A_332 = arith.constant 958 : index
      %get3A_333 = tpu.vector_load %arg7[%get3A_332] {strides = array<i32>} : memref<8320xi32, #tpu.memory_space<vmem>>, vector<16xi32>,
      %add3A_334 = arith.addi %add3A_331, %get3A_333 : vector<16xi32>
      %get3A_335 = arith.constant 1023 : index
      %get3A_336 = tpu.vector_load %arg7[%get3A_335] {strides = array<i32>} : memref<8320xi32, #tpu.memory_space<vmem>>, vector<16xi32>,
      %add3A_337 = arith.addi %add3A_334, %get3A_336 : vector<16xi32>
      %rev3A_338 = arith.constant 15 : i32
      %rev3A_339 = vector.broadcast %rev3A_338 : i32 to vector<16xi32>
      %rev3A_340 = tpu.iota {dimensions = array<i32: 0>} : vector<16xi32>
      %rev3A_341 = arith.subi %rev3A_339, %rev3A_340 : vector<16xi32>
      %rev3A_342 = tpu.dynamic_gather %add3A_337[%rev3A_341] in [0] : vector<16xi32>, vector<16xi32> -> vector<16xi32>
      %cumsum3A_343 = arith.constant true
      %cumsum3A_344 = vector.broadcast %cumsum3A_343 : i1 to vector<16xi1>
      %cumsum3A_345 = tpu.scan <sum>, %rev3A_342 masked %cumsum3A_344 : vector<16xi32>, vector<16xi1> -> vector<16xi32>
      %rev3A_346 = arith.constant 15 : i32
      %rev3A_347 = vector.broadcast %rev3A_346 : i32 to vector<16xi32>
      %rev3A_348 = tpu.iota {dimensions = array<i32: 0>} : vector<16xi32>
      %rev3A_349 = arith.subi %rev3A_347, %rev3A_348 : vector<16xi32>
      %rev3A_350 = tpu.dynamic_gather %cumsum3A_345[%rev3A_349] in [0] : vector<16xi32>, vector<16xi32> -> vector<16xi32>
      %add3A_351 = arith.constant 0 : i32
      %add3A_352 = vector.broadcast %add3A_351 : i32 to vector<16xi32>
      %add3A_353 = arith.addi %rev3A_350, %add3A_352 : vector<16xi32>
      %sub3A_354 = arith.subi %add3A_353, %add3A_337 : vector<16xi32>
      %lt3A_355 = vector.broadcast %sub3A_269 : i32 to vector<16xi32>
      %lt3A_356 = arith.cmpi slt, %sub3A_354, %lt3A_355 : vector<16xi32>
      %ge3A_357 = vector.broadcast %sub3A_269 : i32 to vector<16xi32>
      %ge3A_358 = arith.cmpi sge, %add3A_353, %ge3A_357 : vector<16xi32>
      %and3A_359 = arith.andi %lt3A_356, %ge3A_358 : vector<16xi1>
      %add3A_360 = arith.constant 48 : i32
      %add3A_361 = vector.broadcast %add3A_360 : i32 to vector<16xi32>
      %add3A_362 = arith.addi %add3A_361, %iota3A : vector<16xi32>
      %jit3A_363 = arith.constant -1 : i32
      %broadcast_in_dim3A_364 = vector.broadcast %jit3A_363 : i32 to vector<16xi32>
      %select_n3A_365 = arith.select %and3A_359, %add3A_362, %broadcast_in_dim3A_364 : vector<16xi1>, vector<16xi32>
      %reduce_max3A_366 = arith.constant true
      %reduce_max3A_367 = vector.broadcast %reduce_max3A_366 : i1 to vector<16xi1>
      %reduce_max3A_368 = arith.constant -2147483648 : i32
      %reduce_max3A_369 = vector.broadcast %reduce_max3A_368 : i32 to vector<16xi32>
      %reduce_max3A_370 = arith.xori %select_n3A_365, %reduce_max3A_369 : vector<16xi32>
      %reduce_max3A_371 = tpu.scan <max>, %reduce_max3A_370 masked %reduce_max3A_367 : vector<16xi32>, vector<16xi1> -> vector<16xi32>
      %reduce_max3A_372 = arith.xori %reduce_max3A_371, %reduce_max3A_369 : vector<16xi32>
      %reduce_max3A_373 = vector.extract %reduce_max3A_372[15] : i32 from vector<16xi32>
      %jit3A_374 = arith.constant 0 : i32
      %broadcast_in_dim3A_375 = vector.broadcast %jit3A_374 : i32 to vector<16xi32>
      %select_n3A_376 = arith.select %and3A_359, %sub3A_354, %broadcast_in_dim3A_375 : vector<16xi1>, vector<16xi32>
      %reduce_max3A_377 = arith.constant true
      %reduce_max3A_378 = vector.broadcast %reduce_max3A_377 : i1 to vector<16xi1>
      %reduce_max3A_379 = arith.constant -2147483648 : i32
      %reduce_max3A_380 = vector.broadcast %reduce_max3A_379 : i32 to vector<16xi32>
      %reduce_max3A_381 = arith.xori %select_n3A_376, %reduce_max3A_380 : vector<16xi32>
      %reduce_max3A_382 = tpu.scan <max>, %reduce_max3A_381 masked %reduce_max3A_378 : vector<16xi32>, vector<16xi1> -> vector<16xi32>
      %reduce_max3A_383 = arith.xori %reduce_max3A_382, %reduce_max3A_380 : vector<16xi32>
      %reduce_max3A_384 = vector.extract %reduce_max3A_383[15] : i32 from vector<16xi32>
      %reduce_sum3A_385 = arith.constant true
      %reduce_sum3A_386 = vector.broadcast %reduce_sum3A_385 : i1 to vector<16xi1>
      %reduce_sum3A_387 = tpu.scan <sum>, %add3A_337 masked %reduce_sum3A_386 : vector<16xi32>, vector<16xi1> -> vector<16xi32>
      %reduce_sum3A_388 = vector.extract %reduce_sum3A_387[15] : i32 from vector<16xi32>
      %ge3A_389 = arith.constant 0 : i32
      %ge3A_390 = arith.cmpi sge, %reduce_max3A_373, %ge3A_389 : i32
      %jit3A_391 = arith.constant -1 : i32
      %select_n3A_392 = arith.select %ge3A_390, %reduce_max3A_373, %jit3A_391 : i32
      %sub3A_393 = arith.subi %sub3A_269, %reduce_max3A_384 : i32
      %jit3A_394 = arith.constant -1 : i32
      %select_n3A_395 = arith.select %ge3A_390, %sub3A_393, %jit3A_394 : i32
      %add3A_396 = arith.constant 0 : i32
      %add3A_397 = arith.addi %add3A_396, %reduce_sum3A_388 : i32
      %broadcast_in_dim3A_398 = arith.constant 0 : i32
      %broadcast_in_dim3A_399 = vector.broadcast %broadcast_in_dim3A_398 : i32 to vector<16xi32>
      %get3A_400 = arith.constant 32 : index
      %get3A_401 = tpu.vector_load %arg7[%get3A_400] {strides = array<i32>} : memref<8320xi32, #tpu.memory_space<vmem>>, vector<16xi32>,
      %add3A_402 = arith.addi %broadcast_in_dim3A_399, %get3A_401 : vector<16xi32>
      %get3A_403 = arith.constant 97 : index
      %get3A_404 = tpu.vector_load %arg7[%get3A_403] {strides = array<i32>} : memref<8320xi32, #tpu.memory_space<vmem>>, vector<16xi32>,
      %add3A_405 = arith.addi %add3A_402, %get3A_404 : vector<16xi32>
      %get3A_406 = arith.constant 162 : index
      %get3A_407 = tpu.vector_load %arg7[%get3A_406] {strides = array<i32>} : memref<8320xi32, #tpu.memory_space<vmem>>, vector<16xi32>,
      %add3A_408 = arith.addi %add3A_405, %get3A_407 : vector<16xi32>
      %get3A_409 = arith.constant 227 : index
      %get3A_410 = tpu.vector_load %arg7[%get3A_409] {strides = array<i32>} : memref<8320xi32, #tpu.memory_space<vmem>>, vector<16xi32>,
      %add3A_411 = arith.addi %add3A_408, %get3A_410 : vector<16xi32>
      %get3A_412 = arith.constant 292 : index
      %get3A_413 = tpu.vector_load %arg7[%get3A_412] {strides = array<i32>} : memref<8320xi32, #tpu.memory_space<vmem>>, vector<16xi32>,
      %add3A_414 = arith.addi %add3A_411, %get3A_413 : vector<16xi32>
      %get3A_415 = arith.constant 357 : index
      %get3A_416 = tpu.vector_load %arg7[%get3A_415] {strides = array<i32>} : memref<8320xi32, #tpu.memory_space<vmem>>, vector<16xi32>,
      %add3A_417 = arith.addi %add3A_414, %get3A_416 : vector<16xi32>
      %get3A_418 = arith.constant 422 : index
      %get3A_419 = tpu.vector_load %arg7[%get3A_418] {strides = array<i32>} : memref<8320xi32, #tpu.memory_space<vmem>>, vector<16xi32>,
      %add3A_420 = arith.addi %add3A_417, %get3A_419 : vector<16xi32>
      %get3A_421 = arith.constant 487 : index
      %get3A_422 = tpu.vector_load %arg7[%get3A_421] {strides = array<i32>} : memref<8320xi32, #tpu.memory_space<vmem>>, vector<16xi32>,
      %add3A_423 = arith.addi %add3A_420, %get3A_422 : vector<16xi32>
      %get3A_424 = arith.constant 552 : index
      %get3A_425 = tpu.vector_load %arg7[%get3A_424] {strides = array<i32>} : memref<8320xi32, #tpu.memory_space<vmem>>, vector<16xi32>,
      %add3A_426 = arith.addi %add3A_423, %get3A_425 : vector<16xi32>
      %get3A_427 = arith.constant 617 : index
      %get3A_428 = tpu.vector_load %arg7[%get3A_427] {strides = array<i32>} : memref<8320xi32, #tpu.memory_space<vmem>>, vector<16xi32>,
      %add3A_429 = arith.addi %add3A_426, %get3A_428 : vector<16xi32>
      %get3A_430 = arith.constant 682 : index
      %get3A_431 = tpu.vector_load %arg7[%get3A_430] {strides = array<i32>} : memref<8320xi32, #tpu.memory_space<vmem>>, vector<16xi32>,
      %add3A_432 = arith.addi %add3A_429, %get3A_431 : vector<16xi32>
      %get3A_433 = arith.constant 747 : index
      %get3A_434 = tpu.vector_load %arg7[%get3A_433] {strides = array<i32>} : memref<8320xi32, #tpu.memory_space<vmem>>, vector<16xi32>,
      %add3A_435 = arith.addi %add3A_432, %get3A_434 : vector<16xi32>
      %get3A_436 = arith.constant 812 : index
      %get3A_437 = tpu.vector_load %arg7[%get3A_436] {strides = array<i32>} : memref<8320xi32, #tpu.memory_space<vmem>>, vector<16xi32>,
      %add3A_438 = arith.addi %add3A_435, %get3A_437 : vector<16xi32>
      %get3A_439 = arith.constant 877 : index
      %get3A_440 = tpu.vector_load %arg7[%get3A_439] {strides = array<i32>} : memref<8320xi32, #tpu.memory_space<vmem>>, vector<16xi32>,
      %add3A_441 = arith.addi %add3A_438, %get3A_440 : vector<16xi32>
      %get3A_442 = arith.constant 942 : index
      %get3A_443 = tpu.vector_load %arg7[%get3A_442] {strides = array<i32>} : memref<8320xi32, #tpu.memory_space<vmem>>, vector<16xi32>,
      %add3A_444 = arith.addi %add3A_441, %get3A_443 : vector<16xi32>
      %get3A_445 = arith.constant 1007 : index
      %get3A_446 = tpu.vector_load %arg7[%get3A_445] {strides = array<i32>} : memref<8320xi32, #tpu.memory_space<vmem>>, vector<16xi32>,
      %add3A_447 = arith.addi %add3A_444, %get3A_446 : vector<16xi32>
      %rev3A_448 = arith.constant 15 : i32
      %rev3A_449 = vector.broadcast %rev3A_448 : i32 to vector<16xi32>
      %rev3A_450 = tpu.iota {dimensions = array<i32: 0>} : vector<16xi32>
      %rev3A_451 = arith.subi %rev3A_449, %rev3A_450 : vector<16xi32>
      %rev3A_452 = tpu.dynamic_gather %add3A_447[%rev3A_451] in [0] : vector<16xi32>, vector<16xi32> -> vector<16xi32>
      %cumsum3A_453 = arith.constant true
      %cumsum3A_454 = vector.broadcast %cumsum3A_453 : i1 to vector<16xi1>
      %cumsum3A_455 = tpu.scan <sum>, %rev3A_452 masked %cumsum3A_454 : vector<16xi32>, vector<16xi1> -> vector<16xi32>
      %rev3A_456 = arith.constant 15 : i32
      %rev3A_457 = vector.broadcast %rev3A_456 : i32 to vector<16xi32>
      %rev3A_458 = tpu.iota {dimensions = array<i32: 0>} : vector<16xi32>
      %rev3A_459 = arith.subi %rev3A_457, %rev3A_458 : vector<16xi32>
      %rev3A_460 = tpu.dynamic_gather %cumsum3A_455[%rev3A_459] in [0] : vector<16xi32>, vector<16xi32> -> vector<16xi32>
      %add3A_461 = vector.broadcast %add3A_397 : i32 to vector<16xi32>
      %add3A_462 = arith.addi %rev3A_460, %add3A_461 : vector<16xi32>
      %sub3A_463 = arith.subi %add3A_462, %add3A_447 : vector<16xi32>
      %lt3A_464 = vector.broadcast %sub3A_269 : i32 to vector<16xi32>
      %lt3A_465 = arith.cmpi slt, %sub3A_463, %lt3A_464 : vector<16xi32>
      %ge3A_466 = vector.broadcast %sub3A_269 : i32 to vector<16xi32>
      %ge3A_467 = arith.cmpi sge, %add3A_462, %ge3A_466 : vector<16xi32>
      %and3A_468 = arith.andi %lt3A_465, %ge3A_467 : vector<16xi1>
      %add3A_469 = arith.constant 32 : i32
      %add3A_470 = vector.broadcast %add3A_469 : i32 to vector<16xi32>
      %add3A_471 = arith.addi %add3A_470, %iota3A : vector<16xi32>
      %jit3A_472 = arith.constant -1 : i32
      %broadcast_in_dim3A_473 = vector.broadcast %jit3A_472 : i32 to vector<16xi32>
      %select_n3A_474 = arith.select %and3A_468, %add3A_471, %broadcast_in_dim3A_473 : vector<16xi1>, vector<16xi32>
      %reduce_max3A_475 = arith.constant true
      %reduce_max3A_476 = vector.broadcast %reduce_max3A_475 : i1 to vector<16xi1>
      %reduce_max3A_477 = arith.constant -2147483648 : i32
      %reduce_max3A_478 = vector.broadcast %reduce_max3A_477 : i32 to vector<16xi32>
      %reduce_max3A_479 = arith.xori %select_n3A_474, %reduce_max3A_478 : vector<16xi32>
      %reduce_max3A_480 = tpu.scan <max>, %reduce_max3A_479 masked %reduce_max3A_476 : vector<16xi32>, vector<16xi1> -> vector<16xi32>
      %reduce_max3A_481 = arith.xori %reduce_max3A_480, %reduce_max3A_478 : vector<16xi32>
      %reduce_max3A_482 = vector.extract %reduce_max3A_481[15] : i32 from vector<16xi32>
      %jit3A_483 = arith.constant 0 : i32
      %broadcast_in_dim3A_484 = vector.broadcast %jit3A_483 : i32 to vector<16xi32>
      %select_n3A_485 = arith.select %and3A_468, %sub3A_463, %broadcast_in_dim3A_484 : vector<16xi1>, vector<16xi32>
      %reduce_max3A_486 = arith.constant true
      %reduce_max3A_487 = vector.broadcast %reduce_max3A_486 : i1 to vector<16xi1>
      %reduce_max3A_488 = arith.constant -2147483648 : i32
      %reduce_max3A_489 = vector.broadcast %reduce_max3A_488 : i32 to vector<16xi32>
      %reduce_max3A_490 = arith.xori %select_n3A_485, %reduce_max3A_489 : vector<16xi32>
      %reduce_max3A_491 = tpu.scan <max>, %reduce_max3A_490 masked %reduce_max3A_487 : vector<16xi32>, vector<16xi1> -> vector<16xi32>
      %reduce_max3A_492 = arith.xori %reduce_max3A_491, %reduce_max3A_489 : vector<16xi32>
      %reduce_max3A_493 = vector.extract %reduce_max3A_492[15] : i32 from vector<16xi32>
      %reduce_sum3A_494 = arith.constant true
      %reduce_sum3A_495 = vector.broadcast %reduce_sum3A_494 : i1 to vector<16xi1>
      %reduce_sum3A_496 = tpu.scan <sum>, %add3A_447 masked %reduce_sum3A_495 : vector<16xi32>, vector<16xi1> -> vector<16xi32>
      %reduce_sum3A_497 = vector.extract %reduce_sum3A_496[15] : i32 from vector<16xi32>
      %ge3A_498 = arith.constant 0 : i32
      %ge3A_499 = arith.cmpi sge, %reduce_max3A_482, %ge3A_498 : i32
      %select_n3A_500 = arith.select %ge3A_499, %reduce_max3A_482, %select_n3A_392 : i32
      %sub3A_501 = arith.subi %sub3A_269, %reduce_max3A_493 : i32
      %select_n3A_502 = arith.select %ge3A_499, %sub3A_501, %select_n3A_395 : i32
      %add3A_503 = arith.addi %add3A_397, %reduce_sum3A_497 : i32
      %broadcast_in_dim3A_504 = arith.constant 0 : i32
      %broadcast_in_dim3A_505 = vector.broadcast %broadcast_in_dim3A_504 : i32 to vector<16xi32>
      %get3A_506 = arith.constant 16 : index
      %get3A_507 = tpu.vector_load %arg7[%get3A_506] {strides = array<i32>} : memref<8320xi32, #tpu.memory_space<vmem>>, vector<16xi32>,
      %add3A_508 = arith.addi %broadcast_in_dim3A_505, %get3A_507 : vector<16xi32>
      %get3A_509 = arith.constant 81 : index
      %get3A_510 = tpu.vector_load %arg7[%get3A_509] {strides = array<i32>} : memref<8320xi32, #tpu.memory_space<vmem>>, vector<16xi32>,
      %add3A_511 = arith.addi %add3A_508, %get3A_510 : vector<16xi32>
      %get3A_512 = arith.constant 146 : index
      %get3A_513 = tpu.vector_load %arg7[%get3A_512] {strides = array<i32>} : memref<8320xi32, #tpu.memory_space<vmem>>, vector<16xi32>,
      %add3A_514 = arith.addi %add3A_511, %get3A_513 : vector<16xi32>
      %get3A_515 = arith.constant 211 : index
      %get3A_516 = tpu.vector_load %arg7[%get3A_515] {strides = array<i32>} : memref<8320xi32, #tpu.memory_space<vmem>>, vector<16xi32>,
      %add3A_517 = arith.addi %add3A_514, %get3A_516 : vector<16xi32>
      %get3A_518 = arith.constant 276 : index
      %get3A_519 = tpu.vector_load %arg7[%get3A_518] {strides = array<i32>} : memref<8320xi32, #tpu.memory_space<vmem>>, vector<16xi32>,
      %add3A_520 = arith.addi %add3A_517, %get3A_519 : vector<16xi32>
      %get3A_521 = arith.constant 341 : index
      %get3A_522 = tpu.vector_load %arg7[%get3A_521] {strides = array<i32>} : memref<8320xi32, #tpu.memory_space<vmem>>, vector<16xi32>,
      %add3A_523 = arith.addi %add3A_520, %get3A_522 : vector<16xi32>
      %get3A_524 = arith.constant 406 : index
      %get3A_525 = tpu.vector_load %arg7[%get3A_524] {strides = array<i32>} : memref<8320xi32, #tpu.memory_space<vmem>>, vector<16xi32>,
      %add3A_526 = arith.addi %add3A_523, %get3A_525 : vector<16xi32>
      %get3A_527 = arith.constant 471 : index
      %get3A_528 = tpu.vector_load %arg7[%get3A_527] {strides = array<i32>} : memref<8320xi32, #tpu.memory_space<vmem>>, vector<16xi32>,
      %add3A_529 = arith.addi %add3A_526, %get3A_528 : vector<16xi32>
      %get3A_530 = arith.constant 536 : index
      %get3A_531 = tpu.vector_load %arg7[%get3A_530] {strides = array<i32>} : memref<8320xi32, #tpu.memory_space<vmem>>, vector<16xi32>,
      %add3A_532 = arith.addi %add3A_529, %get3A_531 : vector<16xi32>
      %get3A_533 = arith.constant 601 : index
      %get3A_534 = tpu.vector_load %arg7[%get3A_533] {strides = array<i32>} : memref<8320xi32, #tpu.memory_space<vmem>>, vector<16xi32>,
      %add3A_535 = arith.addi %add3A_532, %get3A_534 : vector<16xi32>
      %get3A_536 = arith.constant 666 : index
      %get3A_537 = tpu.vector_load %arg7[%get3A_536] {strides = array<i32>} : memref<8320xi32, #tpu.memory_space<vmem>>, vector<16xi32>,
      %add3A_538 = arith.addi %add3A_535, %get3A_537 : vector<16xi32>
      %get3A_539 = arith.constant 731 : index
      %get3A_540 = tpu.vector_load %arg7[%get3A_539] {strides = array<i32>} : memref<8320xi32, #tpu.memory_space<vmem>>, vector<16xi32>,
      %add3A_541 = arith.addi %add3A_538, %get3A_540 : vector<16xi32>
      %get3A_542 = arith.constant 796 : index
      %get3A_543 = tpu.vector_load %arg7[%get3A_542] {strides = array<i32>} : memref<8320xi32, #tpu.memory_space<vmem>>, vector<16xi32>,
      %add3A_544 = arith.addi %add3A_541, %get3A_543 : vector<16xi32>
      %get3A_545 = arith.constant 861 : index
      %get3A_546 = tpu.vector_load %arg7[%get3A_545] {strides = array<i32>} : memref<8320xi32, #tpu.memory_space<vmem>>, vector<16xi32>,
      %add3A_547 = arith.addi %add3A_544, %get3A_546 : vector<16xi32>
      %get3A_548 = arith.constant 926 : index
      %get3A_549 = tpu.vector_load %arg7[%get3A_548] {strides = array<i32>} : memref<8320xi32, #tpu.memory_space<vmem>>, vector<16xi32>,
      %add3A_550 = arith.addi %add3A_547, %get3A_549 : vector<16xi32>
      %get3A_551 = arith.constant 991 : index
      %get3A_552 = tpu.vector_load %arg7[%get3A_551] {strides = array<i32>} : memref<8320xi32, #tpu.memory_space<vmem>>, vector<16xi32>,
      %add3A_553 = arith.addi %add3A_550, %get3A_552 : vector<16xi32>
      %rev3A_554 = arith.constant 15 : i32
      %rev3A_555 = vector.broadcast %rev3A_554 : i32 to vector<16xi32>
      %rev3A_556 = tpu.iota {dimensions = array<i32: 0>} : vector<16xi32>
      %rev3A_557 = arith.subi %rev3A_555, %rev3A_556 : vector<16xi32>
      %rev3A_558 = tpu.dynamic_gather %add3A_553[%rev3A_557] in [0] : vector<16xi32>, vector<16xi32> -> vector<16xi32>
      %cumsum3A_559 = arith.constant true
      %cumsum3A_560 = vector.broadcast %cumsum3A_559 : i1 to vector<16xi1>
      %cumsum3A_561 = tpu.scan <sum>, %rev3A_558 masked %cumsum3A_560 : vector<16xi32>, vector<16xi1> -> vector<16xi32>
      %rev3A_562 = arith.constant 15 : i32
      %rev3A_563 = vector.broadcast %rev3A_562 : i32 to vector<16xi32>
      %rev3A_564 = tpu.iota {dimensions = array<i32: 0>} : vector<16xi32>
      %rev3A_565 = arith.subi %rev3A_563, %rev3A_564 : vector<16xi32>
      %rev3A_566 = tpu.dynamic_gather %cumsum3A_561[%rev3A_565] in [0] : vector<16xi32>, vector<16xi32> -> vector<16xi32>
      %add3A_567 = vector.broadcast %add3A_503 : i32 to vector<16xi32>
      %add3A_568 = arith.addi %rev3A_566, %add3A_567 : vector<16xi32>
      %sub3A_569 = arith.subi %add3A_568, %add3A_553 : vector<16xi32>
      %lt3A_570 = vector.broadcast %sub3A_269 : i32 to vector<16xi32>
      %lt3A_571 = arith.cmpi slt, %sub3A_569, %lt3A_570 : vector<16xi32>
      %ge3A_572 = vector.broadcast %sub3A_269 : i32 to vector<16xi32>
      %ge3A_573 = arith.cmpi sge, %add3A_568, %ge3A_572 : vector<16xi32>
      %and3A_574 = arith.andi %lt3A_571, %ge3A_573 : vector<16xi1>
      %add3A_575 = arith.constant 16 : i32
      %add3A_576 = vector.broadcast %add3A_575 : i32 to vector<16xi32>
      %add3A_577 = arith.addi %add3A_576, %iota3A : vector<16xi32>
      %jit3A_578 = arith.constant -1 : i32
      %broadcast_in_dim3A_579 = vector.broadcast %jit3A_578 : i32 to vector<16xi32>
      %select_n3A_580 = arith.select %and3A_574, %add3A_577, %broadcast_in_dim3A_579 : vector<16xi1>, vector<16xi32>
      %reduce_max3A_581 = arith.constant true
      %reduce_max3A_582 = vector.broadcast %reduce_max3A_581 : i1 to vector<16xi1>
      %reduce_max3A_583 = arith.constant -2147483648 : i32
      %reduce_max3A_584 = vector.broadcast %reduce_max3A_583 : i32 to vector<16xi32>
      %reduce_max3A_585 = arith.xori %select_n3A_580, %reduce_max3A_584 : vector<16xi32>
      %reduce_max3A_586 = tpu.scan <max>, %reduce_max3A_585 masked %reduce_max3A_582 : vector<16xi32>, vector<16xi1> -> vector<16xi32>
      %reduce_max3A_587 = arith.xori %reduce_max3A_586, %reduce_max3A_584 : vector<16xi32>
      %reduce_max3A_588 = vector.extract %reduce_max3A_587[15] : i32 from vector<16xi32>
      %jit3A_589 = arith.constant 0 : i32
      %broadcast_in_dim3A_590 = vector.broadcast %jit3A_589 : i32 to vector<16xi32>
      %select_n3A_591 = arith.select %and3A_574, %sub3A_569, %broadcast_in_dim3A_590 : vector<16xi1>, vector<16xi32>
      %reduce_max3A_592 = arith.constant true
      %reduce_max3A_593 = vector.broadcast %reduce_max3A_592 : i1 to vector<16xi1>
      %reduce_max3A_594 = arith.constant -2147483648 : i32
      %reduce_max3A_595 = vector.broadcast %reduce_max3A_594 : i32 to vector<16xi32>
      %reduce_max3A_596 = arith.xori %select_n3A_591, %reduce_max3A_595 : vector<16xi32>
      %reduce_max3A_597 = tpu.scan <max>, %reduce_max3A_596 masked %reduce_max3A_593 : vector<16xi32>, vector<16xi1> -> vector<16xi32>
      %reduce_max3A_598 = arith.xori %reduce_max3A_597, %reduce_max3A_595 : vector<16xi32>
      %reduce_max3A_599 = vector.extract %reduce_max3A_598[15] : i32 from vector<16xi32>
      %reduce_sum3A_600 = arith.constant true
      %reduce_sum3A_601 = vector.broadcast %reduce_sum3A_600 : i1 to vector<16xi1>
      %reduce_sum3A_602 = tpu.scan <sum>, %add3A_553 masked %reduce_sum3A_601 : vector<16xi32>, vector<16xi1> -> vector<16xi32>
      %reduce_sum3A_603 = vector.extract %reduce_sum3A_602[15] : i32 from vector<16xi32>
      %ge3A_604 = arith.constant 0 : i32
      %ge3A_605 = arith.cmpi sge, %reduce_max3A_588, %ge3A_604 : i32
      %select_n3A_606 = arith.select %ge3A_605, %reduce_max3A_588, %select_n3A_500 : i32
      %sub3A_607 = arith.subi %sub3A_269, %reduce_max3A_599 : i32
      %select_n3A_608 = arith.select %ge3A_605, %sub3A_607, %select_n3A_502 : i32
      %add3A_609 = arith.addi %add3A_503, %reduce_sum3A_603 : i32
      %broadcast_in_dim3A_610 = arith.constant 0 : i32
      %broadcast_in_dim3A_611 = vector.broadcast %broadcast_in_dim3A_610 : i32 to vector<16xi32>
      %get3A_612 = arith.constant 0 : index
      %get3A_613 = tpu.vector_load %arg7[%get3A_612] {strides = array<i32>} : memref<8320xi32, #tpu.memory_space<vmem>>, vector<16xi32>,
      %add3A_614 = arith.addi %broadcast_in_dim3A_611, %get3A_613 : vector<16xi32>
      %get3A_615 = arith.constant 65 : index
      %get3A_616 = tpu.vector_load %arg7[%get3A_615] {strides = array<i32>} : memref<8320xi32, #tpu.memory_space<vmem>>, vector<16xi32>,
      %add3A_617 = arith.addi %add3A_614, %get3A_616 : vector<16xi32>
      %get3A_618 = arith.constant 130 : index
      %get3A_619 = tpu.vector_load %arg7[%get3A_618] {strides = array<i32>} : memref<8320xi32, #tpu.memory_space<vmem>>, vector<16xi32>,
      %add3A_620 = arith.addi %add3A_617, %get3A_619 : vector<16xi32>
      %get3A_621 = arith.constant 195 : index
      %get3A_622 = tpu.vector_load %arg7[%get3A_621] {strides = array<i32>} : memref<8320xi32, #tpu.memory_space<vmem>>, vector<16xi32>,
      %add3A_623 = arith.addi %add3A_620, %get3A_622 : vector<16xi32>
      %get3A_624 = arith.constant 260 : index
      %get3A_625 = tpu.vector_load %arg7[%get3A_624] {strides = array<i32>} : memref<8320xi32, #tpu.memory_space<vmem>>, vector<16xi32>,
      %add3A_626 = arith.addi %add3A_623, %get3A_625 : vector<16xi32>
      %get3A_627 = arith.constant 325 : index
      %get3A_628 = tpu.vector_load %arg7[%get3A_627] {strides = array<i32>} : memref<8320xi32, #tpu.memory_space<vmem>>, vector<16xi32>,
      %add3A_629 = arith.addi %add3A_626, %get3A_628 : vector<16xi32>
      %get3A_630 = arith.constant 390 : index
      %get3A_631 = tpu.vector_load %arg7[%get3A_630] {strides = array<i32>} : memref<8320xi32, #tpu.memory_space<vmem>>, vector<16xi32>,
      %add3A_632 = arith.addi %add3A_629, %get3A_631 : vector<16xi32>
      %get3A_633 = arith.constant 455 : index
      %get3A_634 = tpu.vector_load %arg7[%get3A_633] {strides = array<i32>} : memref<8320xi32, #tpu.memory_space<vmem>>, vector<16xi32>,
      %add3A_635 = arith.addi %add3A_632, %get3A_634 : vector<16xi32>
      %get3A_636 = arith.constant 520 : index
      %get3A_637 = tpu.vector_load %arg7[%get3A_636] {strides = array<i32>} : memref<8320xi32, #tpu.memory_space<vmem>>, vector<16xi32>,
      %add3A_638 = arith.addi %add3A_635, %get3A_637 : vector<16xi32>
      %get3A_639 = arith.constant 585 : index
      %get3A_640 = tpu.vector_load %arg7[%get3A_639] {strides = array<i32>} : memref<8320xi32, #tpu.memory_space<vmem>>, vector<16xi32>,
      %add3A_641 = arith.addi %add3A_638, %get3A_640 : vector<16xi32>
      %get3A_642 = arith.constant 650 : index
      %get3A_643 = tpu.vector_load %arg7[%get3A_642] {strides = array<i32>} : memref<8320xi32, #tpu.memory_space<vmem>>, vector<16xi32>,
      %add3A_644 = arith.addi %add3A_641, %get3A_643 : vector<16xi32>
      %get3A_645 = arith.constant 715 : index
      %get3A_646 = tpu.vector_load %arg7[%get3A_645] {strides = array<i32>} : memref<8320xi32, #tpu.memory_space<vmem>>, vector<16xi32>,
      %add3A_647 = arith.addi %add3A_644, %get3A_646 : vector<16xi32>
      %get3A_648 = arith.constant 780 : index
      %get3A_649 = tpu.vector_load %arg7[%get3A_648] {strides = array<i32>} : memref<8320xi32, #tpu.memory_space<vmem>>, vector<16xi32>,
      %add3A_650 = arith.addi %add3A_647, %get3A_649 : vector<16xi32>
      %get3A_651 = arith.constant 845 : index
      %get3A_652 = tpu.vector_load %arg7[%get3A_651] {strides = array<i32>} : memref<8320xi32, #tpu.memory_space<vmem>>, vector<16xi32>,
      %add3A_653 = arith.addi %add3A_650, %get3A_652 : vector<16xi32>
      %get3A_654 = arith.constant 910 : index
      %get3A_655 = tpu.vector_load %arg7[%get3A_654] {strides = array<i32>} : memref<8320xi32, #tpu.memory_space<vmem>>, vector<16xi32>,
      %add3A_656 = arith.addi %add3A_653, %get3A_655 : vector<16xi32>
      %get3A_657 = arith.constant 975 : index
      %get3A_658 = tpu.vector_load %arg7[%get3A_657] {strides = array<i32>} : memref<8320xi32, #tpu.memory_space<vmem>>, vector<16xi32>,
      %add3A_659 = arith.addi %add3A_656, %get3A_658 : vector<16xi32>
      %rev3A_660 = arith.constant 15 : i32
      %rev3A_661 = vector.broadcast %rev3A_660 : i32 to vector<16xi32>
      %rev3A_662 = tpu.iota {dimensions = array<i32: 0>} : vector<16xi32>
      %rev3A_663 = arith.subi %rev3A_661, %rev3A_662 : vector<16xi32>
      %rev3A_664 = tpu.dynamic_gather %add3A_659[%rev3A_663] in [0] : vector<16xi32>, vector<16xi32> -> vector<16xi32>
      %cumsum3A_665 = arith.constant true
      %cumsum3A_666 = vector.broadcast %cumsum3A_665 : i1 to vector<16xi1>
      %cumsum3A_667 = tpu.scan <sum>, %rev3A_664 masked %cumsum3A_666 : vector<16xi32>, vector<16xi1> -> vector<16xi32>
      %rev3A_668 = arith.constant 15 : i32
      %rev3A_669 = vector.broadcast %rev3A_668 : i32 to vector<16xi32>
      %rev3A_670 = tpu.iota {dimensions = array<i32: 0>} : vector<16xi32>
      %rev3A_671 = arith.subi %rev3A_669, %rev3A_670 : vector<16xi32>
      %rev3A_672 = tpu.dynamic_gather %cumsum3A_667[%rev3A_671] in [0] : vector<16xi32>, vector<16xi32> -> vector<16xi32>
      %add3A_673 = vector.broadcast %add3A_609 : i32 to vector<16xi32>
      %add3A_674 = arith.addi %rev3A_672, %add3A_673 : vector<16xi32>
      %sub3A_675 = arith.subi %add3A_674, %add3A_659 : vector<16xi32>
      %lt3A_676 = vector.broadcast %sub3A_269 : i32 to vector<16xi32>
      %lt3A_677 = arith.cmpi slt, %sub3A_675, %lt3A_676 : vector<16xi32>
      %ge3A_678 = vector.broadcast %sub3A_269 : i32 to vector<16xi32>
      %ge3A_679 = arith.cmpi sge, %add3A_674, %ge3A_678 : vector<16xi32>
      %and3A_680 = arith.andi %lt3A_677, %ge3A_679 : vector<16xi1>
      %add3A_681 = arith.constant 0 : i32
      %add3A_682 = vector.broadcast %add3A_681 : i32 to vector<16xi32>
      %add3A_683 = arith.addi %add3A_682, %iota3A : vector<16xi32>
      %jit3A_684 = arith.constant -1 : i32
      %broadcast_in_dim3A_685 = vector.broadcast %jit3A_684 : i32 to vector<16xi32>
      %select_n3A_686 = arith.select %and3A_680, %add3A_683, %broadcast_in_dim3A_685 : vector<16xi1>, vector<16xi32>
      %reduce_max3A_687 = arith.constant true
      %reduce_max3A_688 = vector.broadcast %reduce_max3A_687 : i1 to vector<16xi1>
      %reduce_max3A_689 = arith.constant -2147483648 : i32
      %reduce_max3A_690 = vector.broadcast %reduce_max3A_689 : i32 to vector<16xi32>
      %reduce_max3A_691 = arith.xori %select_n3A_686, %reduce_max3A_690 : vector<16xi32>
      %reduce_max3A_692 = tpu.scan <max>, %reduce_max3A_691 masked %reduce_max3A_688 : vector<16xi32>, vector<16xi1> -> vector<16xi32>
      %reduce_max3A_693 = arith.xori %reduce_max3A_692, %reduce_max3A_690 : vector<16xi32>
      %reduce_max3A_694 = vector.extract %reduce_max3A_693[15] : i32 from vector<16xi32>
      %jit3A_695 = arith.constant 0 : i32
      %broadcast_in_dim3A_696 = vector.broadcast %jit3A_695 : i32 to vector<16xi32>
      %select_n3A_697 = arith.select %and3A_680, %sub3A_675, %broadcast_in_dim3A_696 : vector<16xi1>, vector<16xi32>
      %reduce_max3A_698 = arith.constant true
      %reduce_max3A_699 = vector.broadcast %reduce_max3A_698 : i1 to vector<16xi1>
      %reduce_max3A_700 = arith.constant -2147483648 : i32
      %reduce_max3A_701 = vector.broadcast %reduce_max3A_700 : i32 to vector<16xi32>
      %reduce_max3A_702 = arith.xori %select_n3A_697, %reduce_max3A_701 : vector<16xi32>
      %reduce_max3A_703 = tpu.scan <max>, %reduce_max3A_702 masked %reduce_max3A_699 : vector<16xi32>, vector<16xi1> -> vector<16xi32>
      %reduce_max3A_704 = arith.xori %reduce_max3A_703, %reduce_max3A_701 : vector<16xi32>
      %reduce_max3A_705 = vector.extract %reduce_max3A_704[15] : i32 from vector<16xi32>
      %reduce_sum3A_706 = arith.constant true
      %reduce_sum3A_707 = vector.broadcast %reduce_sum3A_706 : i1 to vector<16xi1>
      %reduce_sum3A_708 = tpu.scan <sum>, %add3A_659 masked %reduce_sum3A_707 : vector<16xi32>, vector<16xi1> -> vector<16xi32>
      %reduce_sum3A_709 = vector.extract %reduce_sum3A_708[15] : i32 from vector<16xi32>
      %ge3A_710 = arith.constant 0 : i32
      %ge3A_711 = arith.cmpi sge, %reduce_max3A_694, %ge3A_710 : i32
      %select_n3A_712 = arith.select %ge3A_711, %reduce_max3A_694, %select_n3A_606 : i32
      %sub3A_713 = arith.subi %sub3A_269, %reduce_max3A_705 : i32
      %select_n3A_714 = arith.select %ge3A_711, %sub3A_713, %select_n3A_608 : i32
      %add3A_715 = arith.addi %add3A_609, %reduce_sum3A_709 : i32
      %shift_left3A = arith.constant 6 : i32
      %shift_left3A_716 = arith.shli %reduce_max3A_253, %shift_left3A : i32
      %or3A = arith.ori %shift_left3A_716, %select_n3A_712 : i32
      %parallel_loop3A_717 = arith.constant 0 : i32
      %parallel_loop3A_718 = arith.constant 1 : i32
      %parallel_loop3A_719 = arith.constant 16 : i32
      %parallel_loop3A_720 = arith.constant 0 : i32
      %parallel_loop3A_721 = scf.for %parallel_loop3A_1752 = %parallel_loop3A_717 to %shift_right_logical3A_283 step %parallel_loop3A_718 iter_args(%parallel_loop3A_1753 = %parallel_loop3A_720) -> (i32)  : i32 {
        %parallel_loop3A_1754 = arith.constant 16 : i32
        %parallel_loop3A_1755 = arith.muli %parallel_loop3A_1752, %parallel_loop3A_1754 : i32
        %parallel_loop3A_1756 = arith.index_cast %parallel_loop3A_1755 : i32 to index
        %parallel_loop3A_1757 = tpu.vector_load %arg5[%parallel_loop3A_1756] {strides = array<i32>} : memref<16512xi32, #tpu.memory_space<vmem>>, vector<16xi32>,
        %parallel_loop3A_1758 = vector.broadcast %parallel_loop3A_1755 : i32 to vector<16xi32>
        %parallel_loop3A_1759 = arith.addi %parallel_loop3A_1758, %iota3A : vector<16xi32>
        %parallel_loop3A_1760 = vector.broadcast %parallel_loop3A_274 : i32 to vector<16xi32>
        %parallel_loop3A_1761 = arith.cmpi slt, %parallel_loop3A_1759, %parallel_loop3A_1760 : vector<16xi32>
        %parallel_loop3A_1762 = vector.broadcast %parallel_loop3A_719 : i32 to vector<16xi32>
        %parallel_loop3A_1763 = arith.shrui %parallel_loop3A_1757, %parallel_loop3A_1762 : vector<16xi32>
        %parallel_loop3A_1764 = vector.broadcast %or3A : i32 to vector<16xi32>
        %parallel_loop3A_1765 = arith.cmpi eq, %parallel_loop3A_1763, %parallel_loop3A_1764 : vector<16xi32>
        %parallel_loop3A_1766 = arith.andi %parallel_loop3A_1765, %parallel_loop3A_1761 : vector<16xi1>
        %parallel_loop3A_1767 = arith.index_cast %parallel_loop3A_1753 : i32 to index
        %parallel_loop3A_1768 = tpu.vector_load %arg6[%parallel_loop3A_1767] masked %parallel_loop3A_1766 {strides = array<i32>} : memref<16512xi32, #tpu.memory_space<vmem>>, vector<16xi32>, vector<16xi1>
        tpu.vector_store %arg6[%parallel_loop3A_1767], %parallel_loop3A_1757 masked %parallel_loop3A_1766 {strides = array<i32>} : memref<16512xi32, #tpu.memory_space<vmem>>, vector<16xi32>, vector<16xi1>
        %parallel_loop3A_1769 = tpu.all_reduce %parallel_loop3A_1766 {dim = 0 : i64, kind = #tpu.reduction_kind<sum>} : vector<16xi1> -> vector<16xi32>
        %parallel_loop3A_1770 = vector.extract_strided_slice %parallel_loop3A_1769 {offsets = [0], sizes = [1], strides = [1]} : vector<16xi32> to vector<1xi32>
        %parallel_loop3A_1771 = vector.extract %parallel_loop3A_1770[0] : i32 from vector<1xi32>
        %parallel_loop3A_1772 = arith.addi %parallel_loop3A_1753, %parallel_loop3A_1771 : i32
        scf.yield %parallel_loop3A_1772 : i32
      } {sc.loop_unroll_factor = 2 : i64, sc.parallel_access}
      %parallel_loop3A_722 = arith.constant 0 : i32
      %parallel_loop3A_723 = arith.constant 65 : i32
      %parallel_loop3A_724 = arith.constant 1 : i32
      scf.for %parallel_loop3A_1752 = %parallel_loop3A_722 to %parallel_loop3A_723 step %parallel_loop3A_724  : i32 {
        %parallel_loop3A_1753 = arith.constant 0 : i32
        %parallel_loop3A_1754 = vector.broadcast %parallel_loop3A_1753 : i32 to vector<16xi32>
        %parallel_loop3A_1755 = arith.constant 16 : i32
        %parallel_loop3A_1756 = arith.muli %parallel_loop3A_1752, %parallel_loop3A_1755 : i32
        %parallel_loop3A_1757 = arith.index_cast %parallel_loop3A_1756 : i32 to index
        %parallel_loop3A_1758 = tpu.vector_load %arg7[%parallel_loop3A_1757] {strides = array<i32>} : memref<8320xi32, #tpu.memory_space<vmem>>, vector<16xi32>,
        tpu.vector_store %arg7[%parallel_loop3A_1757], %parallel_loop3A_1754 {strides = array<i32>} : memref<8320xi32, #tpu.memory_space<vmem>>, vector<16xi32>,
      } {sc.loop_unroll_factor = 8 : i64, sc.parallel_access}
      %mul3A_725 = arith.constant 65 : i32
      %mul3A_726 = vector.broadcast %mul3A_725 : i32 to vector<16xi32>
      %mul3A_727 = arith.muli %iota3A, %mul3A_726 : vector<16xi32>
      %add3A_728 = arith.constant 15 : i32
      %add3A_729 = arith.addi %parallel_loop3A_721, %add3A_728 : i32
      %shift_right_logical3A_730 = arith.constant 4 : i32
      %shift_right_logical3A_731 = arith.shrui %add3A_729, %shift_right_logical3A_730 : i32
      %parallel_loop3A_732 = arith.constant 0 : i32
      %parallel_loop3A_733 = arith.constant 1 : i32
      %parallel_loop3A_734 = arith.constant 10 : i32
      %parallel_loop3A_735 = arith.constant 63 : i32
      scf.for %parallel_loop3A_1752 = %parallel_loop3A_732 to %shift_right_logical3A_731 step %parallel_loop3A_733  : i32 {
        %parallel_loop3A_1753 = arith.constant 16 : i32
        %parallel_loop3A_1754 = arith.muli %parallel_loop3A_1752, %parallel_loop3A_1753 : i32
        %parallel_loop3A_1755 = arith.index_cast %parallel_loop3A_1754 : i32 to index
        %parallel_loop3A_1756 = tpu.vector_load %arg6[%parallel_loop3A_1755] {strides = array<i32>} : memref<16512xi32, #tpu.memory_space<vmem>>, vector<16xi32>,
        %parallel_loop3A_1757 = vector.broadcast %parallel_loop3A_1754 : i32 to vector<16xi32>
        %parallel_loop3A_1758 = arith.addi %parallel_loop3A_1757, %iota3A : vector<16xi32>
        %parallel_loop3A_1759 = vector.broadcast %parallel_loop3A_721 : i32 to vector<16xi32>
        %parallel_loop3A_1760 = arith.cmpi slt, %parallel_loop3A_1758, %parallel_loop3A_1759 : vector<16xi32>
        %parallel_loop3A_1761 = vector.broadcast %parallel_loop3A_734 : i32 to vector<16xi32>
        %parallel_loop3A_1762 = arith.shrui %parallel_loop3A_1756, %parallel_loop3A_1761 : vector<16xi32>
        %parallel_loop3A_1763 = vector.broadcast %parallel_loop3A_735 : i32 to vector<16xi32>
        %parallel_loop3A_1764 = arith.andi %parallel_loop3A_1762, %parallel_loop3A_1763 : vector<16xi32>
        %parallel_loop3A_1765 = arith.addi %mul3A_727, %parallel_loop3A_1764 : vector<16xi32>
        tpu.vector_store_idx %arg7[%parallel_loop3A_1765], %broadcast_in_dim3A_1 masked %parallel_loop3A_1760 {add = true} : memref<8320xi32, #tpu.memory_space<vmem>>[vector<16xi32>], vector<16xi32>, vector<16xi1>
      } {sc.loop_unroll_factor = 2 : i64, sc.parallel_access}
      %broadcast_in_dim3A_736 = arith.constant 0 : i32
      %broadcast_in_dim3A_737 = vector.broadcast %broadcast_in_dim3A_736 : i32 to vector<16xi32>
      %get3A_738 = arith.constant 48 : index
      %get3A_739 = tpu.vector_load %arg7[%get3A_738] {strides = array<i32>} : memref<8320xi32, #tpu.memory_space<vmem>>, vector<16xi32>,
      %add3A_740 = arith.addi %broadcast_in_dim3A_737, %get3A_739 : vector<16xi32>
      %get3A_741 = arith.constant 113 : index
      %get3A_742 = tpu.vector_load %arg7[%get3A_741] {strides = array<i32>} : memref<8320xi32, #tpu.memory_space<vmem>>, vector<16xi32>,
      %add3A_743 = arith.addi %add3A_740, %get3A_742 : vector<16xi32>
      %get3A_744 = arith.constant 178 : index
      %get3A_745 = tpu.vector_load %arg7[%get3A_744] {strides = array<i32>} : memref<8320xi32, #tpu.memory_space<vmem>>, vector<16xi32>,
      %add3A_746 = arith.addi %add3A_743, %get3A_745 : vector<16xi32>
      %get3A_747 = arith.constant 243 : index
      %get3A_748 = tpu.vector_load %arg7[%get3A_747] {strides = array<i32>} : memref<8320xi32, #tpu.memory_space<vmem>>, vector<16xi32>,
      %add3A_749 = arith.addi %add3A_746, %get3A_748 : vector<16xi32>
      %get3A_750 = arith.constant 308 : index
      %get3A_751 = tpu.vector_load %arg7[%get3A_750] {strides = array<i32>} : memref<8320xi32, #tpu.memory_space<vmem>>, vector<16xi32>,
      %add3A_752 = arith.addi %add3A_749, %get3A_751 : vector<16xi32>
      %get3A_753 = arith.constant 373 : index
      %get3A_754 = tpu.vector_load %arg7[%get3A_753] {strides = array<i32>} : memref<8320xi32, #tpu.memory_space<vmem>>, vector<16xi32>,
      %add3A_755 = arith.addi %add3A_752, %get3A_754 : vector<16xi32>
      %get3A_756 = arith.constant 438 : index
      %get3A_757 = tpu.vector_load %arg7[%get3A_756] {strides = array<i32>} : memref<8320xi32, #tpu.memory_space<vmem>>, vector<16xi32>,
      %add3A_758 = arith.addi %add3A_755, %get3A_757 : vector<16xi32>
      %get3A_759 = arith.constant 503 : index
      %get3A_760 = tpu.vector_load %arg7[%get3A_759] {strides = array<i32>} : memref<8320xi32, #tpu.memory_space<vmem>>, vector<16xi32>,
      %add3A_761 = arith.addi %add3A_758, %get3A_760 : vector<16xi32>
      %get3A_762 = arith.constant 568 : index
      %get3A_763 = tpu.vector_load %arg7[%get3A_762] {strides = array<i32>} : memref<8320xi32, #tpu.memory_space<vmem>>, vector<16xi32>,
      %add3A_764 = arith.addi %add3A_761, %get3A_763 : vector<16xi32>
      %get3A_765 = arith.constant 633 : index
      %get3A_766 = tpu.vector_load %arg7[%get3A_765] {strides = array<i32>} : memref<8320xi32, #tpu.memory_space<vmem>>, vector<16xi32>,
      %add3A_767 = arith.addi %add3A_764, %get3A_766 : vector<16xi32>
      %get3A_768 = arith.constant 698 : index
      %get3A_769 = tpu.vector_load %arg7[%get3A_768] {strides = array<i32>} : memref<8320xi32, #tpu.memory_space<vmem>>, vector<16xi32>,
      %add3A_770 = arith.addi %add3A_767, %get3A_769 : vector<16xi32>
      %get3A_771 = arith.constant 763 : index
      %get3A_772 = tpu.vector_load %arg7[%get3A_771] {strides = array<i32>} : memref<8320xi32, #tpu.memory_space<vmem>>, vector<16xi32>,
      %add3A_773 = arith.addi %add3A_770, %get3A_772 : vector<16xi32>
      %get3A_774 = arith.constant 828 : index
      %get3A_775 = tpu.vector_load %arg7[%get3A_774] {strides = array<i32>} : memref<8320xi32, #tpu.memory_space<vmem>>, vector<16xi32>,
      %add3A_776 = arith.addi %add3A_773, %get3A_775 : vector<16xi32>
      %get3A_777 = arith.constant 893 : index
      %get3A_778 = tpu.vector_load %arg7[%get3A_777] {strides = array<i32>} : memref<8320xi32, #tpu.memory_space<vmem>>, vector<16xi32>,
      %add3A_779 = arith.addi %add3A_776, %get3A_778 : vector<16xi32>
      %get3A_780 = arith.constant 958 : index
      %get3A_781 = tpu.vector_load %arg7[%get3A_780] {strides = array<i32>} : memref<8320xi32, #tpu.memory_space<vmem>>, vector<16xi32>,
      %add3A_782 = arith.addi %add3A_779, %get3A_781 : vector<16xi32>
      %get3A_783 = arith.constant 1023 : index
      %get3A_784 = tpu.vector_load %arg7[%get3A_783] {strides = array<i32>} : memref<8320xi32, #tpu.memory_space<vmem>>, vector<16xi32>,
      %add3A_785 = arith.addi %add3A_782, %get3A_784 : vector<16xi32>
      %rev3A_786 = arith.constant 15 : i32
      %rev3A_787 = vector.broadcast %rev3A_786 : i32 to vector<16xi32>
      %rev3A_788 = tpu.iota {dimensions = array<i32: 0>} : vector<16xi32>
      %rev3A_789 = arith.subi %rev3A_787, %rev3A_788 : vector<16xi32>
      %rev3A_790 = tpu.dynamic_gather %add3A_785[%rev3A_789] in [0] : vector<16xi32>, vector<16xi32> -> vector<16xi32>
      %cumsum3A_791 = arith.constant true
      %cumsum3A_792 = vector.broadcast %cumsum3A_791 : i1 to vector<16xi1>
      %cumsum3A_793 = tpu.scan <sum>, %rev3A_790 masked %cumsum3A_792 : vector<16xi32>, vector<16xi1> -> vector<16xi32>
      %rev3A_794 = arith.constant 15 : i32
      %rev3A_795 = vector.broadcast %rev3A_794 : i32 to vector<16xi32>
      %rev3A_796 = tpu.iota {dimensions = array<i32: 0>} : vector<16xi32>
      %rev3A_797 = arith.subi %rev3A_795, %rev3A_796 : vector<16xi32>
      %rev3A_798 = tpu.dynamic_gather %cumsum3A_793[%rev3A_797] in [0] : vector<16xi32>, vector<16xi32> -> vector<16xi32>
      %add3A_799 = arith.constant 0 : i32
      %add3A_800 = vector.broadcast %add3A_799 : i32 to vector<16xi32>
      %add3A_801 = arith.addi %rev3A_798, %add3A_800 : vector<16xi32>
      %sub3A_802 = arith.subi %add3A_801, %add3A_785 : vector<16xi32>
      %lt3A_803 = vector.broadcast %select_n3A_714 : i32 to vector<16xi32>
      %lt3A_804 = arith.cmpi slt, %sub3A_802, %lt3A_803 : vector<16xi32>
      %ge3A_805 = vector.broadcast %select_n3A_714 : i32 to vector<16xi32>
      %ge3A_806 = arith.cmpi sge, %add3A_801, %ge3A_805 : vector<16xi32>
      %and3A_807 = arith.andi %lt3A_804, %ge3A_806 : vector<16xi1>
      %add3A_808 = arith.constant 48 : i32
      %add3A_809 = vector.broadcast %add3A_808 : i32 to vector<16xi32>
      %add3A_810 = arith.addi %add3A_809, %iota3A : vector<16xi32>
      %jit3A_811 = arith.constant -1 : i32
      %broadcast_in_dim3A_812 = vector.broadcast %jit3A_811 : i32 to vector<16xi32>
      %select_n3A_813 = arith.select %and3A_807, %add3A_810, %broadcast_in_dim3A_812 : vector<16xi1>, vector<16xi32>
      %reduce_max3A_814 = arith.constant true
      %reduce_max3A_815 = vector.broadcast %reduce_max3A_814 : i1 to vector<16xi1>
      %reduce_max3A_816 = arith.constant -2147483648 : i32
      %reduce_max3A_817 = vector.broadcast %reduce_max3A_816 : i32 to vector<16xi32>
      %reduce_max3A_818 = arith.xori %select_n3A_813, %reduce_max3A_817 : vector<16xi32>
      %reduce_max3A_819 = tpu.scan <max>, %reduce_max3A_818 masked %reduce_max3A_815 : vector<16xi32>, vector<16xi1> -> vector<16xi32>
      %reduce_max3A_820 = arith.xori %reduce_max3A_819, %reduce_max3A_817 : vector<16xi32>
      %reduce_max3A_821 = vector.extract %reduce_max3A_820[15] : i32 from vector<16xi32>
      %jit3A_822 = arith.constant 0 : i32
      %broadcast_in_dim3A_823 = vector.broadcast %jit3A_822 : i32 to vector<16xi32>
      %select_n3A_824 = arith.select %and3A_807, %sub3A_802, %broadcast_in_dim3A_823 : vector<16xi1>, vector<16xi32>
      %reduce_max3A_825 = arith.constant true
      %reduce_max3A_826 = vector.broadcast %reduce_max3A_825 : i1 to vector<16xi1>
      %reduce_max3A_827 = arith.constant -2147483648 : i32
      %reduce_max3A_828 = vector.broadcast %reduce_max3A_827 : i32 to vector<16xi32>
      %reduce_max3A_829 = arith.xori %select_n3A_824, %reduce_max3A_828 : vector<16xi32>
      %reduce_max3A_830 = tpu.scan <max>, %reduce_max3A_829 masked %reduce_max3A_826 : vector<16xi32>, vector<16xi1> -> vector<16xi32>
      %reduce_max3A_831 = arith.xori %reduce_max3A_830, %reduce_max3A_828 : vector<16xi32>
      %reduce_max3A_832 = vector.extract %reduce_max3A_831[15] : i32 from vector<16xi32>
      %reduce_sum3A_833 = arith.constant true
      %reduce_sum3A_834 = vector.broadcast %reduce_sum3A_833 : i1 to vector<16xi1>
      %reduce_sum3A_835 = tpu.scan <sum>, %add3A_785 masked %reduce_sum3A_834 : vector<16xi32>, vector<16xi1> -> vector<16xi32>
      %reduce_sum3A_836 = vector.extract %reduce_sum3A_835[15] : i32 from vector<16xi32>
      %ge3A_837 = arith.constant 0 : i32
      %ge3A_838 = arith.cmpi sge, %reduce_max3A_821, %ge3A_837 : i32
      %jit3A_839 = arith.constant -1 : i32
      %select_n3A_840 = arith.select %ge3A_838, %reduce_max3A_821, %jit3A_839 : i32
      %sub3A_841 = arith.subi %select_n3A_714, %reduce_max3A_832 : i32
      %jit3A_842 = arith.constant -1 : i32
      %select_n3A_843 = arith.select %ge3A_838, %sub3A_841, %jit3A_842 : i32
      %add3A_844 = arith.constant 0 : i32
      %add3A_845 = arith.addi %add3A_844, %reduce_sum3A_836 : i32
      %broadcast_in_dim3A_846 = arith.constant 0 : i32
      %broadcast_in_dim3A_847 = vector.broadcast %broadcast_in_dim3A_846 : i32 to vector<16xi32>
      %get3A_848 = arith.constant 32 : index
      %get3A_849 = tpu.vector_load %arg7[%get3A_848] {strides = array<i32>} : memref<8320xi32, #tpu.memory_space<vmem>>, vector<16xi32>,
      %add3A_850 = arith.addi %broadcast_in_dim3A_847, %get3A_849 : vector<16xi32>
      %get3A_851 = arith.constant 97 : index
      %get3A_852 = tpu.vector_load %arg7[%get3A_851] {strides = array<i32>} : memref<8320xi32, #tpu.memory_space<vmem>>, vector<16xi32>,
      %add3A_853 = arith.addi %add3A_850, %get3A_852 : vector<16xi32>
      %get3A_854 = arith.constant 162 : index
      %get3A_855 = tpu.vector_load %arg7[%get3A_854] {strides = array<i32>} : memref<8320xi32, #tpu.memory_space<vmem>>, vector<16xi32>,
      %add3A_856 = arith.addi %add3A_853, %get3A_855 : vector<16xi32>
      %get3A_857 = arith.constant 227 : index
      %get3A_858 = tpu.vector_load %arg7[%get3A_857] {strides = array<i32>} : memref<8320xi32, #tpu.memory_space<vmem>>, vector<16xi32>,
      %add3A_859 = arith.addi %add3A_856, %get3A_858 : vector<16xi32>
      %get3A_860 = arith.constant 292 : index
      %get3A_861 = tpu.vector_load %arg7[%get3A_860] {strides = array<i32>} : memref<8320xi32, #tpu.memory_space<vmem>>, vector<16xi32>,
      %add3A_862 = arith.addi %add3A_859, %get3A_861 : vector<16xi32>
      %get3A_863 = arith.constant 357 : index
      %get3A_864 = tpu.vector_load %arg7[%get3A_863] {strides = array<i32>} : memref<8320xi32, #tpu.memory_space<vmem>>, vector<16xi32>,
      %add3A_865 = arith.addi %add3A_862, %get3A_864 : vector<16xi32>
      %get3A_866 = arith.constant 422 : index
      %get3A_867 = tpu.vector_load %arg7[%get3A_866] {strides = array<i32>} : memref<8320xi32, #tpu.memory_space<vmem>>, vector<16xi32>,
      %add3A_868 = arith.addi %add3A_865, %get3A_867 : vector<16xi32>
      %get3A_869 = arith.constant 487 : index
      %get3A_870 = tpu.vector_load %arg7[%get3A_869] {strides = array<i32>} : memref<8320xi32, #tpu.memory_space<vmem>>, vector<16xi32>,
      %add3A_871 = arith.addi %add3A_868, %get3A_870 : vector<16xi32>
      %get3A_872 = arith.constant 552 : index
      %get3A_873 = tpu.vector_load %arg7[%get3A_872] {strides = array<i32>} : memref<8320xi32, #tpu.memory_space<vmem>>, vector<16xi32>,
      %add3A_874 = arith.addi %add3A_871, %get3A_873 : vector<16xi32>
      %get3A_875 = arith.constant 617 : index
      %get3A_876 = tpu.vector_load %arg7[%get3A_875] {strides = array<i32>} : memref<8320xi32, #tpu.memory_space<vmem>>, vector<16xi32>,
      %add3A_877 = arith.addi %add3A_874, %get3A_876 : vector<16xi32>
      %get3A_878 = arith.constant 682 : index
      %get3A_879 = tpu.vector_load %arg7[%get3A_878] {strides = array<i32>} : memref<8320xi32, #tpu.memory_space<vmem>>, vector<16xi32>,
      %add3A_880 = arith.addi %add3A_877, %get3A_879 : vector<16xi32>
      %get3A_881 = arith.constant 747 : index
      %get3A_882 = tpu.vector_load %arg7[%get3A_881] {strides = array<i32>} : memref<8320xi32, #tpu.memory_space<vmem>>, vector<16xi32>,
      %add3A_883 = arith.addi %add3A_880, %get3A_882 : vector<16xi32>
      %get3A_884 = arith.constant 812 : index
      %get3A_885 = tpu.vector_load %arg7[%get3A_884] {strides = array<i32>} : memref<8320xi32, #tpu.memory_space<vmem>>, vector<16xi32>,
      %add3A_886 = arith.addi %add3A_883, %get3A_885 : vector<16xi32>
      %get3A_887 = arith.constant 877 : index
      %get3A_888 = tpu.vector_load %arg7[%get3A_887] {strides = array<i32>} : memref<8320xi32, #tpu.memory_space<vmem>>, vector<16xi32>,
      %add3A_889 = arith.addi %add3A_886, %get3A_888 : vector<16xi32>
      %get3A_890 = arith.constant 942 : index
      %get3A_891 = tpu.vector_load %arg7[%get3A_890] {strides = array<i32>} : memref<8320xi32, #tpu.memory_space<vmem>>, vector<16xi32>,
      %add3A_892 = arith.addi %add3A_889, %get3A_891 : vector<16xi32>
      %get3A_893 = arith.constant 1007 : index
      %get3A_894 = tpu.vector_load %arg7[%get3A_893] {strides = array<i32>} : memref<8320xi32, #tpu.memory_space<vmem>>, vector<16xi32>,
      %add3A_895 = arith.addi %add3A_892, %get3A_894 : vector<16xi32>
      %rev3A_896 = arith.constant 15 : i32
      %rev3A_897 = vector.broadcast %rev3A_896 : i32 to vector<16xi32>
      %rev3A_898 = tpu.iota {dimensions = array<i32: 0>} : vector<16xi32>
      %rev3A_899 = arith.subi %rev3A_897, %rev3A_898 : vector<16xi32>
      %rev3A_900 = tpu.dynamic_gather %add3A_895[%rev3A_899] in [0] : vector<16xi32>, vector<16xi32> -> vector<16xi32>
      %cumsum3A_901 = arith.constant true
      %cumsum3A_902 = vector.broadcast %cumsum3A_901 : i1 to vector<16xi1>
      %cumsum3A_903 = tpu.scan <sum>, %rev3A_900 masked %cumsum3A_902 : vector<16xi32>, vector<16xi1> -> vector<16xi32>
      %rev3A_904 = arith.constant 15 : i32
      %rev3A_905 = vector.broadcast %rev3A_904 : i32 to vector<16xi32>
      %rev3A_906 = tpu.iota {dimensions = array<i32: 0>} : vector<16xi32>
      %rev3A_907 = arith.subi %rev3A_905, %rev3A_906 : vector<16xi32>
      %rev3A_908 = tpu.dynamic_gather %cumsum3A_903[%rev3A_907] in [0] : vector<16xi32>, vector<16xi32> -> vector<16xi32>
      %add3A_909 = vector.broadcast %add3A_845 : i32 to vector<16xi32>
      %add3A_910 = arith.addi %rev3A_908, %add3A_909 : vector<16xi32>
      %sub3A_911 = arith.subi %add3A_910, %add3A_895 : vector<16xi32>
      %lt3A_912 = vector.broadcast %select_n3A_714 : i32 to vector<16xi32>
      %lt3A_913 = arith.cmpi slt, %sub3A_911, %lt3A_912 : vector<16xi32>
      %ge3A_914 = vector.broadcast %select_n3A_714 : i32 to vector<16xi32>
      %ge3A_915 = arith.cmpi sge, %add3A_910, %ge3A_914 : vector<16xi32>
      %and3A_916 = arith.andi %lt3A_913, %ge3A_915 : vector<16xi1>
      %add3A_917 = arith.constant 32 : i32
      %add3A_918 = vector.broadcast %add3A_917 : i32 to vector<16xi32>
      %add3A_919 = arith.addi %add3A_918, %iota3A : vector<16xi32>
      %jit3A_920 = arith.constant -1 : i32
      %broadcast_in_dim3A_921 = vector.broadcast %jit3A_920 : i32 to vector<16xi32>
      %select_n3A_922 = arith.select %and3A_916, %add3A_919, %broadcast_in_dim3A_921 : vector<16xi1>, vector<16xi32>
      %reduce_max3A_923 = arith.constant true
      %reduce_max3A_924 = vector.broadcast %reduce_max3A_923 : i1 to vector<16xi1>
      %reduce_max3A_925 = arith.constant -2147483648 : i32
      %reduce_max3A_926 = vector.broadcast %reduce_max3A_925 : i32 to vector<16xi32>
      %reduce_max3A_927 = arith.xori %select_n3A_922, %reduce_max3A_926 : vector<16xi32>
      %reduce_max3A_928 = tpu.scan <max>, %reduce_max3A_927 masked %reduce_max3A_924 : vector<16xi32>, vector<16xi1> -> vector<16xi32>
      %reduce_max3A_929 = arith.xori %reduce_max3A_928, %reduce_max3A_926 : vector<16xi32>
      %reduce_max3A_930 = vector.extract %reduce_max3A_929[15] : i32 from vector<16xi32>
      %jit3A_931 = arith.constant 0 : i32
      %broadcast_in_dim3A_932 = vector.broadcast %jit3A_931 : i32 to vector<16xi32>
      %select_n3A_933 = arith.select %and3A_916, %sub3A_911, %broadcast_in_dim3A_932 : vector<16xi1>, vector<16xi32>
      %reduce_max3A_934 = arith.constant true
      %reduce_max3A_935 = vector.broadcast %reduce_max3A_934 : i1 to vector<16xi1>
      %reduce_max3A_936 = arith.constant -2147483648 : i32
      %reduce_max3A_937 = vector.broadcast %reduce_max3A_936 : i32 to vector<16xi32>
      %reduce_max3A_938 = arith.xori %select_n3A_933, %reduce_max3A_937 : vector<16xi32>
      %reduce_max3A_939 = tpu.scan <max>, %reduce_max3A_938 masked %reduce_max3A_935 : vector<16xi32>, vector<16xi1> -> vector<16xi32>
      %reduce_max3A_940 = arith.xori %reduce_max3A_939, %reduce_max3A_937 : vector<16xi32>
      %reduce_max3A_941 = vector.extract %reduce_max3A_940[15] : i32 from vector<16xi32>
      %reduce_sum3A_942 = arith.constant true
      %reduce_sum3A_943 = vector.broadcast %reduce_sum3A_942 : i1 to vector<16xi1>
      %reduce_sum3A_944 = tpu.scan <sum>, %add3A_895 masked %reduce_sum3A_943 : vector<16xi32>, vector<16xi1> -> vector<16xi32>
      %reduce_sum3A_945 = vector.extract %reduce_sum3A_944[15] : i32 from vector<16xi32>
      %ge3A_946 = arith.constant 0 : i32
      %ge3A_947 = arith.cmpi sge, %reduce_max3A_930, %ge3A_946 : i32
      %select_n3A_948 = arith.select %ge3A_947, %reduce_max3A_930, %select_n3A_840 : i32
      %sub3A_949 = arith.subi %select_n3A_714, %reduce_max3A_941 : i32
      %select_n3A_950 = arith.select %ge3A_947, %sub3A_949, %select_n3A_843 : i32
      %add3A_951 = arith.addi %add3A_845, %reduce_sum3A_945 : i32
      %broadcast_in_dim3A_952 = arith.constant 0 : i32
      %broadcast_in_dim3A_953 = vector.broadcast %broadcast_in_dim3A_952 : i32 to vector<16xi32>
      %get3A_954 = arith.constant 16 : index
      %get3A_955 = tpu.vector_load %arg7[%get3A_954] {strides = array<i32>} : memref<8320xi32, #tpu.memory_space<vmem>>, vector<16xi32>,
      %add3A_956 = arith.addi %broadcast_in_dim3A_953, %get3A_955 : vector<16xi32>
      %get3A_957 = arith.constant 81 : index
      %get3A_958 = tpu.vector_load %arg7[%get3A_957] {strides = array<i32>} : memref<8320xi32, #tpu.memory_space<vmem>>, vector<16xi32>,
      %add3A_959 = arith.addi %add3A_956, %get3A_958 : vector<16xi32>
      %get3A_960 = arith.constant 146 : index
      %get3A_961 = tpu.vector_load %arg7[%get3A_960] {strides = array<i32>} : memref<8320xi32, #tpu.memory_space<vmem>>, vector<16xi32>,
      %add3A_962 = arith.addi %add3A_959, %get3A_961 : vector<16xi32>
      %get3A_963 = arith.constant 211 : index
      %get3A_964 = tpu.vector_load %arg7[%get3A_963] {strides = array<i32>} : memref<8320xi32, #tpu.memory_space<vmem>>, vector<16xi32>,
      %add3A_965 = arith.addi %add3A_962, %get3A_964 : vector<16xi32>
      %get3A_966 = arith.constant 276 : index
      %get3A_967 = tpu.vector_load %arg7[%get3A_966] {strides = array<i32>} : memref<8320xi32, #tpu.memory_space<vmem>>, vector<16xi32>,
      %add3A_968 = arith.addi %add3A_965, %get3A_967 : vector<16xi32>
      %get3A_969 = arith.constant 341 : index
      %get3A_970 = tpu.vector_load %arg7[%get3A_969] {strides = array<i32>} : memref<8320xi32, #tpu.memory_space<vmem>>, vector<16xi32>,
      %add3A_971 = arith.addi %add3A_968, %get3A_970 : vector<16xi32>
      %get3A_972 = arith.constant 406 : index
      %get3A_973 = tpu.vector_load %arg7[%get3A_972] {strides = array<i32>} : memref<8320xi32, #tpu.memory_space<vmem>>, vector<16xi32>,
      %add3A_974 = arith.addi %add3A_971, %get3A_973 : vector<16xi32>
      %get3A_975 = arith.constant 471 : index
      %get3A_976 = tpu.vector_load %arg7[%get3A_975] {strides = array<i32>} : memref<8320xi32, #tpu.memory_space<vmem>>, vector<16xi32>,
      %add3A_977 = arith.addi %add3A_974, %get3A_976 : vector<16xi32>
      %get3A_978 = arith.constant 536 : index
      %get3A_979 = tpu.vector_load %arg7[%get3A_978] {strides = array<i32>} : memref<8320xi32, #tpu.memory_space<vmem>>, vector<16xi32>,
      %add3A_980 = arith.addi %add3A_977, %get3A_979 : vector<16xi32>
      %get3A_981 = arith.constant 601 : index
      %get3A_982 = tpu.vector_load %arg7[%get3A_981] {strides = array<i32>} : memref<8320xi32, #tpu.memory_space<vmem>>, vector<16xi32>,
      %add3A_983 = arith.addi %add3A_980, %get3A_982 : vector<16xi32>
      %get3A_984 = arith.constant 666 : index
      %get3A_985 = tpu.vector_load %arg7[%get3A_984] {strides = array<i32>} : memref<8320xi32, #tpu.memory_space<vmem>>, vector<16xi32>,
      %add3A_986 = arith.addi %add3A_983, %get3A_985 : vector<16xi32>
      %get3A_987 = arith.constant 731 : index
      %get3A_988 = tpu.vector_load %arg7[%get3A_987] {strides = array<i32>} : memref<8320xi32, #tpu.memory_space<vmem>>, vector<16xi32>,
      %add3A_989 = arith.addi %add3A_986, %get3A_988 : vector<16xi32>
      %get3A_990 = arith.constant 796 : index
      %get3A_991 = tpu.vector_load %arg7[%get3A_990] {strides = array<i32>} : memref<8320xi32, #tpu.memory_space<vmem>>, vector<16xi32>,
      %add3A_992 = arith.addi %add3A_989, %get3A_991 : vector<16xi32>
      %get3A_993 = arith.constant 861 : index
      %get3A_994 = tpu.vector_load %arg7[%get3A_993] {strides = array<i32>} : memref<8320xi32, #tpu.memory_space<vmem>>, vector<16xi32>,
      %add3A_995 = arith.addi %add3A_992, %get3A_994 : vector<16xi32>
      %get3A_996 = arith.constant 926 : index
      %get3A_997 = tpu.vector_load %arg7[%get3A_996] {strides = array<i32>} : memref<8320xi32, #tpu.memory_space<vmem>>, vector<16xi32>,
      %add3A_998 = arith.addi %add3A_995, %get3A_997 : vector<16xi32>
      %get3A_999 = arith.constant 991 : index
      %get3A_1000 = tpu.vector_load %arg7[%get3A_999] {strides = array<i32>} : memref<8320xi32, #tpu.memory_space<vmem>>, vector<16xi32>,
      %add3A_1001 = arith.addi %add3A_998, %get3A_1000 : vector<16xi32>
      %rev3A_1002 = arith.constant 15 : i32
      %rev3A_1003 = vector.broadcast %rev3A_1002 : i32 to vector<16xi32>
      %rev3A_1004 = tpu.iota {dimensions = array<i32: 0>} : vector<16xi32>
      %rev3A_1005 = arith.subi %rev3A_1003, %rev3A_1004 : vector<16xi32>
      %rev3A_1006 = tpu.dynamic_gather %add3A_1001[%rev3A_1005] in [0] : vector<16xi32>, vector<16xi32> -> vector<16xi32>
      %cumsum3A_1007 = arith.constant true
      %cumsum3A_1008 = vector.broadcast %cumsum3A_1007 : i1 to vector<16xi1>
      %cumsum3A_1009 = tpu.scan <sum>, %rev3A_1006 masked %cumsum3A_1008 : vector<16xi32>, vector<16xi1> -> vector<16xi32>
      %rev3A_1010 = arith.constant 15 : i32
      %rev3A_1011 = vector.broadcast %rev3A_1010 : i32 to vector<16xi32>
      %rev3A_1012 = tpu.iota {dimensions = array<i32: 0>} : vector<16xi32>
      %rev3A_1013 = arith.subi %rev3A_1011, %rev3A_1012 : vector<16xi32>
      %rev3A_1014 = tpu.dynamic_gather %cumsum3A_1009[%rev3A_1013] in [0] : vector<16xi32>, vector<16xi32> -> vector<16xi32>
      %add3A_1015 = vector.broadcast %add3A_951 : i32 to vector<16xi32>
      %add3A_1016 = arith.addi %rev3A_1014, %add3A_1015 : vector<16xi32>
      %sub3A_1017 = arith.subi %add3A_1016, %add3A_1001 : vector<16xi32>
      %lt3A_1018 = vector.broadcast %select_n3A_714 : i32 to vector<16xi32>
      %lt3A_1019 = arith.cmpi slt, %sub3A_1017, %lt3A_1018 : vector<16xi32>
      %ge3A_1020 = vector.broadcast %select_n3A_714 : i32 to vector<16xi32>
      %ge3A_1021 = arith.cmpi sge, %add3A_1016, %ge3A_1020 : vector<16xi32>
      %and3A_1022 = arith.andi %lt3A_1019, %ge3A_1021 : vector<16xi1>
      %add3A_1023 = arith.constant 16 : i32
      %add3A_1024 = vector.broadcast %add3A_1023 : i32 to vector<16xi32>
      %add3A_1025 = arith.addi %add3A_1024, %iota3A : vector<16xi32>
      %jit3A_1026 = arith.constant -1 : i32
      %broadcast_in_dim3A_1027 = vector.broadcast %jit3A_1026 : i32 to vector<16xi32>
      %select_n3A_1028 = arith.select %and3A_1022, %add3A_1025, %broadcast_in_dim3A_1027 : vector<16xi1>, vector<16xi32>
      %reduce_max3A_1029 = arith.constant true
      %reduce_max3A_1030 = vector.broadcast %reduce_max3A_1029 : i1 to vector<16xi1>
      %reduce_max3A_1031 = arith.constant -2147483648 : i32
      %reduce_max3A_1032 = vector.broadcast %reduce_max3A_1031 : i32 to vector<16xi32>
      %reduce_max3A_1033 = arith.xori %select_n3A_1028, %reduce_max3A_1032 : vector<16xi32>
      %reduce_max3A_1034 = tpu.scan <max>, %reduce_max3A_1033 masked %reduce_max3A_1030 : vector<16xi32>, vector<16xi1> -> vector<16xi32>
      %reduce_max3A_1035 = arith.xori %reduce_max3A_1034, %reduce_max3A_1032 : vector<16xi32>
      %reduce_max3A_1036 = vector.extract %reduce_max3A_1035[15] : i32 from vector<16xi32>
      %jit3A_1037 = arith.constant 0 : i32
      %broadcast_in_dim3A_1038 = vector.broadcast %jit3A_1037 : i32 to vector<16xi32>
      %select_n3A_1039 = arith.select %and3A_1022, %sub3A_1017, %broadcast_in_dim3A_1038 : vector<16xi1>, vector<16xi32>
      %reduce_max3A_1040 = arith.constant true
      %reduce_max3A_1041 = vector.broadcast %reduce_max3A_1040 : i1 to vector<16xi1>
      %reduce_max3A_1042 = arith.constant -2147483648 : i32
      %reduce_max3A_1043 = vector.broadcast %reduce_max3A_1042 : i32 to vector<16xi32>
      %reduce_max3A_1044 = arith.xori %select_n3A_1039, %reduce_max3A_1043 : vector<16xi32>
      %reduce_max3A_1045 = tpu.scan <max>, %reduce_max3A_1044 masked %reduce_max3A_1041 : vector<16xi32>, vector<16xi1> -> vector<16xi32>
      %reduce_max3A_1046 = arith.xori %reduce_max3A_1045, %reduce_max3A_1043 : vector<16xi32>
      %reduce_max3A_1047 = vector.extract %reduce_max3A_1046[15] : i32 from vector<16xi32>
      %reduce_sum3A_1048 = arith.constant true
      %reduce_sum3A_1049 = vector.broadcast %reduce_sum3A_1048 : i1 to vector<16xi1>
      %reduce_sum3A_1050 = tpu.scan <sum>, %add3A_1001 masked %reduce_sum3A_1049 : vector<16xi32>, vector<16xi1> -> vector<16xi32>
      %reduce_sum3A_1051 = vector.extract %reduce_sum3A_1050[15] : i32 from vector<16xi32>
      %ge3A_1052 = arith.constant 0 : i32
      %ge3A_1053 = arith.cmpi sge, %reduce_max3A_1036, %ge3A_1052 : i32
      %select_n3A_1054 = arith.select %ge3A_1053, %reduce_max3A_1036, %select_n3A_948 : i32
      %sub3A_1055 = arith.subi %select_n3A_714, %reduce_max3A_1047 : i32
      %select_n3A_1056 = arith.select %ge3A_1053, %sub3A_1055, %select_n3A_950 : i32
      %add3A_1057 = arith.addi %add3A_951, %reduce_sum3A_1051 : i32
      %broadcast_in_dim3A_1058 = arith.constant 0 : i32
      %broadcast_in_dim3A_1059 = vector.broadcast %broadcast_in_dim3A_1058 : i32 to vector<16xi32>
      %get3A_1060 = arith.constant 0 : index
      %get3A_1061 = tpu.vector_load %arg7[%get3A_1060] {strides = array<i32>} : memref<8320xi32, #tpu.memory_space<vmem>>, vector<16xi32>,
      %add3A_1062 = arith.addi %broadcast_in_dim3A_1059, %get3A_1061 : vector<16xi32>
      %get3A_1063 = arith.constant 65 : index
      %get3A_1064 = tpu.vector_load %arg7[%get3A_1063] {strides = array<i32>} : memref<8320xi32, #tpu.memory_space<vmem>>, vector<16xi32>,
      %add3A_1065 = arith.addi %add3A_1062, %get3A_1064 : vector<16xi32>
      %get3A_1066 = arith.constant 130 : index
      %get3A_1067 = tpu.vector_load %arg7[%get3A_1066] {strides = array<i32>} : memref<8320xi32, #tpu.memory_space<vmem>>, vector<16xi32>,
      %add3A_1068 = arith.addi %add3A_1065, %get3A_1067 : vector<16xi32>
      %get3A_1069 = arith.constant 195 : index
      %get3A_1070 = tpu.vector_load %arg7[%get3A_1069] {strides = array<i32>} : memref<8320xi32, #tpu.memory_space<vmem>>, vector<16xi32>,
      %add3A_1071 = arith.addi %add3A_1068, %get3A_1070 : vector<16xi32>
      %get3A_1072 = arith.constant 260 : index
      %get3A_1073 = tpu.vector_load %arg7[%get3A_1072] {strides = array<i32>} : memref<8320xi32, #tpu.memory_space<vmem>>, vector<16xi32>,
      %add3A_1074 = arith.addi %add3A_1071, %get3A_1073 : vector<16xi32>
      %get3A_1075 = arith.constant 325 : index
      %get3A_1076 = tpu.vector_load %arg7[%get3A_1075] {strides = array<i32>} : memref<8320xi32, #tpu.memory_space<vmem>>, vector<16xi32>,
      %add3A_1077 = arith.addi %add3A_1074, %get3A_1076 : vector<16xi32>
      %get3A_1078 = arith.constant 390 : index
      %get3A_1079 = tpu.vector_load %arg7[%get3A_1078] {strides = array<i32>} : memref<8320xi32, #tpu.memory_space<vmem>>, vector<16xi32>,
      %add3A_1080 = arith.addi %add3A_1077, %get3A_1079 : vector<16xi32>
      %get3A_1081 = arith.constant 455 : index
      %get3A_1082 = tpu.vector_load %arg7[%get3A_1081] {strides = array<i32>} : memref<8320xi32, #tpu.memory_space<vmem>>, vector<16xi32>,
      %add3A_1083 = arith.addi %add3A_1080, %get3A_1082 : vector<16xi32>
      %get3A_1084 = arith.constant 520 : index
      %get3A_1085 = tpu.vector_load %arg7[%get3A_1084] {strides = array<i32>} : memref<8320xi32, #tpu.memory_space<vmem>>, vector<16xi32>,
      %add3A_1086 = arith.addi %add3A_1083, %get3A_1085 : vector<16xi32>
      %get3A_1087 = arith.constant 585 : index
      %get3A_1088 = tpu.vector_load %arg7[%get3A_1087] {strides = array<i32>} : memref<8320xi32, #tpu.memory_space<vmem>>, vector<16xi32>,
      %add3A_1089 = arith.addi %add3A_1086, %get3A_1088 : vector<16xi32>
      %get3A_1090 = arith.constant 650 : index
      %get3A_1091 = tpu.vector_load %arg7[%get3A_1090] {strides = array<i32>} : memref<8320xi32, #tpu.memory_space<vmem>>, vector<16xi32>,
      %add3A_1092 = arith.addi %add3A_1089, %get3A_1091 : vector<16xi32>
      %get3A_1093 = arith.constant 715 : index
      %get3A_1094 = tpu.vector_load %arg7[%get3A_1093] {strides = array<i32>} : memref<8320xi32, #tpu.memory_space<vmem>>, vector<16xi32>,
      %add3A_1095 = arith.addi %add3A_1092, %get3A_1094 : vector<16xi32>
      %get3A_1096 = arith.constant 780 : index
      %get3A_1097 = tpu.vector_load %arg7[%get3A_1096] {strides = array<i32>} : memref<8320xi32, #tpu.memory_space<vmem>>, vector<16xi32>,
      %add3A_1098 = arith.addi %add3A_1095, %get3A_1097 : vector<16xi32>
      %get3A_1099 = arith.constant 845 : index
      %get3A_1100 = tpu.vector_load %arg7[%get3A_1099] {strides = array<i32>} : memref<8320xi32, #tpu.memory_space<vmem>>, vector<16xi32>,
      %add3A_1101 = arith.addi %add3A_1098, %get3A_1100 : vector<16xi32>
      %get3A_1102 = arith.constant 910 : index
      %get3A_1103 = tpu.vector_load %arg7[%get3A_1102] {strides = array<i32>} : memref<8320xi32, #tpu.memory_space<vmem>>, vector<16xi32>,
      %add3A_1104 = arith.addi %add3A_1101, %get3A_1103 : vector<16xi32>
      %get3A_1105 = arith.constant 975 : index
      %get3A_1106 = tpu.vector_load %arg7[%get3A_1105] {strides = array<i32>} : memref<8320xi32, #tpu.memory_space<vmem>>, vector<16xi32>,
      %add3A_1107 = arith.addi %add3A_1104, %get3A_1106 : vector<16xi32>
      %rev3A_1108 = arith.constant 15 : i32
      %rev3A_1109 = vector.broadcast %rev3A_1108 : i32 to vector<16xi32>
      %rev3A_1110 = tpu.iota {dimensions = array<i32: 0>} : vector<16xi32>
      %rev3A_1111 = arith.subi %rev3A_1109, %rev3A_1110 : vector<16xi32>
      %rev3A_1112 = tpu.dynamic_gather %add3A_1107[%rev3A_1111] in [0] : vector<16xi32>, vector<16xi32> -> vector<16xi32>
      %cumsum3A_1113 = arith.constant true
      %cumsum3A_1114 = vector.broadcast %cumsum3A_1113 : i1 to vector<16xi1>
      %cumsum3A_1115 = tpu.scan <sum>, %rev3A_1112 masked %cumsum3A_1114 : vector<16xi32>, vector<16xi1> -> vector<16xi32>
      %rev3A_1116 = arith.constant 15 : i32
      %rev3A_1117 = vector.broadcast %rev3A_1116 : i32 to vector<16xi32>
      %rev3A_1118 = tpu.iota {dimensions = array<i32: 0>} : vector<16xi32>
      %rev3A_1119 = arith.subi %rev3A_1117, %rev3A_1118 : vector<16xi32>
      %rev3A_1120 = tpu.dynamic_gather %cumsum3A_1115[%rev3A_1119] in [0] : vector<16xi32>, vector<16xi32> -> vector<16xi32>
      %add3A_1121 = vector.broadcast %add3A_1057 : i32 to vector<16xi32>
      %add3A_1122 = arith.addi %rev3A_1120, %add3A_1121 : vector<16xi32>
      %sub3A_1123 = arith.subi %add3A_1122, %add3A_1107 : vector<16xi32>
      %lt3A_1124 = vector.broadcast %select_n3A_714 : i32 to vector<16xi32>
      %lt3A_1125 = arith.cmpi slt, %sub3A_1123, %lt3A_1124 : vector<16xi32>
      %ge3A_1126 = vector.broadcast %select_n3A_714 : i32 to vector<16xi32>
      %ge3A_1127 = arith.cmpi sge, %add3A_1122, %ge3A_1126 : vector<16xi32>
      %and3A_1128 = arith.andi %lt3A_1125, %ge3A_1127 : vector<16xi1>
      %add3A_1129 = arith.constant 0 : i32
      %add3A_1130 = vector.broadcast %add3A_1129 : i32 to vector<16xi32>
      %add3A_1131 = arith.addi %add3A_1130, %iota3A : vector<16xi32>
      %jit3A_1132 = arith.constant -1 : i32
      %broadcast_in_dim3A_1133 = vector.broadcast %jit3A_1132 : i32 to vector<16xi32>
      %select_n3A_1134 = arith.select %and3A_1128, %add3A_1131, %broadcast_in_dim3A_1133 : vector<16xi1>, vector<16xi32>
      %reduce_max3A_1135 = arith.constant true
      %reduce_max3A_1136 = vector.broadcast %reduce_max3A_1135 : i1 to vector<16xi1>
      %reduce_max3A_1137 = arith.constant -2147483648 : i32
      %reduce_max3A_1138 = vector.broadcast %reduce_max3A_1137 : i32 to vector<16xi32>
      %reduce_max3A_1139 = arith.xori %select_n3A_1134, %reduce_max3A_1138 : vector<16xi32>
      %reduce_max3A_1140 = tpu.scan <max>, %reduce_max3A_1139 masked %reduce_max3A_1136 : vector<16xi32>, vector<16xi1> -> vector<16xi32>
      %reduce_max3A_1141 = arith.xori %reduce_max3A_1140, %reduce_max3A_1138 : vector<16xi32>
      %reduce_max3A_1142 = vector.extract %reduce_max3A_1141[15] : i32 from vector<16xi32>
      %jit3A_1143 = arith.constant 0 : i32
      %broadcast_in_dim3A_1144 = vector.broadcast %jit3A_1143 : i32 to vector<16xi32>
      %select_n3A_1145 = arith.select %and3A_1128, %sub3A_1123, %broadcast_in_dim3A_1144 : vector<16xi1>, vector<16xi32>
      %reduce_max3A_1146 = arith.constant true
      %reduce_max3A_1147 = vector.broadcast %reduce_max3A_1146 : i1 to vector<16xi1>
      %reduce_max3A_1148 = arith.constant -2147483648 : i32
      %reduce_max3A_1149 = vector.broadcast %reduce_max3A_1148 : i32 to vector<16xi32>
      %reduce_max3A_1150 = arith.xori %select_n3A_1145, %reduce_max3A_1149 : vector<16xi32>
      %reduce_max3A_1151 = tpu.scan <max>, %reduce_max3A_1150 masked %reduce_max3A_1147 : vector<16xi32>, vector<16xi1> -> vector<16xi32>
      %reduce_max3A_1152 = arith.xori %reduce_max3A_1151, %reduce_max3A_1149 : vector<16xi32>
      %reduce_max3A_1153 = vector.extract %reduce_max3A_1152[15] : i32 from vector<16xi32>
      %reduce_sum3A_1154 = arith.constant true
      %reduce_sum3A_1155 = vector.broadcast %reduce_sum3A_1154 : i1 to vector<16xi1>
      %reduce_sum3A_1156 = tpu.scan <sum>, %add3A_1107 masked %reduce_sum3A_1155 : vector<16xi32>, vector<16xi1> -> vector<16xi32>
      %reduce_sum3A_1157 = vector.extract %reduce_sum3A_1156[15] : i32 from vector<16xi32>
      %ge3A_1158 = arith.constant 0 : i32
      %ge3A_1159 = arith.cmpi sge, %reduce_max3A_1142, %ge3A_1158 : i32
      %select_n3A_1160 = arith.select %ge3A_1159, %reduce_max3A_1142, %select_n3A_1054 : i32
      %sub3A_1161 = arith.subi %select_n3A_714, %reduce_max3A_1153 : i32
      %select_n3A_1162 = arith.select %ge3A_1159, %sub3A_1161, %select_n3A_1056 : i32
      %add3A_1163 = arith.addi %add3A_1057, %reduce_sum3A_1157 : i32
      %shift_left3A_1164 = arith.constant 6 : i32
      %shift_left3A_1165 = arith.shli %or3A, %shift_left3A_1164 : i32
      %or3A_1166 = arith.ori %shift_left3A_1165, %select_n3A_1160 : i32
      %parallel_loop3A_1167 = arith.constant 0 : i32
      %parallel_loop3A_1168 = arith.constant 1 : i32
      %parallel_loop3A_1169 = arith.constant 10 : i32
      %parallel_loop3A_1170 = arith.constant 0 : i32
      %parallel_loop3A_1171 = scf.for %parallel_loop3A_1752 = %parallel_loop3A_1167 to %shift_right_logical3A_731 step %parallel_loop3A_1168 iter_args(%parallel_loop3A_1753 = %parallel_loop3A_1170) -> (i32)  : i32 {
        %parallel_loop3A_1754 = arith.constant 16 : i32
        %parallel_loop3A_1755 = arith.muli %parallel_loop3A_1752, %parallel_loop3A_1754 : i32
        %parallel_loop3A_1756 = arith.index_cast %parallel_loop3A_1755 : i32 to index
        %parallel_loop3A_1757 = tpu.vector_load %arg6[%parallel_loop3A_1756] {strides = array<i32>} : memref<16512xi32, #tpu.memory_space<vmem>>, vector<16xi32>,
        %parallel_loop3A_1758 = vector.broadcast %parallel_loop3A_1755 : i32 to vector<16xi32>
        %parallel_loop3A_1759 = arith.addi %parallel_loop3A_1758, %iota3A : vector<16xi32>
        %parallel_loop3A_1760 = vector.broadcast %parallel_loop3A_721 : i32 to vector<16xi32>
        %parallel_loop3A_1761 = arith.cmpi slt, %parallel_loop3A_1759, %parallel_loop3A_1760 : vector<16xi32>
        %parallel_loop3A_1762 = vector.broadcast %parallel_loop3A_1169 : i32 to vector<16xi32>
        %parallel_loop3A_1763 = arith.shrui %parallel_loop3A_1757, %parallel_loop3A_1762 : vector<16xi32>
        %parallel_loop3A_1764 = vector.broadcast %or3A_1166 : i32 to vector<16xi32>
        %parallel_loop3A_1765 = arith.cmpi eq, %parallel_loop3A_1763, %parallel_loop3A_1764 : vector<16xi32>
        %parallel_loop3A_1766 = arith.andi %parallel_loop3A_1765, %parallel_loop3A_1761 : vector<16xi1>
        %parallel_loop3A_1767 = arith.index_cast %parallel_loop3A_1753 : i32 to index
        %parallel_loop3A_1768 = tpu.vector_load %arg5[%parallel_loop3A_1767] masked %parallel_loop3A_1766 {strides = array<i32>} : memref<16512xi32, #tpu.memory_space<vmem>>, vector<16xi32>, vector<16xi1>
        tpu.vector_store %arg5[%parallel_loop3A_1767], %parallel_loop3A_1757 masked %parallel_loop3A_1766 {strides = array<i32>} : memref<16512xi32, #tpu.memory_space<vmem>>, vector<16xi32>, vector<16xi1>
        %parallel_loop3A_1769 = tpu.all_reduce %parallel_loop3A_1766 {dim = 0 : i64, kind = #tpu.reduction_kind<sum>} : vector<16xi1> -> vector<16xi32>
        %parallel_loop3A_1770 = vector.extract_strided_slice %parallel_loop3A_1769 {offsets = [0], sizes = [1], strides = [1]} : vector<16xi32> to vector<1xi32>
        %parallel_loop3A_1771 = vector.extract %parallel_loop3A_1770[0] : i32 from vector<1xi32>
        %parallel_loop3A_1772 = arith.addi %parallel_loop3A_1753, %parallel_loop3A_1771 : i32
        scf.yield %parallel_loop3A_1772 : i32
      } {sc.loop_unroll_factor = 2 : i64, sc.parallel_access}
      %parallel_loop3A_1172 = arith.constant 0 : i32
      %parallel_loop3A_1173 = arith.constant 65 : i32
      %parallel_loop3A_1174 = arith.constant 1 : i32
      scf.for %parallel_loop3A_1752 = %parallel_loop3A_1172 to %parallel_loop3A_1173 step %parallel_loop3A_1174  : i32 {
        %parallel_loop3A_1753 = arith.constant 0 : i32
        %parallel_loop3A_1754 = vector.broadcast %parallel_loop3A_1753 : i32 to vector<16xi32>
        %parallel_loop3A_1755 = arith.constant 16 : i32
        %parallel_loop3A_1756 = arith.muli %parallel_loop3A_1752, %parallel_loop3A_1755 : i32
        %parallel_loop3A_1757 = arith.index_cast %parallel_loop3A_1756 : i32 to index
        %parallel_loop3A_1758 = tpu.vector_load %arg7[%parallel_loop3A_1757] {strides = array<i32>} : memref<8320xi32, #tpu.memory_space<vmem>>, vector<16xi32>,
        tpu.vector_store %arg7[%parallel_loop3A_1757], %parallel_loop3A_1754 {strides = array<i32>} : memref<8320xi32, #tpu.memory_space<vmem>>, vector<16xi32>,
      } {sc.loop_unroll_factor = 8 : i64, sc.parallel_access}
      %mul3A_1175 = arith.constant 65 : i32
      %mul3A_1176 = vector.broadcast %mul3A_1175 : i32 to vector<16xi32>
      %mul3A_1177 = arith.muli %iota3A, %mul3A_1176 : vector<16xi32>
      %add3A_1178 = arith.constant 15 : i32
      %add3A_1179 = arith.addi %parallel_loop3A_1171, %add3A_1178 : i32
      %shift_right_logical3A_1180 = arith.constant 4 : i32
      %shift_right_logical3A_1181 = arith.shrui %add3A_1179, %shift_right_logical3A_1180 : i32
      %parallel_loop3A_1182 = arith.constant 0 : i32
      %parallel_loop3A_1183 = arith.constant 1 : i32
      %parallel_loop3A_1184 = arith.constant 4 : i32
      %parallel_loop3A_1185 = arith.constant 63 : i32
      scf.for %parallel_loop3A_1752 = %parallel_loop3A_1182 to %shift_right_logical3A_1181 step %parallel_loop3A_1183  : i32 {
        %parallel_loop3A_1753 = arith.constant 16 : i32
        %parallel_loop3A_1754 = arith.muli %parallel_loop3A_1752, %parallel_loop3A_1753 : i32
        %parallel_loop3A_1755 = arith.index_cast %parallel_loop3A_1754 : i32 to index
        %parallel_loop3A_1756 = tpu.vector_load %arg5[%parallel_loop3A_1755] {strides = array<i32>} : memref<16512xi32, #tpu.memory_space<vmem>>, vector<16xi32>,
        %parallel_loop3A_1757 = vector.broadcast %parallel_loop3A_1754 : i32 to vector<16xi32>
        %parallel_loop3A_1758 = arith.addi %parallel_loop3A_1757, %iota3A : vector<16xi32>
        %parallel_loop3A_1759 = vector.broadcast %parallel_loop3A_1171 : i32 to vector<16xi32>
        %parallel_loop3A_1760 = arith.cmpi slt, %parallel_loop3A_1758, %parallel_loop3A_1759 : vector<16xi32>
        %parallel_loop3A_1761 = vector.broadcast %parallel_loop3A_1184 : i32 to vector<16xi32>
        %parallel_loop3A_1762 = arith.shrui %parallel_loop3A_1756, %parallel_loop3A_1761 : vector<16xi32>
        %parallel_loop3A_1763 = vector.broadcast %parallel_loop3A_1185 : i32 to vector<16xi32>
        %parallel_loop3A_1764 = arith.andi %parallel_loop3A_1762, %parallel_loop3A_1763 : vector<16xi32>
        %parallel_loop3A_1765 = arith.addi %mul3A_1177, %parallel_loop3A_1764 : vector<16xi32>
        tpu.vector_store_idx %arg7[%parallel_loop3A_1765], %broadcast_in_dim3A_1 masked %parallel_loop3A_1760 {add = true} : memref<8320xi32, #tpu.memory_space<vmem>>[vector<16xi32>], vector<16xi32>, vector<16xi1>
      } {sc.loop_unroll_factor = 2 : i64, sc.parallel_access}
      %broadcast_in_dim3A_1186 = arith.constant 0 : i32
      %broadcast_in_dim3A_1187 = vector.broadcast %broadcast_in_dim3A_1186 : i32 to vector<16xi32>
      %get3A_1188 = arith.constant 48 : index
      %get3A_1189 = tpu.vector_load %arg7[%get3A_1188] {strides = array<i32>} : memref<8320xi32, #tpu.memory_space<vmem>>, vector<16xi32>,
      %add3A_1190 = arith.addi %broadcast_in_dim3A_1187, %get3A_1189 : vector<16xi32>
      %get3A_1191 = arith.constant 113 : index
      %get3A_1192 = tpu.vector_load %arg7[%get3A_1191] {strides = array<i32>} : memref<8320xi32, #tpu.memory_space<vmem>>, vector<16xi32>,
      %add3A_1193 = arith.addi %add3A_1190, %get3A_1192 : vector<16xi32>
      %get3A_1194 = arith.constant 178 : index
      %get3A_1195 = tpu.vector_load %arg7[%get3A_1194] {strides = array<i32>} : memref<8320xi32, #tpu.memory_space<vmem>>, vector<16xi32>,
      %add3A_1196 = arith.addi %add3A_1193, %get3A_1195 : vector<16xi32>
      %get3A_1197 = arith.constant 243 : index
      %get3A_1198 = tpu.vector_load %arg7[%get3A_1197] {strides = array<i32>} : memref<8320xi32, #tpu.memory_space<vmem>>, vector<16xi32>,
      %add3A_1199 = arith.addi %add3A_1196, %get3A_1198 : vector<16xi32>
      %get3A_1200 = arith.constant 308 : index
      %get3A_1201 = tpu.vector_load %arg7[%get3A_1200] {strides = array<i32>} : memref<8320xi32, #tpu.memory_space<vmem>>, vector<16xi32>,
      %add3A_1202 = arith.addi %add3A_1199, %get3A_1201 : vector<16xi32>
      %get3A_1203 = arith.constant 373 : index
      %get3A_1204 = tpu.vector_load %arg7[%get3A_1203] {strides = array<i32>} : memref<8320xi32, #tpu.memory_space<vmem>>, vector<16xi32>,
      %add3A_1205 = arith.addi %add3A_1202, %get3A_1204 : vector<16xi32>
      %get3A_1206 = arith.constant 438 : index
      %get3A_1207 = tpu.vector_load %arg7[%get3A_1206] {strides = array<i32>} : memref<8320xi32, #tpu.memory_space<vmem>>, vector<16xi32>,
      %add3A_1208 = arith.addi %add3A_1205, %get3A_1207 : vector<16xi32>
      %get3A_1209 = arith.constant 503 : index
      %get3A_1210 = tpu.vector_load %arg7[%get3A_1209] {strides = array<i32>} : memref<8320xi32, #tpu.memory_space<vmem>>, vector<16xi32>,
      %add3A_1211 = arith.addi %add3A_1208, %get3A_1210 : vector<16xi32>
      %get3A_1212 = arith.constant 568 : index
      %get3A_1213 = tpu.vector_load %arg7[%get3A_1212] {strides = array<i32>} : memref<8320xi32, #tpu.memory_space<vmem>>, vector<16xi32>,
      %add3A_1214 = arith.addi %add3A_1211, %get3A_1213 : vector<16xi32>
      %get3A_1215 = arith.constant 633 : index
      %get3A_1216 = tpu.vector_load %arg7[%get3A_1215] {strides = array<i32>} : memref<8320xi32, #tpu.memory_space<vmem>>, vector<16xi32>,
      %add3A_1217 = arith.addi %add3A_1214, %get3A_1216 : vector<16xi32>
      %get3A_1218 = arith.constant 698 : index
      %get3A_1219 = tpu.vector_load %arg7[%get3A_1218] {strides = array<i32>} : memref<8320xi32, #tpu.memory_space<vmem>>, vector<16xi32>,
      %add3A_1220 = arith.addi %add3A_1217, %get3A_1219 : vector<16xi32>
      %get3A_1221 = arith.constant 763 : index
      %get3A_1222 = tpu.vector_load %arg7[%get3A_1221] {strides = array<i32>} : memref<8320xi32, #tpu.memory_space<vmem>>, vector<16xi32>,
      %add3A_1223 = arith.addi %add3A_1220, %get3A_1222 : vector<16xi32>
      %get3A_1224 = arith.constant 828 : index
      %get3A_1225 = tpu.vector_load %arg7[%get3A_1224] {strides = array<i32>} : memref<8320xi32, #tpu.memory_space<vmem>>, vector<16xi32>,
      %add3A_1226 = arith.addi %add3A_1223, %get3A_1225 : vector<16xi32>
      %get3A_1227 = arith.constant 893 : index
      %get3A_1228 = tpu.vector_load %arg7[%get3A_1227] {strides = array<i32>} : memref<8320xi32, #tpu.memory_space<vmem>>, vector<16xi32>,
      %add3A_1229 = arith.addi %add3A_1226, %get3A_1228 : vector<16xi32>
      %get3A_1230 = arith.constant 958 : index
      %get3A_1231 = tpu.vector_load %arg7[%get3A_1230] {strides = array<i32>} : memref<8320xi32, #tpu.memory_space<vmem>>, vector<16xi32>,
      %add3A_1232 = arith.addi %add3A_1229, %get3A_1231 : vector<16xi32>
      %get3A_1233 = arith.constant 1023 : index
      %get3A_1234 = tpu.vector_load %arg7[%get3A_1233] {strides = array<i32>} : memref<8320xi32, #tpu.memory_space<vmem>>, vector<16xi32>,
      %add3A_1235 = arith.addi %add3A_1232, %get3A_1234 : vector<16xi32>
      %rev3A_1236 = arith.constant 15 : i32
      %rev3A_1237 = vector.broadcast %rev3A_1236 : i32 to vector<16xi32>
      %rev3A_1238 = tpu.iota {dimensions = array<i32: 0>} : vector<16xi32>
      %rev3A_1239 = arith.subi %rev3A_1237, %rev3A_1238 : vector<16xi32>
      %rev3A_1240 = tpu.dynamic_gather %add3A_1235[%rev3A_1239] in [0] : vector<16xi32>, vector<16xi32> -> vector<16xi32>
      %cumsum3A_1241 = arith.constant true
      %cumsum3A_1242 = vector.broadcast %cumsum3A_1241 : i1 to vector<16xi1>
      %cumsum3A_1243 = tpu.scan <sum>, %rev3A_1240 masked %cumsum3A_1242 : vector<16xi32>, vector<16xi1> -> vector<16xi32>
      %rev3A_1244 = arith.constant 15 : i32
      %rev3A_1245 = vector.broadcast %rev3A_1244 : i32 to vector<16xi32>
      %rev3A_1246 = tpu.iota {dimensions = array<i32: 0>} : vector<16xi32>
      %rev3A_1247 = arith.subi %rev3A_1245, %rev3A_1246 : vector<16xi32>
      %rev3A_1248 = tpu.dynamic_gather %cumsum3A_1243[%rev3A_1247] in [0] : vector<16xi32>, vector<16xi32> -> vector<16xi32>
      %add3A_1249 = arith.constant 0 : i32
      %add3A_1250 = vector.broadcast %add3A_1249 : i32 to vector<16xi32>
      %add3A_1251 = arith.addi %rev3A_1248, %add3A_1250 : vector<16xi32>
      %sub3A_1252 = arith.subi %add3A_1251, %add3A_1235 : vector<16xi32>
      %lt3A_1253 = vector.broadcast %select_n3A_1162 : i32 to vector<16xi32>
      %lt3A_1254 = arith.cmpi slt, %sub3A_1252, %lt3A_1253 : vector<16xi32>
      %ge3A_1255 = vector.broadcast %select_n3A_1162 : i32 to vector<16xi32>
      %ge3A_1256 = arith.cmpi sge, %add3A_1251, %ge3A_1255 : vector<16xi32>
      %and3A_1257 = arith.andi %lt3A_1254, %ge3A_1256 : vector<16xi1>
      %add3A_1258 = arith.constant 48 : i32
      %add3A_1259 = vector.broadcast %add3A_1258 : i32 to vector<16xi32>
      %add3A_1260 = arith.addi %add3A_1259, %iota3A : vector<16xi32>
      %jit3A_1261 = arith.constant -1 : i32
      %broadcast_in_dim3A_1262 = vector.broadcast %jit3A_1261 : i32 to vector<16xi32>
      %select_n3A_1263 = arith.select %and3A_1257, %add3A_1260, %broadcast_in_dim3A_1262 : vector<16xi1>, vector<16xi32>
      %reduce_max3A_1264 = arith.constant true
      %reduce_max3A_1265 = vector.broadcast %reduce_max3A_1264 : i1 to vector<16xi1>
      %reduce_max3A_1266 = arith.constant -2147483648 : i32
      %reduce_max3A_1267 = vector.broadcast %reduce_max3A_1266 : i32 to vector<16xi32>
      %reduce_max3A_1268 = arith.xori %select_n3A_1263, %reduce_max3A_1267 : vector<16xi32>
      %reduce_max3A_1269 = tpu.scan <max>, %reduce_max3A_1268 masked %reduce_max3A_1265 : vector<16xi32>, vector<16xi1> -> vector<16xi32>
      %reduce_max3A_1270 = arith.xori %reduce_max3A_1269, %reduce_max3A_1267 : vector<16xi32>
      %reduce_max3A_1271 = vector.extract %reduce_max3A_1270[15] : i32 from vector<16xi32>
      %jit3A_1272 = arith.constant 0 : i32
      %broadcast_in_dim3A_1273 = vector.broadcast %jit3A_1272 : i32 to vector<16xi32>
      %select_n3A_1274 = arith.select %and3A_1257, %sub3A_1252, %broadcast_in_dim3A_1273 : vector<16xi1>, vector<16xi32>
      %reduce_max3A_1275 = arith.constant true
      %reduce_max3A_1276 = vector.broadcast %reduce_max3A_1275 : i1 to vector<16xi1>
      %reduce_max3A_1277 = arith.constant -2147483648 : i32
      %reduce_max3A_1278 = vector.broadcast %reduce_max3A_1277 : i32 to vector<16xi32>
      %reduce_max3A_1279 = arith.xori %select_n3A_1274, %reduce_max3A_1278 : vector<16xi32>
      %reduce_max3A_1280 = tpu.scan <max>, %reduce_max3A_1279 masked %reduce_max3A_1276 : vector<16xi32>, vector<16xi1> -> vector<16xi32>
      %reduce_max3A_1281 = arith.xori %reduce_max3A_1280, %reduce_max3A_1278 : vector<16xi32>
      %reduce_max3A_1282 = vector.extract %reduce_max3A_1281[15] : i32 from vector<16xi32>
      %reduce_sum3A_1283 = arith.constant true
      %reduce_sum3A_1284 = vector.broadcast %reduce_sum3A_1283 : i1 to vector<16xi1>
      %reduce_sum3A_1285 = tpu.scan <sum>, %add3A_1235 masked %reduce_sum3A_1284 : vector<16xi32>, vector<16xi1> -> vector<16xi32>
      %reduce_sum3A_1286 = vector.extract %reduce_sum3A_1285[15] : i32 from vector<16xi32>
      %ge3A_1287 = arith.constant 0 : i32
      %ge3A_1288 = arith.cmpi sge, %reduce_max3A_1271, %ge3A_1287 : i32
      %jit3A_1289 = arith.constant -1 : i32
      %select_n3A_1290 = arith.select %ge3A_1288, %reduce_max3A_1271, %jit3A_1289 : i32
      %sub3A_1291 = arith.subi %select_n3A_1162, %reduce_max3A_1282 : i32
      %jit3A_1292 = arith.constant -1 : i32
      %select_n3A_1293 = arith.select %ge3A_1288, %sub3A_1291, %jit3A_1292 : i32
      %add3A_1294 = arith.constant 0 : i32
      %add3A_1295 = arith.addi %add3A_1294, %reduce_sum3A_1286 : i32
      %broadcast_in_dim3A_1296 = arith.constant 0 : i32
      %broadcast_in_dim3A_1297 = vector.broadcast %broadcast_in_dim3A_1296 : i32 to vector<16xi32>
      %get3A_1298 = arith.constant 32 : index
      %get3A_1299 = tpu.vector_load %arg7[%get3A_1298] {strides = array<i32>} : memref<8320xi32, #tpu.memory_space<vmem>>, vector<16xi32>,
      %add3A_1300 = arith.addi %broadcast_in_dim3A_1297, %get3A_1299 : vector<16xi32>
      %get3A_1301 = arith.constant 97 : index
      %get3A_1302 = tpu.vector_load %arg7[%get3A_1301] {strides = array<i32>} : memref<8320xi32, #tpu.memory_space<vmem>>, vector<16xi32>,
      %add3A_1303 = arith.addi %add3A_1300, %get3A_1302 : vector<16xi32>
      %get3A_1304 = arith.constant 162 : index
      %get3A_1305 = tpu.vector_load %arg7[%get3A_1304] {strides = array<i32>} : memref<8320xi32, #tpu.memory_space<vmem>>, vector<16xi32>,
      %add3A_1306 = arith.addi %add3A_1303, %get3A_1305 : vector<16xi32>
      %get3A_1307 = arith.constant 227 : index
      %get3A_1308 = tpu.vector_load %arg7[%get3A_1307] {strides = array<i32>} : memref<8320xi32, #tpu.memory_space<vmem>>, vector<16xi32>,
      %add3A_1309 = arith.addi %add3A_1306, %get3A_1308 : vector<16xi32>
      %get3A_1310 = arith.constant 292 : index
      %get3A_1311 = tpu.vector_load %arg7[%get3A_1310] {strides = array<i32>} : memref<8320xi32, #tpu.memory_space<vmem>>, vector<16xi32>,
      %add3A_1312 = arith.addi %add3A_1309, %get3A_1311 : vector<16xi32>
      %get3A_1313 = arith.constant 357 : index
      %get3A_1314 = tpu.vector_load %arg7[%get3A_1313] {strides = array<i32>} : memref<8320xi32, #tpu.memory_space<vmem>>, vector<16xi32>,
      %add3A_1315 = arith.addi %add3A_1312, %get3A_1314 : vector<16xi32>
      %get3A_1316 = arith.constant 422 : index
      %get3A_1317 = tpu.vector_load %arg7[%get3A_1316] {strides = array<i32>} : memref<8320xi32, #tpu.memory_space<vmem>>, vector<16xi32>,
      %add3A_1318 = arith.addi %add3A_1315, %get3A_1317 : vector<16xi32>
      %get3A_1319 = arith.constant 487 : index
      %get3A_1320 = tpu.vector_load %arg7[%get3A_1319] {strides = array<i32>} : memref<8320xi32, #tpu.memory_space<vmem>>, vector<16xi32>,
      %add3A_1321 = arith.addi %add3A_1318, %get3A_1320 : vector<16xi32>
      %get3A_1322 = arith.constant 552 : index
      %get3A_1323 = tpu.vector_load %arg7[%get3A_1322] {strides = array<i32>} : memref<8320xi32, #tpu.memory_space<vmem>>, vector<16xi32>,
      %add3A_1324 = arith.addi %add3A_1321, %get3A_1323 : vector<16xi32>
      %get3A_1325 = arith.constant 617 : index
      %get3A_1326 = tpu.vector_load %arg7[%get3A_1325] {strides = array<i32>} : memref<8320xi32, #tpu.memory_space<vmem>>, vector<16xi32>,
      %add3A_1327 = arith.addi %add3A_1324, %get3A_1326 : vector<16xi32>
      %get3A_1328 = arith.constant 682 : index
      %get3A_1329 = tpu.vector_load %arg7[%get3A_1328] {strides = array<i32>} : memref<8320xi32, #tpu.memory_space<vmem>>, vector<16xi32>,
      %add3A_1330 = arith.addi %add3A_1327, %get3A_1329 : vector<16xi32>
      %get3A_1331 = arith.constant 747 : index
      %get3A_1332 = tpu.vector_load %arg7[%get3A_1331] {strides = array<i32>} : memref<8320xi32, #tpu.memory_space<vmem>>, vector<16xi32>,
      %add3A_1333 = arith.addi %add3A_1330, %get3A_1332 : vector<16xi32>
      %get3A_1334 = arith.constant 812 : index
      %get3A_1335 = tpu.vector_load %arg7[%get3A_1334] {strides = array<i32>} : memref<8320xi32, #tpu.memory_space<vmem>>, vector<16xi32>,
      %add3A_1336 = arith.addi %add3A_1333, %get3A_1335 : vector<16xi32>
      %get3A_1337 = arith.constant 877 : index
      %get3A_1338 = tpu.vector_load %arg7[%get3A_1337] {strides = array<i32>} : memref<8320xi32, #tpu.memory_space<vmem>>, vector<16xi32>,
      %add3A_1339 = arith.addi %add3A_1336, %get3A_1338 : vector<16xi32>
      %get3A_1340 = arith.constant 942 : index
      %get3A_1341 = tpu.vector_load %arg7[%get3A_1340] {strides = array<i32>} : memref<8320xi32, #tpu.memory_space<vmem>>, vector<16xi32>,
      %add3A_1342 = arith.addi %add3A_1339, %get3A_1341 : vector<16xi32>
      %get3A_1343 = arith.constant 1007 : index
      %get3A_1344 = tpu.vector_load %arg7[%get3A_1343] {strides = array<i32>} : memref<8320xi32, #tpu.memory_space<vmem>>, vector<16xi32>,
      %add3A_1345 = arith.addi %add3A_1342, %get3A_1344 : vector<16xi32>
      %rev3A_1346 = arith.constant 15 : i32
      %rev3A_1347 = vector.broadcast %rev3A_1346 : i32 to vector<16xi32>
      %rev3A_1348 = tpu.iota {dimensions = array<i32: 0>} : vector<16xi32>
      %rev3A_1349 = arith.subi %rev3A_1347, %rev3A_1348 : vector<16xi32>
      %rev3A_1350 = tpu.dynamic_gather %add3A_1345[%rev3A_1349] in [0] : vector<16xi32>, vector<16xi32> -> vector<16xi32>
      %cumsum3A_1351 = arith.constant true
      %cumsum3A_1352 = vector.broadcast %cumsum3A_1351 : i1 to vector<16xi1>
      %cumsum3A_1353 = tpu.scan <sum>, %rev3A_1350 masked %cumsum3A_1352 : vector<16xi32>, vector<16xi1> -> vector<16xi32>
      %rev3A_1354 = arith.constant 15 : i32
      %rev3A_1355 = vector.broadcast %rev3A_1354 : i32 to vector<16xi32>
      %rev3A_1356 = tpu.iota {dimensions = array<i32: 0>} : vector<16xi32>
      %rev3A_1357 = arith.subi %rev3A_1355, %rev3A_1356 : vector<16xi32>
      %rev3A_1358 = tpu.dynamic_gather %cumsum3A_1353[%rev3A_1357] in [0] : vector<16xi32>, vector<16xi32> -> vector<16xi32>
      %add3A_1359 = vector.broadcast %add3A_1295 : i32 to vector<16xi32>
      %add3A_1360 = arith.addi %rev3A_1358, %add3A_1359 : vector<16xi32>
      %sub3A_1361 = arith.subi %add3A_1360, %add3A_1345 : vector<16xi32>
      %lt3A_1362 = vector.broadcast %select_n3A_1162 : i32 to vector<16xi32>
      %lt3A_1363 = arith.cmpi slt, %sub3A_1361, %lt3A_1362 : vector<16xi32>
      %ge3A_1364 = vector.broadcast %select_n3A_1162 : i32 to vector<16xi32>
      %ge3A_1365 = arith.cmpi sge, %add3A_1360, %ge3A_1364 : vector<16xi32>
      %and3A_1366 = arith.andi %lt3A_1363, %ge3A_1365 : vector<16xi1>
      %add3A_1367 = arith.constant 32 : i32
      %add3A_1368 = vector.broadcast %add3A_1367 : i32 to vector<16xi32>
      %add3A_1369 = arith.addi %add3A_1368, %iota3A : vector<16xi32>
      %jit3A_1370 = arith.constant -1 : i32
      %broadcast_in_dim3A_1371 = vector.broadcast %jit3A_1370 : i32 to vector<16xi32>
      %select_n3A_1372 = arith.select %and3A_1366, %add3A_1369, %broadcast_in_dim3A_1371 : vector<16xi1>, vector<16xi32>
      %reduce_max3A_1373 = arith.constant true
      %reduce_max3A_1374 = vector.broadcast %reduce_max3A_1373 : i1 to vector<16xi1>
      %reduce_max3A_1375 = arith.constant -2147483648 : i32
      %reduce_max3A_1376 = vector.broadcast %reduce_max3A_1375 : i32 to vector<16xi32>
      %reduce_max3A_1377 = arith.xori %select_n3A_1372, %reduce_max3A_1376 : vector<16xi32>
      %reduce_max3A_1378 = tpu.scan <max>, %reduce_max3A_1377 masked %reduce_max3A_1374 : vector<16xi32>, vector<16xi1> -> vector<16xi32>
      %reduce_max3A_1379 = arith.xori %reduce_max3A_1378, %reduce_max3A_1376 : vector<16xi32>
      %reduce_max3A_1380 = vector.extract %reduce_max3A_1379[15] : i32 from vector<16xi32>
      %jit3A_1381 = arith.constant 0 : i32
      %broadcast_in_dim3A_1382 = vector.broadcast %jit3A_1381 : i32 to vector<16xi32>
      %select_n3A_1383 = arith.select %and3A_1366, %sub3A_1361, %broadcast_in_dim3A_1382 : vector<16xi1>, vector<16xi32>
      %reduce_max3A_1384 = arith.constant true
      %reduce_max3A_1385 = vector.broadcast %reduce_max3A_1384 : i1 to vector<16xi1>
      %reduce_max3A_1386 = arith.constant -2147483648 : i32
      %reduce_max3A_1387 = vector.broadcast %reduce_max3A_1386 : i32 to vector<16xi32>
      %reduce_max3A_1388 = arith.xori %select_n3A_1383, %reduce_max3A_1387 : vector<16xi32>
      %reduce_max3A_1389 = tpu.scan <max>, %reduce_max3A_1388 masked %reduce_max3A_1385 : vector<16xi32>, vector<16xi1> -> vector<16xi32>
      %reduce_max3A_1390 = arith.xori %reduce_max3A_1389, %reduce_max3A_1387 : vector<16xi32>
      %reduce_max3A_1391 = vector.extract %reduce_max3A_1390[15] : i32 from vector<16xi32>
      %reduce_sum3A_1392 = arith.constant true
      %reduce_sum3A_1393 = vector.broadcast %reduce_sum3A_1392 : i1 to vector<16xi1>
      %reduce_sum3A_1394 = tpu.scan <sum>, %add3A_1345 masked %reduce_sum3A_1393 : vector<16xi32>, vector<16xi1> -> vector<16xi32>
      %reduce_sum3A_1395 = vector.extract %reduce_sum3A_1394[15] : i32 from vector<16xi32>
      %ge3A_1396 = arith.constant 0 : i32
      %ge3A_1397 = arith.cmpi sge, %reduce_max3A_1380, %ge3A_1396 : i32
      %select_n3A_1398 = arith.select %ge3A_1397, %reduce_max3A_1380, %select_n3A_1290 : i32
      %sub3A_1399 = arith.subi %select_n3A_1162, %reduce_max3A_1391 : i32
      %select_n3A_1400 = arith.select %ge3A_1397, %sub3A_1399, %select_n3A_1293 : i32
      %add3A_1401 = arith.addi %add3A_1295, %reduce_sum3A_1395 : i32
      %broadcast_in_dim3A_1402 = arith.constant 0 : i32
      %broadcast_in_dim3A_1403 = vector.broadcast %broadcast_in_dim3A_1402 : i32 to vector<16xi32>
      %get3A_1404 = arith.constant 16 : index
      %get3A_1405 = tpu.vector_load %arg7[%get3A_1404] {strides = array<i32>} : memref<8320xi32, #tpu.memory_space<vmem>>, vector<16xi32>,
      %add3A_1406 = arith.addi %broadcast_in_dim3A_1403, %get3A_1405 : vector<16xi32>
      %get3A_1407 = arith.constant 81 : index
      %get3A_1408 = tpu.vector_load %arg7[%get3A_1407] {strides = array<i32>} : memref<8320xi32, #tpu.memory_space<vmem>>, vector<16xi32>,
      %add3A_1409 = arith.addi %add3A_1406, %get3A_1408 : vector<16xi32>
      %get3A_1410 = arith.constant 146 : index
      %get3A_1411 = tpu.vector_load %arg7[%get3A_1410] {strides = array<i32>} : memref<8320xi32, #tpu.memory_space<vmem>>, vector<16xi32>,
      %add3A_1412 = arith.addi %add3A_1409, %get3A_1411 : vector<16xi32>
      %get3A_1413 = arith.constant 211 : index
      %get3A_1414 = tpu.vector_load %arg7[%get3A_1413] {strides = array<i32>} : memref<8320xi32, #tpu.memory_space<vmem>>, vector<16xi32>,
      %add3A_1415 = arith.addi %add3A_1412, %get3A_1414 : vector<16xi32>
      %get3A_1416 = arith.constant 276 : index
      %get3A_1417 = tpu.vector_load %arg7[%get3A_1416] {strides = array<i32>} : memref<8320xi32, #tpu.memory_space<vmem>>, vector<16xi32>,
      %add3A_1418 = arith.addi %add3A_1415, %get3A_1417 : vector<16xi32>
      %get3A_1419 = arith.constant 341 : index
      %get3A_1420 = tpu.vector_load %arg7[%get3A_1419] {strides = array<i32>} : memref<8320xi32, #tpu.memory_space<vmem>>, vector<16xi32>,
      %add3A_1421 = arith.addi %add3A_1418, %get3A_1420 : vector<16xi32>
      %get3A_1422 = arith.constant 406 : index
      %get3A_1423 = tpu.vector_load %arg7[%get3A_1422] {strides = array<i32>} : memref<8320xi32, #tpu.memory_space<vmem>>, vector<16xi32>,
      %add3A_1424 = arith.addi %add3A_1421, %get3A_1423 : vector<16xi32>
      %get3A_1425 = arith.constant 471 : index
      %get3A_1426 = tpu.vector_load %arg7[%get3A_1425] {strides = array<i32>} : memref<8320xi32, #tpu.memory_space<vmem>>, vector<16xi32>,
      %add3A_1427 = arith.addi %add3A_1424, %get3A_1426 : vector<16xi32>
      %get3A_1428 = arith.constant 536 : index
      %get3A_1429 = tpu.vector_load %arg7[%get3A_1428] {strides = array<i32>} : memref<8320xi32, #tpu.memory_space<vmem>>, vector<16xi32>,
      %add3A_1430 = arith.addi %add3A_1427, %get3A_1429 : vector<16xi32>
      %get3A_1431 = arith.constant 601 : index
      %get3A_1432 = tpu.vector_load %arg7[%get3A_1431] {strides = array<i32>} : memref<8320xi32, #tpu.memory_space<vmem>>, vector<16xi32>,
      %add3A_1433 = arith.addi %add3A_1430, %get3A_1432 : vector<16xi32>
      %get3A_1434 = arith.constant 666 : index
      %get3A_1435 = tpu.vector_load %arg7[%get3A_1434] {strides = array<i32>} : memref<8320xi32, #tpu.memory_space<vmem>>, vector<16xi32>,
      %add3A_1436 = arith.addi %add3A_1433, %get3A_1435 : vector<16xi32>
      %get3A_1437 = arith.constant 731 : index
      %get3A_1438 = tpu.vector_load %arg7[%get3A_1437] {strides = array<i32>} : memref<8320xi32, #tpu.memory_space<vmem>>, vector<16xi32>,
      %add3A_1439 = arith.addi %add3A_1436, %get3A_1438 : vector<16xi32>
      %get3A_1440 = arith.constant 796 : index
      %get3A_1441 = tpu.vector_load %arg7[%get3A_1440] {strides = array<i32>} : memref<8320xi32, #tpu.memory_space<vmem>>, vector<16xi32>,
      %add3A_1442 = arith.addi %add3A_1439, %get3A_1441 : vector<16xi32>
      %get3A_1443 = arith.constant 861 : index
      %get3A_1444 = tpu.vector_load %arg7[%get3A_1443] {strides = array<i32>} : memref<8320xi32, #tpu.memory_space<vmem>>, vector<16xi32>,
      %add3A_1445 = arith.addi %add3A_1442, %get3A_1444 : vector<16xi32>
      %get3A_1446 = arith.constant 926 : index
      %get3A_1447 = tpu.vector_load %arg7[%get3A_1446] {strides = array<i32>} : memref<8320xi32, #tpu.memory_space<vmem>>, vector<16xi32>,
      %add3A_1448 = arith.addi %add3A_1445, %get3A_1447 : vector<16xi32>
      %get3A_1449 = arith.constant 991 : index
      %get3A_1450 = tpu.vector_load %arg7[%get3A_1449] {strides = array<i32>} : memref<8320xi32, #tpu.memory_space<vmem>>, vector<16xi32>,
      %add3A_1451 = arith.addi %add3A_1448, %get3A_1450 : vector<16xi32>
      %rev3A_1452 = arith.constant 15 : i32
      %rev3A_1453 = vector.broadcast %rev3A_1452 : i32 to vector<16xi32>
      %rev3A_1454 = tpu.iota {dimensions = array<i32: 0>} : vector<16xi32>
      %rev3A_1455 = arith.subi %rev3A_1453, %rev3A_1454 : vector<16xi32>
      %rev3A_1456 = tpu.dynamic_gather %add3A_1451[%rev3A_1455] in [0] : vector<16xi32>, vector<16xi32> -> vector<16xi32>
      %cumsum3A_1457 = arith.constant true
      %cumsum3A_1458 = vector.broadcast %cumsum3A_1457 : i1 to vector<16xi1>
      %cumsum3A_1459 = tpu.scan <sum>, %rev3A_1456 masked %cumsum3A_1458 : vector<16xi32>, vector<16xi1> -> vector<16xi32>
      %rev3A_1460 = arith.constant 15 : i32
      %rev3A_1461 = vector.broadcast %rev3A_1460 : i32 to vector<16xi32>
      %rev3A_1462 = tpu.iota {dimensions = array<i32: 0>} : vector<16xi32>
      %rev3A_1463 = arith.subi %rev3A_1461, %rev3A_1462 : vector<16xi32>
      %rev3A_1464 = tpu.dynamic_gather %cumsum3A_1459[%rev3A_1463] in [0] : vector<16xi32>, vector<16xi32> -> vector<16xi32>
      %add3A_1465 = vector.broadcast %add3A_1401 : i32 to vector<16xi32>
      %add3A_1466 = arith.addi %rev3A_1464, %add3A_1465 : vector<16xi32>
      %sub3A_1467 = arith.subi %add3A_1466, %add3A_1451 : vector<16xi32>
      %lt3A_1468 = vector.broadcast %select_n3A_1162 : i32 to vector<16xi32>
      %lt3A_1469 = arith.cmpi slt, %sub3A_1467, %lt3A_1468 : vector<16xi32>
      %ge3A_1470 = vector.broadcast %select_n3A_1162 : i32 to vector<16xi32>
      %ge3A_1471 = arith.cmpi sge, %add3A_1466, %ge3A_1470 : vector<16xi32>
      %and3A_1472 = arith.andi %lt3A_1469, %ge3A_1471 : vector<16xi1>
      %add3A_1473 = arith.constant 16 : i32
      %add3A_1474 = vector.broadcast %add3A_1473 : i32 to vector<16xi32>
      %add3A_1475 = arith.addi %add3A_1474, %iota3A : vector<16xi32>
      %jit3A_1476 = arith.constant -1 : i32
      %broadcast_in_dim3A_1477 = vector.broadcast %jit3A_1476 : i32 to vector<16xi32>
      %select_n3A_1478 = arith.select %and3A_1472, %add3A_1475, %broadcast_in_dim3A_1477 : vector<16xi1>, vector<16xi32>
      %reduce_max3A_1479 = arith.constant true
      %reduce_max3A_1480 = vector.broadcast %reduce_max3A_1479 : i1 to vector<16xi1>
      %reduce_max3A_1481 = arith.constant -2147483648 : i32
      %reduce_max3A_1482 = vector.broadcast %reduce_max3A_1481 : i32 to vector<16xi32>
      %reduce_max3A_1483 = arith.xori %select_n3A_1478, %reduce_max3A_1482 : vector<16xi32>
      %reduce_max3A_1484 = tpu.scan <max>, %reduce_max3A_1483 masked %reduce_max3A_1480 : vector<16xi32>, vector<16xi1> -> vector<16xi32>
      %reduce_max3A_1485 = arith.xori %reduce_max3A_1484, %reduce_max3A_1482 : vector<16xi32>
      %reduce_max3A_1486 = vector.extract %reduce_max3A_1485[15] : i32 from vector<16xi32>
      %jit3A_1487 = arith.constant 0 : i32
      %broadcast_in_dim3A_1488 = vector.broadcast %jit3A_1487 : i32 to vector<16xi32>
      %select_n3A_1489 = arith.select %and3A_1472, %sub3A_1467, %broadcast_in_dim3A_1488 : vector<16xi1>, vector<16xi32>
      %reduce_max3A_1490 = arith.constant true
      %reduce_max3A_1491 = vector.broadcast %reduce_max3A_1490 : i1 to vector<16xi1>
      %reduce_max3A_1492 = arith.constant -2147483648 : i32
      %reduce_max3A_1493 = vector.broadcast %reduce_max3A_1492 : i32 to vector<16xi32>
      %reduce_max3A_1494 = arith.xori %select_n3A_1489, %reduce_max3A_1493 : vector<16xi32>
      %reduce_max3A_1495 = tpu.scan <max>, %reduce_max3A_1494 masked %reduce_max3A_1491 : vector<16xi32>, vector<16xi1> -> vector<16xi32>
      %reduce_max3A_1496 = arith.xori %reduce_max3A_1495, %reduce_max3A_1493 : vector<16xi32>
      %reduce_max3A_1497 = vector.extract %reduce_max3A_1496[15] : i32 from vector<16xi32>
      %reduce_sum3A_1498 = arith.constant true
      %reduce_sum3A_1499 = vector.broadcast %reduce_sum3A_1498 : i1 to vector<16xi1>
      %reduce_sum3A_1500 = tpu.scan <sum>, %add3A_1451 masked %reduce_sum3A_1499 : vector<16xi32>, vector<16xi1> -> vector<16xi32>
      %reduce_sum3A_1501 = vector.extract %reduce_sum3A_1500[15] : i32 from vector<16xi32>
      %ge3A_1502 = arith.constant 0 : i32
      %ge3A_1503 = arith.cmpi sge, %reduce_max3A_1486, %ge3A_1502 : i32
      %select_n3A_1504 = arith.select %ge3A_1503, %reduce_max3A_1486, %select_n3A_1398 : i32
      %sub3A_1505 = arith.subi %select_n3A_1162, %reduce_max3A_1497 : i32
      %select_n3A_1506 = arith.select %ge3A_1503, %sub3A_1505, %select_n3A_1400 : i32
      %add3A_1507 = arith.addi %add3A_1401, %reduce_sum3A_1501 : i32
      %broadcast_in_dim3A_1508 = arith.constant 0 : i32
      %broadcast_in_dim3A_1509 = vector.broadcast %broadcast_in_dim3A_1508 : i32 to vector<16xi32>
      %get3A_1510 = arith.constant 0 : index
      %get3A_1511 = tpu.vector_load %arg7[%get3A_1510] {strides = array<i32>} : memref<8320xi32, #tpu.memory_space<vmem>>, vector<16xi32>,
      %add3A_1512 = arith.addi %broadcast_in_dim3A_1509, %get3A_1511 : vector<16xi32>
      %get3A_1513 = arith.constant 65 : index
      %get3A_1514 = tpu.vector_load %arg7[%get3A_1513] {strides = array<i32>} : memref<8320xi32, #tpu.memory_space<vmem>>, vector<16xi32>,
      %add3A_1515 = arith.addi %add3A_1512, %get3A_1514 : vector<16xi32>
      %get3A_1516 = arith.constant 130 : index
      %get3A_1517 = tpu.vector_load %arg7[%get3A_1516] {strides = array<i32>} : memref<8320xi32, #tpu.memory_space<vmem>>, vector<16xi32>,
      %add3A_1518 = arith.addi %add3A_1515, %get3A_1517 : vector<16xi32>
      %get3A_1519 = arith.constant 195 : index
      %get3A_1520 = tpu.vector_load %arg7[%get3A_1519] {strides = array<i32>} : memref<8320xi32, #tpu.memory_space<vmem>>, vector<16xi32>,
      %add3A_1521 = arith.addi %add3A_1518, %get3A_1520 : vector<16xi32>
      %get3A_1522 = arith.constant 260 : index
      %get3A_1523 = tpu.vector_load %arg7[%get3A_1522] {strides = array<i32>} : memref<8320xi32, #tpu.memory_space<vmem>>, vector<16xi32>,
      %add3A_1524 = arith.addi %add3A_1521, %get3A_1523 : vector<16xi32>
      %get3A_1525 = arith.constant 325 : index
      %get3A_1526 = tpu.vector_load %arg7[%get3A_1525] {strides = array<i32>} : memref<8320xi32, #tpu.memory_space<vmem>>, vector<16xi32>,
      %add3A_1527 = arith.addi %add3A_1524, %get3A_1526 : vector<16xi32>
      %get3A_1528 = arith.constant 390 : index
      %get3A_1529 = tpu.vector_load %arg7[%get3A_1528] {strides = array<i32>} : memref<8320xi32, #tpu.memory_space<vmem>>, vector<16xi32>,
      %add3A_1530 = arith.addi %add3A_1527, %get3A_1529 : vector<16xi32>
      %get3A_1531 = arith.constant 455 : index
      %get3A_1532 = tpu.vector_load %arg7[%get3A_1531] {strides = array<i32>} : memref<8320xi32, #tpu.memory_space<vmem>>, vector<16xi32>,
      %add3A_1533 = arith.addi %add3A_1530, %get3A_1532 : vector<16xi32>
      %get3A_1534 = arith.constant 520 : index
      %get3A_1535 = tpu.vector_load %arg7[%get3A_1534] {strides = array<i32>} : memref<8320xi32, #tpu.memory_space<vmem>>, vector<16xi32>,
      %add3A_1536 = arith.addi %add3A_1533, %get3A_1535 : vector<16xi32>
      %get3A_1537 = arith.constant 585 : index
      %get3A_1538 = tpu.vector_load %arg7[%get3A_1537] {strides = array<i32>} : memref<8320xi32, #tpu.memory_space<vmem>>, vector<16xi32>,
      %add3A_1539 = arith.addi %add3A_1536, %get3A_1538 : vector<16xi32>
      %get3A_1540 = arith.constant 650 : index
      %get3A_1541 = tpu.vector_load %arg7[%get3A_1540] {strides = array<i32>} : memref<8320xi32, #tpu.memory_space<vmem>>, vector<16xi32>,
      %add3A_1542 = arith.addi %add3A_1539, %get3A_1541 : vector<16xi32>
      %get3A_1543 = arith.constant 715 : index
      %get3A_1544 = tpu.vector_load %arg7[%get3A_1543] {strides = array<i32>} : memref<8320xi32, #tpu.memory_space<vmem>>, vector<16xi32>,
      %add3A_1545 = arith.addi %add3A_1542, %get3A_1544 : vector<16xi32>
      %get3A_1546 = arith.constant 780 : index
      %get3A_1547 = tpu.vector_load %arg7[%get3A_1546] {strides = array<i32>} : memref<8320xi32, #tpu.memory_space<vmem>>, vector<16xi32>,
      %add3A_1548 = arith.addi %add3A_1545, %get3A_1547 : vector<16xi32>
      %get3A_1549 = arith.constant 845 : index
      %get3A_1550 = tpu.vector_load %arg7[%get3A_1549] {strides = array<i32>} : memref<8320xi32, #tpu.memory_space<vmem>>, vector<16xi32>,
      %add3A_1551 = arith.addi %add3A_1548, %get3A_1550 : vector<16xi32>
      %get3A_1552 = arith.constant 910 : index
      %get3A_1553 = tpu.vector_load %arg7[%get3A_1552] {strides = array<i32>} : memref<8320xi32, #tpu.memory_space<vmem>>, vector<16xi32>,
      %add3A_1554 = arith.addi %add3A_1551, %get3A_1553 : vector<16xi32>
      %get3A_1555 = arith.constant 975 : index
      %get3A_1556 = tpu.vector_load %arg7[%get3A_1555] {strides = array<i32>} : memref<8320xi32, #tpu.memory_space<vmem>>, vector<16xi32>,
      %add3A_1557 = arith.addi %add3A_1554, %get3A_1556 : vector<16xi32>
      %rev3A_1558 = arith.constant 15 : i32
      %rev3A_1559 = vector.broadcast %rev3A_1558 : i32 to vector<16xi32>
      %rev3A_1560 = tpu.iota {dimensions = array<i32: 0>} : vector<16xi32>
      %rev3A_1561 = arith.subi %rev3A_1559, %rev3A_1560 : vector<16xi32>
      %rev3A_1562 = tpu.dynamic_gather %add3A_1557[%rev3A_1561] in [0] : vector<16xi32>, vector<16xi32> -> vector<16xi32>
      %cumsum3A_1563 = arith.constant true
      %cumsum3A_1564 = vector.broadcast %cumsum3A_1563 : i1 to vector<16xi1>
      %cumsum3A_1565 = tpu.scan <sum>, %rev3A_1562 masked %cumsum3A_1564 : vector<16xi32>, vector<16xi1> -> vector<16xi32>
      %rev3A_1566 = arith.constant 15 : i32
      %rev3A_1567 = vector.broadcast %rev3A_1566 : i32 to vector<16xi32>
      %rev3A_1568 = tpu.iota {dimensions = array<i32: 0>} : vector<16xi32>
      %rev3A_1569 = arith.subi %rev3A_1567, %rev3A_1568 : vector<16xi32>
      %rev3A_1570 = tpu.dynamic_gather %cumsum3A_1565[%rev3A_1569] in [0] : vector<16xi32>, vector<16xi32> -> vector<16xi32>
      %add3A_1571 = vector.broadcast %add3A_1507 : i32 to vector<16xi32>
      %add3A_1572 = arith.addi %rev3A_1570, %add3A_1571 : vector<16xi32>
      %sub3A_1573 = arith.subi %add3A_1572, %add3A_1557 : vector<16xi32>
      %lt3A_1574 = vector.broadcast %select_n3A_1162 : i32 to vector<16xi32>
      %lt3A_1575 = arith.cmpi slt, %sub3A_1573, %lt3A_1574 : vector<16xi32>
      %ge3A_1576 = vector.broadcast %select_n3A_1162 : i32 to vector<16xi32>
      %ge3A_1577 = arith.cmpi sge, %add3A_1572, %ge3A_1576 : vector<16xi32>
      %and3A_1578 = arith.andi %lt3A_1575, %ge3A_1577 : vector<16xi1>
      %add3A_1579 = arith.constant 0 : i32
      %add3A_1580 = vector.broadcast %add3A_1579 : i32 to vector<16xi32>
      %add3A_1581 = arith.addi %add3A_1580, %iota3A : vector<16xi32>
      %jit3A_1582 = arith.constant -1 : i32
      %broadcast_in_dim3A_1583 = vector.broadcast %jit3A_1582 : i32 to vector<16xi32>
      %select_n3A_1584 = arith.select %and3A_1578, %add3A_1581, %broadcast_in_dim3A_1583 : vector<16xi1>, vector<16xi32>
      %reduce_max3A_1585 = arith.constant true
      %reduce_max3A_1586 = vector.broadcast %reduce_max3A_1585 : i1 to vector<16xi1>
      %reduce_max3A_1587 = arith.constant -2147483648 : i32
      %reduce_max3A_1588 = vector.broadcast %reduce_max3A_1587 : i32 to vector<16xi32>
      %reduce_max3A_1589 = arith.xori %select_n3A_1584, %reduce_max3A_1588 : vector<16xi32>
      %reduce_max3A_1590 = tpu.scan <max>, %reduce_max3A_1589 masked %reduce_max3A_1586 : vector<16xi32>, vector<16xi1> -> vector<16xi32>
      %reduce_max3A_1591 = arith.xori %reduce_max3A_1590, %reduce_max3A_1588 : vector<16xi32>
      %reduce_max3A_1592 = vector.extract %reduce_max3A_1591[15] : i32 from vector<16xi32>
      %jit3A_1593 = arith.constant 0 : i32
      %broadcast_in_dim3A_1594 = vector.broadcast %jit3A_1593 : i32 to vector<16xi32>
      %select_n3A_1595 = arith.select %and3A_1578, %sub3A_1573, %broadcast_in_dim3A_1594 : vector<16xi1>, vector<16xi32>
      %reduce_max3A_1596 = arith.constant true
      %reduce_max3A_1597 = vector.broadcast %reduce_max3A_1596 : i1 to vector<16xi1>
      %reduce_max3A_1598 = arith.constant -2147483648 : i32
      %reduce_max3A_1599 = vector.broadcast %reduce_max3A_1598 : i32 to vector<16xi32>
      %reduce_max3A_1600 = arith.xori %select_n3A_1595, %reduce_max3A_1599 : vector<16xi32>
      %reduce_max3A_1601 = tpu.scan <max>, %reduce_max3A_1600 masked %reduce_max3A_1597 : vector<16xi32>, vector<16xi1> -> vector<16xi32>
      %reduce_max3A_1602 = arith.xori %reduce_max3A_1601, %reduce_max3A_1599 : vector<16xi32>
      %reduce_max3A_1603 = vector.extract %reduce_max3A_1602[15] : i32 from vector<16xi32>
      %reduce_sum3A_1604 = arith.constant true
      %reduce_sum3A_1605 = vector.broadcast %reduce_sum3A_1604 : i1 to vector<16xi1>
      %reduce_sum3A_1606 = tpu.scan <sum>, %add3A_1557 masked %reduce_sum3A_1605 : vector<16xi32>, vector<16xi1> -> vector<16xi32>
      %reduce_sum3A_1607 = vector.extract %reduce_sum3A_1606[15] : i32 from vector<16xi32>
      %ge3A_1608 = arith.constant 0 : i32
      %ge3A_1609 = arith.cmpi sge, %reduce_max3A_1592, %ge3A_1608 : i32
      %select_n3A_1610 = arith.select %ge3A_1609, %reduce_max3A_1592, %select_n3A_1504 : i32
      %sub3A_1611 = arith.subi %select_n3A_1162, %reduce_max3A_1603 : i32
      %select_n3A_1612 = arith.select %ge3A_1609, %sub3A_1611, %select_n3A_1506 : i32
      %add3A_1613 = arith.addi %add3A_1507, %reduce_sum3A_1607 : i32
      %shift_left3A_1614 = arith.constant 6 : i32
      %shift_left3A_1615 = arith.shli %or3A_1166, %shift_left3A_1614 : i32
      %or3A_1616 = arith.ori %shift_left3A_1615, %select_n3A_1610 : i32
      %parallel_loop3A_1617 = arith.constant 0 : i32
      %parallel_loop3A_1618 = arith.constant 1 : i32
      %parallel_loop3A_1619 = arith.constant 4 : i32
      %parallel_loop3A_1620 = arith.constant 0 : i32
      %parallel_loop3A_1621 = scf.for %parallel_loop3A_1752 = %parallel_loop3A_1617 to %shift_right_logical3A_1181 step %parallel_loop3A_1618 iter_args(%parallel_loop3A_1753 = %parallel_loop3A_1620) -> (i32)  : i32 {
        %parallel_loop3A_1754 = arith.constant 16 : i32
        %parallel_loop3A_1755 = arith.muli %parallel_loop3A_1752, %parallel_loop3A_1754 : i32
        %parallel_loop3A_1756 = arith.index_cast %parallel_loop3A_1755 : i32 to index
        %parallel_loop3A_1757 = tpu.vector_load %arg5[%parallel_loop3A_1756] {strides = array<i32>} : memref<16512xi32, #tpu.memory_space<vmem>>, vector<16xi32>,
        %parallel_loop3A_1758 = vector.broadcast %parallel_loop3A_1755 : i32 to vector<16xi32>
        %parallel_loop3A_1759 = arith.addi %parallel_loop3A_1758, %iota3A : vector<16xi32>
        %parallel_loop3A_1760 = vector.broadcast %parallel_loop3A_1171 : i32 to vector<16xi32>
        %parallel_loop3A_1761 = arith.cmpi slt, %parallel_loop3A_1759, %parallel_loop3A_1760 : vector<16xi32>
        %parallel_loop3A_1762 = vector.broadcast %parallel_loop3A_1619 : i32 to vector<16xi32>
        %parallel_loop3A_1763 = arith.shrui %parallel_loop3A_1757, %parallel_loop3A_1762 : vector<16xi32>
        %parallel_loop3A_1764 = vector.broadcast %or3A_1616 : i32 to vector<16xi32>
        %parallel_loop3A_1765 = arith.cmpi eq, %parallel_loop3A_1763, %parallel_loop3A_1764 : vector<16xi32>
        %parallel_loop3A_1766 = arith.andi %parallel_loop3A_1765, %parallel_loop3A_1761 : vector<16xi1>
        %parallel_loop3A_1767 = arith.index_cast %parallel_loop3A_1753 : i32 to index
        %parallel_loop3A_1768 = tpu.vector_load %arg6[%parallel_loop3A_1767] masked %parallel_loop3A_1766 {strides = array<i32>} : memref<16512xi32, #tpu.memory_space<vmem>>, vector<16xi32>, vector<16xi1>
        tpu.vector_store %arg6[%parallel_loop3A_1767], %parallel_loop3A_1757 masked %parallel_loop3A_1766 {strides = array<i32>} : memref<16512xi32, #tpu.memory_space<vmem>>, vector<16xi32>, vector<16xi1>
        %parallel_loop3A_1769 = tpu.all_reduce %parallel_loop3A_1766 {dim = 0 : i64, kind = #tpu.reduction_kind<sum>} : vector<16xi1> -> vector<16xi32>
        %parallel_loop3A_1770 = vector.extract_strided_slice %parallel_loop3A_1769 {offsets = [0], sizes = [1], strides = [1]} : vector<16xi32> to vector<1xi32>
        %parallel_loop3A_1771 = vector.extract %parallel_loop3A_1770[0] : i32 from vector<1xi32>
        %parallel_loop3A_1772 = arith.addi %parallel_loop3A_1753, %parallel_loop3A_1771 : i32
        scf.yield %parallel_loop3A_1772 : i32
      } {sc.loop_unroll_factor = 2 : i64, sc.parallel_access}
      %parallel_loop3A_1622 = arith.constant 0 : i32
      %parallel_loop3A_1623 = arith.constant 17 : i32
      %parallel_loop3A_1624 = arith.constant 1 : i32
      scf.for %parallel_loop3A_1752 = %parallel_loop3A_1622 to %parallel_loop3A_1623 step %parallel_loop3A_1624  : i32 {
        %parallel_loop3A_1753 = arith.constant 0 : i32
        %parallel_loop3A_1754 = vector.broadcast %parallel_loop3A_1753 : i32 to vector<16xi32>
        %parallel_loop3A_1755 = arith.constant 16 : i32
        %parallel_loop3A_1756 = arith.muli %parallel_loop3A_1752, %parallel_loop3A_1755 : i32
        %parallel_loop3A_1757 = arith.index_cast %parallel_loop3A_1756 : i32 to index
        %parallel_loop3A_1758 = tpu.vector_load %arg7[%parallel_loop3A_1757] {strides = array<i32>} : memref<8320xi32, #tpu.memory_space<vmem>>, vector<16xi32>,
        tpu.vector_store %arg7[%parallel_loop3A_1757], %parallel_loop3A_1754 {strides = array<i32>} : memref<8320xi32, #tpu.memory_space<vmem>>, vector<16xi32>,
      } {sc.loop_unroll_factor = 8 : i64, sc.parallel_access}
      %mul3A_1625 = arith.constant 17 : i32
      %mul3A_1626 = vector.broadcast %mul3A_1625 : i32 to vector<16xi32>
      %mul3A_1627 = arith.muli %iota3A, %mul3A_1626 : vector<16xi32>
      %add3A_1628 = arith.constant 15 : i32
      %add3A_1629 = arith.addi %parallel_loop3A_1621, %add3A_1628 : i32
      %shift_right_logical3A_1630 = arith.constant 4 : i32
      %shift_right_logical3A_1631 = arith.shrui %add3A_1629, %shift_right_logical3A_1630 : i32
      %parallel_loop3A_1632 = arith.constant 0 : i32
      %parallel_loop3A_1633 = arith.constant 1 : i32
      %parallel_loop3A_1634 = arith.constant 0 : i32
      %parallel_loop3A_1635 = arith.constant 15 : i32
      scf.for %parallel_loop3A_1752 = %parallel_loop3A_1632 to %shift_right_logical3A_1631 step %parallel_loop3A_1633  : i32 {
        %parallel_loop3A_1753 = arith.constant 16 : i32
        %parallel_loop3A_1754 = arith.muli %parallel_loop3A_1752, %parallel_loop3A_1753 : i32
        %parallel_loop3A_1755 = arith.index_cast %parallel_loop3A_1754 : i32 to index
        %parallel_loop3A_1756 = tpu.vector_load %arg6[%parallel_loop3A_1755] {strides = array<i32>} : memref<16512xi32, #tpu.memory_space<vmem>>, vector<16xi32>,
        %parallel_loop3A_1757 = vector.broadcast %parallel_loop3A_1754 : i32 to vector<16xi32>
        %parallel_loop3A_1758 = arith.addi %parallel_loop3A_1757, %iota3A : vector<16xi32>
        %parallel_loop3A_1759 = vector.broadcast %parallel_loop3A_1621 : i32 to vector<16xi32>
        %parallel_loop3A_1760 = arith.cmpi slt, %parallel_loop3A_1758, %parallel_loop3A_1759 : vector<16xi32>
        %parallel_loop3A_1761 = vector.broadcast %parallel_loop3A_1634 : i32 to vector<16xi32>
        %parallel_loop3A_1762 = arith.shrui %parallel_loop3A_1756, %parallel_loop3A_1761 : vector<16xi32>
        %parallel_loop3A_1763 = vector.broadcast %parallel_loop3A_1635 : i32 to vector<16xi32>
        %parallel_loop3A_1764 = arith.andi %parallel_loop3A_1762, %parallel_loop3A_1763 : vector<16xi32>
        %parallel_loop3A_1765 = arith.addi %mul3A_1627, %parallel_loop3A_1764 : vector<16xi32>
        tpu.vector_store_idx %arg7[%parallel_loop3A_1765], %broadcast_in_dim3A_1 masked %parallel_loop3A_1760 {add = true} : memref<8320xi32, #tpu.memory_space<vmem>>[vector<16xi32>], vector<16xi32>, vector<16xi1>
      } {sc.loop_unroll_factor = 2 : i64, sc.parallel_access}
      %broadcast_in_dim3A_1636 = arith.constant 0 : i32
      %broadcast_in_dim3A_1637 = vector.broadcast %broadcast_in_dim3A_1636 : i32 to vector<16xi32>
      %get3A_1638 = arith.constant 0 : index
      %get3A_1639 = tpu.vector_load %arg7[%get3A_1638] {strides = array<i32>} : memref<8320xi32, #tpu.memory_space<vmem>>, vector<16xi32>,
      %add3A_1640 = arith.addi %broadcast_in_dim3A_1637, %get3A_1639 : vector<16xi32>
      %get3A_1641 = arith.constant 17 : index
      %get3A_1642 = tpu.vector_load %arg7[%get3A_1641] {strides = array<i32>} : memref<8320xi32, #tpu.memory_space<vmem>>, vector<16xi32>,
      %add3A_1643 = arith.addi %add3A_1640, %get3A_1642 : vector<16xi32>
      %get3A_1644 = arith.constant 34 : index
      %get3A_1645 = tpu.vector_load %arg7[%get3A_1644] {strides = array<i32>} : memref<8320xi32, #tpu.memory_space<vmem>>, vector<16xi32>,
      %add3A_1646 = arith.addi %add3A_1643, %get3A_1645 : vector<16xi32>
      %get3A_1647 = arith.constant 51 : index
      %get3A_1648 = tpu.vector_load %arg7[%get3A_1647] {strides = array<i32>} : memref<8320xi32, #tpu.memory_space<vmem>>, vector<16xi32>,
      %add3A_1649 = arith.addi %add3A_1646, %get3A_1648 : vector<16xi32>
      %get3A_1650 = arith.constant 68 : index
      %get3A_1651 = tpu.vector_load %arg7[%get3A_1650] {strides = array<i32>} : memref<8320xi32, #tpu.memory_space<vmem>>, vector<16xi32>,
      %add3A_1652 = arith.addi %add3A_1649, %get3A_1651 : vector<16xi32>
      %get3A_1653 = arith.constant 85 : index
      %get3A_1654 = tpu.vector_load %arg7[%get3A_1653] {strides = array<i32>} : memref<8320xi32, #tpu.memory_space<vmem>>, vector<16xi32>,
      %add3A_1655 = arith.addi %add3A_1652, %get3A_1654 : vector<16xi32>
      %get3A_1656 = arith.constant 102 : index
      %get3A_1657 = tpu.vector_load %arg7[%get3A_1656] {strides = array<i32>} : memref<8320xi32, #tpu.memory_space<vmem>>, vector<16xi32>,
      %add3A_1658 = arith.addi %add3A_1655, %get3A_1657 : vector<16xi32>
      %get3A_1659 = arith.constant 119 : index
      %get3A_1660 = tpu.vector_load %arg7[%get3A_1659] {strides = array<i32>} : memref<8320xi32, #tpu.memory_space<vmem>>, vector<16xi32>,
      %add3A_1661 = arith.addi %add3A_1658, %get3A_1660 : vector<16xi32>
      %get3A_1662 = arith.constant 136 : index
      %get3A_1663 = tpu.vector_load %arg7[%get3A_1662] {strides = array<i32>} : memref<8320xi32, #tpu.memory_space<vmem>>, vector<16xi32>,
      %add3A_1664 = arith.addi %add3A_1661, %get3A_1663 : vector<16xi32>
      %get3A_1665 = arith.constant 153 : index
      %get3A_1666 = tpu.vector_load %arg7[%get3A_1665] {strides = array<i32>} : memref<8320xi32, #tpu.memory_space<vmem>>, vector<16xi32>,
      %add3A_1667 = arith.addi %add3A_1664, %get3A_1666 : vector<16xi32>
      %get3A_1668 = arith.constant 170 : index
      %get3A_1669 = tpu.vector_load %arg7[%get3A_1668] {strides = array<i32>} : memref<8320xi32, #tpu.memory_space<vmem>>, vector<16xi32>,
      %add3A_1670 = arith.addi %add3A_1667, %get3A_1669 : vector<16xi32>
      %get3A_1671 = arith.constant 187 : index
      %get3A_1672 = tpu.vector_load %arg7[%get3A_1671] {strides = array<i32>} : memref<8320xi32, #tpu.memory_space<vmem>>, vector<16xi32>,
      %add3A_1673 = arith.addi %add3A_1670, %get3A_1672 : vector<16xi32>
      %get3A_1674 = arith.constant 204 : index
      %get3A_1675 = tpu.vector_load %arg7[%get3A_1674] {strides = array<i32>} : memref<8320xi32, #tpu.memory_space<vmem>>, vector<16xi32>,
      %add3A_1676 = arith.addi %add3A_1673, %get3A_1675 : vector<16xi32>
      %get3A_1677 = arith.constant 221 : index
      %get3A_1678 = tpu.vector_load %arg7[%get3A_1677] {strides = array<i32>} : memref<8320xi32, #tpu.memory_space<vmem>>, vector<16xi32>,
      %add3A_1679 = arith.addi %add3A_1676, %get3A_1678 : vector<16xi32>
      %get3A_1680 = arith.constant 238 : index
      %get3A_1681 = tpu.vector_load %arg7[%get3A_1680] {strides = array<i32>} : memref<8320xi32, #tpu.memory_space<vmem>>, vector<16xi32>,
      %add3A_1682 = arith.addi %add3A_1679, %get3A_1681 : vector<16xi32>
      %get3A_1683 = arith.constant 255 : index
      %get3A_1684 = tpu.vector_load %arg7[%get3A_1683] {strides = array<i32>} : memref<8320xi32, #tpu.memory_space<vmem>>, vector<16xi32>,
      %add3A_1685 = arith.addi %add3A_1682, %get3A_1684 : vector<16xi32>
      %rev3A_1686 = arith.constant 15 : i32
      %rev3A_1687 = vector.broadcast %rev3A_1686 : i32 to vector<16xi32>
      %rev3A_1688 = tpu.iota {dimensions = array<i32: 0>} : vector<16xi32>
      %rev3A_1689 = arith.subi %rev3A_1687, %rev3A_1688 : vector<16xi32>
      %rev3A_1690 = tpu.dynamic_gather %add3A_1685[%rev3A_1689] in [0] : vector<16xi32>, vector<16xi32> -> vector<16xi32>
      %cumsum3A_1691 = arith.constant true
      %cumsum3A_1692 = vector.broadcast %cumsum3A_1691 : i1 to vector<16xi1>
      %cumsum3A_1693 = tpu.scan <sum>, %rev3A_1690 masked %cumsum3A_1692 : vector<16xi32>, vector<16xi1> -> vector<16xi32>
      %rev3A_1694 = arith.constant 15 : i32
      %rev3A_1695 = vector.broadcast %rev3A_1694 : i32 to vector<16xi32>
      %rev3A_1696 = tpu.iota {dimensions = array<i32: 0>} : vector<16xi32>
      %rev3A_1697 = arith.subi %rev3A_1695, %rev3A_1696 : vector<16xi32>
      %rev3A_1698 = tpu.dynamic_gather %cumsum3A_1693[%rev3A_1697] in [0] : vector<16xi32>, vector<16xi32> -> vector<16xi32>
      %add3A_1699 = arith.constant 0 : i32
      %add3A_1700 = vector.broadcast %add3A_1699 : i32 to vector<16xi32>
      %add3A_1701 = arith.addi %rev3A_1698, %add3A_1700 : vector<16xi32>
      %sub3A_1702 = arith.subi %add3A_1701, %add3A_1685 : vector<16xi32>
      %lt3A_1703 = vector.broadcast %select_n3A_1612 : i32 to vector<16xi32>
      %lt3A_1704 = arith.cmpi slt, %sub3A_1702, %lt3A_1703 : vector<16xi32>
      %ge3A_1705 = vector.broadcast %select_n3A_1612 : i32 to vector<16xi32>
      %ge3A_1706 = arith.cmpi sge, %add3A_1701, %ge3A_1705 : vector<16xi32>
      %and3A_1707 = arith.andi %lt3A_1704, %ge3A_1706 : vector<16xi1>
      %add3A_1708 = arith.constant 0 : i32
      %add3A_1709 = vector.broadcast %add3A_1708 : i32 to vector<16xi32>
      %add3A_1710 = arith.addi %add3A_1709, %iota3A : vector<16xi32>
      %jit3A_1711 = arith.constant -1 : i32
      %broadcast_in_dim3A_1712 = vector.broadcast %jit3A_1711 : i32 to vector<16xi32>
      %select_n3A_1713 = arith.select %and3A_1707, %add3A_1710, %broadcast_in_dim3A_1712 : vector<16xi1>, vector<16xi32>
      %reduce_max3A_1714 = arith.constant true
      %reduce_max3A_1715 = vector.broadcast %reduce_max3A_1714 : i1 to vector<16xi1>
      %reduce_max3A_1716 = arith.constant -2147483648 : i32
      %reduce_max3A_1717 = vector.broadcast %reduce_max3A_1716 : i32 to vector<16xi32>
      %reduce_max3A_1718 = arith.xori %select_n3A_1713, %reduce_max3A_1717 : vector<16xi32>
      %reduce_max3A_1719 = tpu.scan <max>, %reduce_max3A_1718 masked %reduce_max3A_1715 : vector<16xi32>, vector<16xi1> -> vector<16xi32>
      %reduce_max3A_1720 = arith.xori %reduce_max3A_1719, %reduce_max3A_1717 : vector<16xi32>
      %reduce_max3A_1721 = vector.extract %reduce_max3A_1720[15] : i32 from vector<16xi32>
      %jit3A_1722 = arith.constant 0 : i32
      %broadcast_in_dim3A_1723 = vector.broadcast %jit3A_1722 : i32 to vector<16xi32>
      %select_n3A_1724 = arith.select %and3A_1707, %sub3A_1702, %broadcast_in_dim3A_1723 : vector<16xi1>, vector<16xi32>
      %reduce_max3A_1725 = arith.constant true
      %reduce_max3A_1726 = vector.broadcast %reduce_max3A_1725 : i1 to vector<16xi1>
      %reduce_max3A_1727 = arith.constant -2147483648 : i32
      %reduce_max3A_1728 = vector.broadcast %reduce_max3A_1727 : i32 to vector<16xi32>
      %reduce_max3A_1729 = arith.xori %select_n3A_1724, %reduce_max3A_1728 : vector<16xi32>
      %reduce_max3A_1730 = tpu.scan <max>, %reduce_max3A_1729 masked %reduce_max3A_1726 : vector<16xi32>, vector<16xi1> -> vector<16xi32>
      %reduce_max3A_1731 = arith.xori %reduce_max3A_1730, %reduce_max3A_1728 : vector<16xi32>
      %reduce_max3A_1732 = vector.extract %reduce_max3A_1731[15] : i32 from vector<16xi32>
      %reduce_sum3A_1733 = arith.constant true
      %reduce_sum3A_1734 = vector.broadcast %reduce_sum3A_1733 : i1 to vector<16xi1>
      %reduce_sum3A_1735 = tpu.scan <sum>, %add3A_1685 masked %reduce_sum3A_1734 : vector<16xi32>, vector<16xi1> -> vector<16xi32>
      %reduce_sum3A_1736 = vector.extract %reduce_sum3A_1735[15] : i32 from vector<16xi32>
      %ge3A_1737 = arith.constant 0 : i32
      %ge3A_1738 = arith.cmpi sge, %reduce_max3A_1721, %ge3A_1737 : i32
      %jit3A_1739 = arith.constant -1 : i32
      %select_n3A_1740 = arith.select %ge3A_1738, %reduce_max3A_1721, %jit3A_1739 : i32
      %sub3A_1741 = arith.subi %select_n3A_1612, %reduce_max3A_1732 : i32
      %jit3A_1742 = arith.constant -1 : i32
      %select_n3A_1743 = arith.select %ge3A_1738, %sub3A_1741, %jit3A_1742 : i32
      %add3A_1744 = arith.constant 0 : i32
      %add3A_1745 = arith.addi %add3A_1744, %reduce_sum3A_1736 : i32
      %shift_left3A_1746 = arith.constant 4 : i32
      %shift_left3A_1747 = arith.shli %or3A_1616, %shift_left3A_1746 : i32
      %or3A_1748 = arith.ori %shift_left3A_1747, %select_n3A_1740 : i32
      %broadcast_in_dim3A_1749 = vector.broadcast %or3A_1748 : i32 to vector<16xi32>
      %bitcast_convert_type3A = tpu.bitcast %broadcast_in_dim3A_1749 : vector<16xi32> -> vector<16xf32>
      %eq3A = vector.broadcast %scan3A_22 : i32 to vector<16xi32>
      %eq3A_1750 = arith.cmpi eq, %iota3A, %eq3A : vector<16xi32>
      %select_n3A_1751 = arith.select %eq3A_1750, %bitcast_convert_type3A, %scan3A_23 : vector<16xi1>, vector<16xf32>
      scf.yield %select_n3A_1751 : vector<16xf32>
    }
    %scan3A_20 = arith.constant 8 : i32
    %swap3A = arith.constant 0 : index
    %swap3A_21 = tpu.vector_load %arg8[%swap3A] {strides = array<i32>} : memref<16xf32, #tpu.memory_space<vmem>>, vector<16xf32>,
    tpu.vector_store %arg8[%swap3A], %scan3A_19 {strides = array<i32>} : memref<16xf32, #tpu.memory_space<vmem>>, vector<16xf32>,
    "tpu.region"() ({
      %run_scoped3A = tpu.sem_alloc : memref<!tpu.dma_semaphore, #tpu.memory_space<semaphore_mem>>
      %dma_start3A_22 = arith.constant 0 : i32
      %dma_start3A_23 = tpu.memref_slice %arg3[%add3A, %dma_start3A_22] : memref<32x16xf32, #tpu.memory_space<hbm>> -> memref<1x16xf32, #tpu.memory_space<hbm>>
      %dma_start3A_24 = tpu.memref_squeeze %dma_start3A_23 : memref<1x16xf32, #tpu.memory_space<hbm>> -> memref<16xf32, #tpu.memory_space<hbm>>
      %dma_start3A_25 = arith.constant 0 : i32
      %dma_start3A_26 = tpu.memref_slice %arg3[%add3A, %dma_start3A_25] : memref<32x16xf32, #tpu.memory_space<hbm>> -> memref<1x16xf32, #tpu.memory_space<hbm>>
      %dma_start3A_27 = tpu.memref_squeeze %dma_start3A_26 : memref<1x16xf32, #tpu.memory_space<hbm>> -> memref<16xf32, #tpu.memory_space<hbm>>
      tpu.enqueue_dma source(%arg8 : memref<16xf32, #tpu.memory_space<vmem>>) target(%dma_start3A_27 : memref<16xf32, #tpu.memory_space<hbm>>) target_semaphore(%run_scoped3A : memref<!tpu.dma_semaphore, #tpu.memory_space<semaphore_mem>>)
      %dma_wait3A = arith.constant 0 : i32
      %dma_wait3A_28 = tpu.memref_slice %arg3[%add3A, %dma_wait3A] : memref<32x16xf32, #tpu.memory_space<hbm>> -> memref<1x16xf32, #tpu.memory_space<hbm>>
      %dma_wait3A_29 = tpu.memref_squeeze %dma_wait3A_28 : memref<1x16xf32, #tpu.memory_space<hbm>> -> memref<16xf32, #tpu.memory_space<hbm>>
      %dma_wait3A_30 = arith.constant 0 : i32
      %dma_wait3A_31 = tpu.memref_slice %arg3[%add3A, %dma_wait3A_30] : memref<32x16xf32, #tpu.memory_space<hbm>> -> memref<1x16xf32, #tpu.memory_space<hbm>>
      %dma_wait3A_32 = tpu.memref_squeeze %dma_wait3A_31 : memref<1x16xf32, #tpu.memory_space<hbm>> -> memref<16xf32, #tpu.memory_space<hbm>>
      tpu.wait_dma2 semaphore(%run_scoped3A : memref<!tpu.dma_semaphore, #tpu.memory_space<semaphore_mem>>) src(%arg8 : memref<16xf32, #tpu.memory_space<vmem>>) dst(%dma_wait3A_32 : memref<16xf32, #tpu.memory_space<hbm>>)
      tpu.yield
    }) : () -> ()
    return
  }
}

module attributes {stable_mosaic.version = 14 : i64} {
  func.func @_decode_body(%arg0: i32, %arg1: memref<256x2048xf32, #tpu.memory_space<vmem>>, %arg2: memref<256x128xf32, #tpu.memory_space<vmem>>, %arg3: memref<256x1xf32, #tpu.memory_space<vmem>>, %arg4: memref<1x128xf32, #tpu.memory_space<vmem>>, %arg5: memref<2048x128xf32, #tpu.memory_space<vmem>>) attributes {dimension_semantics = [#tpu.dimension_semantics<arbitrary>], iteration_bounds = array<i64: 8>, scalar_prefetch = 0 : i64, scratch_operands = 0 : i64, tpu.core_type = #tpu.core_type<tc>, window_params = [{transform_indices = @transform_0, window_bounds = array<i64: 256, 2048>}, {pipeline_mode = #tpu.pipeline_mode<synchronous>, transform_indices = @transform_1, window_bounds = array<i64: 256, 128>}, {pipeline_mode = #tpu.pipeline_mode<synchronous>, transform_indices = @transform_2, window_bounds = array<i64: 256, 1>}, {pipeline_mode = #tpu.pipeline_mode<synchronous>, transform_indices = @transform_3, window_bounds = array<i64: 1, 128>}, {transform_indices = @transform_4, window_bounds = array<i64: 2048, 128>}]} {
    %get3A = arith.constant 0 : index
    %get3A_0 = arith.constant 0 : index
    %get3A_1 = vector.load %arg1[%get3A, %get3A_0] : memref<256x2048xf32, #tpu.memory_space<vmem>>, vector<256x2048xf32>
    %get3A_2 = arith.constant 0 : index
    %get3A_3 = arith.constant 0 : index
    %get3A_4 = vector.load %arg3[%get3A_2, %get3A_3] : memref<256x1xf32, #tpu.memory_space<vmem>>, vector<256x1xf32>
    %ge3A = vector.broadcast %get3A_4 : vector<256x1xf32> to vector<256x2048xf32>
    %ge3A_5 = arith.cmpf oge, %get3A_1, %ge3A : vector<256x2048xf32>
    %jit3A = arith.constant 0.000000e+00 : f32
    %broadcast_in_dim3A = vector.broadcast %jit3A : f32 to vector<256x2048xf32>
    %select_n3A = arith.select %ge3A_5, %get3A_1, %broadcast_in_dim3A : vector<256x2048xi1>, vector<256x2048xf32>
    %get3A_6 = arith.constant 0 : index
    %get3A_7 = arith.constant 0 : index
    %get3A_8 = vector.load %arg2[%get3A_6, %get3A_7] : memref<256x128xf32, #tpu.memory_space<vmem>>, vector<256x128xf32>
    %dot_general3A = arith.constant dense<0.000000e+00> : vector<2048x128xf32>
    %dot_general3A_9 = tpu.matmul %select_n3A, %get3A_8, %dot_general3A {dimension_numbers = #tpu.dot_dimension_numbers<[0], [0], [1], [1], [0, 1, 1, 1], [], []>, transpose_lhs_hint = false} : vector<256x2048xf32>, vector<256x128xf32>, vector<2048x128xf32> -> vector<2048x128xf32>
    %get3A_10 = arith.constant 0 : index
    %get3A_11 = arith.constant 0 : index
    %get3A_12 = vector.load %arg4[%get3A_10, %get3A_11] : memref<1x128xf32, #tpu.memory_space<vmem>>, vector<1x128xf32>
    %add3A = vector.broadcast %get3A_12 : vector<1x128xf32> to vector<2048x128xf32>
    %add3A_13 = arith.addf %dot_general3A_9, %add3A : vector<2048x128xf32>
    %swap3A = arith.constant 0 : index
    %swap3A_14 = arith.constant 0 : index
    %swap3A_15 = vector.load %arg5[%swap3A, %swap3A_14] : memref<2048x128xf32, #tpu.memory_space<vmem>>, vector<2048x128xf32>
    tpu.vector_store %arg5[%swap3A, %swap3A_14], %add3A_13 {strides = array<i32>} : memref<2048x128xf32, #tpu.memory_space<vmem>>, vector<2048x128xf32>,
    return
  }
  func.func @transform_0(%arg0: i32) -> (i32, i32) {
    %c0_i32 = arith.constant 0 : i32
    %c0_i32_0 = arith.constant 0 : i32
    return %c0_i32, %arg0 : i32, i32
  }
  func.func @transform_1(%arg0: i32) -> (i32, i32) {
    %c0_i32 = arith.constant 0 : i32
    %c0_i32_0 = arith.constant 0 : i32
    %c0_i32_1 = arith.constant 0 : i32
    return %c0_i32, %c0_i32_0 : i32, i32
  }
  func.func @transform_2(%arg0: i32) -> (i32, i32) {
    %c0_i32 = arith.constant 0 : i32
    %c0_i32_0 = arith.constant 0 : i32
    %c0_i32_1 = arith.constant 0 : i32
    return %c0_i32, %c0_i32_0 : i32, i32
  }
  func.func @transform_3(%arg0: i32) -> (i32, i32) {
    %c0_i32 = arith.constant 0 : i32
    %c0_i32_0 = arith.constant 0 : i32
    %c0_i32_1 = arith.constant 0 : i32
    return %c0_i32, %c0_i32_0 : i32, i32
  }
  func.func @transform_4(%arg0: i32) -> (i32, i32) {
    %c0_i32 = arith.constant 0 : i32
    %c0_i32_0 = arith.constant 0 : i32
    return %arg0, %c0_i32 : i32, i32
  }
}

module attributes {stable_mosaic.version = 14 : i64} {
  func.func @_encode_body(%arg0: i32, %arg1: memref<2048x128xf32, #tpu.memory_space<vmem>>, %arg2: memref<256x128xf32, #tpu.memory_space<vmem>>, %arg3: memref<256x1xf32, #tpu.memory_space<vmem>>, %arg4: memref<256x2048xf32, #tpu.memory_space<vmem>>) attributes {dimension_semantics = [#tpu.dimension_semantics<arbitrary>], iteration_bounds = array<i64: 8>, scalar_prefetch = 0 : i64, scratch_operands = 0 : i64, tpu.core_type = #tpu.core_type<tc>, window_params = [{transform_indices = @transform_0, window_bounds = array<i64: 2048, 128>}, {pipeline_mode = #tpu.pipeline_mode<synchronous>, transform_indices = @transform_1, window_bounds = array<i64: 256, 128>}, {pipeline_mode = #tpu.pipeline_mode<synchronous>, transform_indices = @transform_2, window_bounds = array<i64: 256, 1>}, {transform_indices = @transform_3, window_bounds = array<i64: 256, 2048>}]} {
    %get3A = arith.constant 0 : index
    %get3A_0 = arith.constant 0 : index
    %get3A_1 = vector.load %arg1[%get3A, %get3A_0] : memref<2048x128xf32, #tpu.memory_space<vmem>>, vector<2048x128xf32>
    %get3A_2 = arith.constant 0 : index
    %get3A_3 = arith.constant 0 : index
    %get3A_4 = vector.load %arg2[%get3A_2, %get3A_3] : memref<256x128xf32, #tpu.memory_space<vmem>>, vector<256x128xf32>
    %dot_general3A = arith.constant dense<0.000000e+00> : vector<256x2048xf32>
    %dot_general3A_5 = tpu.matmul %get3A_4, %get3A_1, %dot_general3A {dimension_numbers = #tpu.dot_dimension_numbers<[1], [1], [0], [0], [0, 0, 1, 0], [], []>, transpose_lhs_hint = false} : vector<256x128xf32>, vector<2048x128xf32>, vector<256x2048xf32> -> vector<256x2048xf32>
    %get3A_6 = arith.constant 0 : index
    %get3A_7 = arith.constant 0 : index
    %get3A_8 = vector.load %arg3[%get3A_6, %get3A_7] : memref<256x1xf32, #tpu.memory_space<vmem>>, vector<256x1xf32>
    %add3A = vector.broadcast %get3A_8 : vector<256x1xf32> to vector<256x2048xf32>
    %add3A_9 = arith.addf %dot_general3A_5, %add3A : vector<256x2048xf32>
    %gt3A = arith.constant 0.000000e+00 : f32
    %gt3A_10 = vector.broadcast %gt3A : f32 to vector<256x2048xf32>
    %gt3A_11 = arith.cmpf ogt, %add3A_9, %gt3A_10 : vector<256x2048xf32>
    %jit3A = arith.constant 0.000000e+00 : f32
    %broadcast_in_dim3A = vector.broadcast %jit3A : f32 to vector<256x2048xf32>
    %select_n3A = arith.select %gt3A_11, %add3A_9, %broadcast_in_dim3A : vector<256x2048xi1>, vector<256x2048xf32>
    %swap3A = arith.constant 0 : index
    %swap3A_12 = arith.constant 0 : index
    %swap3A_13 = vector.load %arg4[%swap3A, %swap3A_12] : memref<256x2048xf32, #tpu.memory_space<vmem>>, vector<256x2048xf32>
    tpu.vector_store %arg4[%swap3A, %swap3A_12], %select_n3A {strides = array<i32>} : memref<256x2048xf32, #tpu.memory_space<vmem>>, vector<256x2048xf32>,
    return
  }
  func.func @transform_0(%arg0: i32) -> (i32, i32) {
    %c0_i32 = arith.constant 0 : i32
    %c0_i32_0 = arith.constant 0 : i32
    return %arg0, %c0_i32 : i32, i32
  }
  func.func @transform_1(%arg0: i32) -> (i32, i32) {
    %c0_i32 = arith.constant 0 : i32
    %c0_i32_0 = arith.constant 0 : i32
    %c0_i32_1 = arith.constant 0 : i32
    return %c0_i32, %c0_i32_0 : i32, i32
  }
  func.func @transform_2(%arg0: i32) -> (i32, i32) {
    %c0_i32 = arith.constant 0 : i32
    %c0_i32_0 = arith.constant 0 : i32
    %c0_i32_1 = arith.constant 0 : i32
    return %c0_i32, %c0_i32_0 : i32, i32
  }
  func.func @transform_3(%arg0: i32) -> (i32, i32) {
    %c0_i32 = arith.constant 0 : i32
    %c0_i32_0 = arith.constant 0 : i32
    return %c0_i32, %arg0 : i32, i32
  }
}

</mosaic_0001>

<sc_bundles>
// kernel: kernel.5.cloned.1.call-start
scs
__scs_entry_jumppad:
0x0: {  	(pc) =	sbr.rel $0x88, $3  }
0x1: {  	(tag) =	ssettag $0x0;
	lr =	simm.s32 $0x1  }
0x2: {  	[smem:$0x3F9D] =	sst lr;
	_ =	strace $0xD0000000  }
0x3: {  	_ = 	snop  }
0x4: {  	_ = 	snop  }
0x5: {  	_ = 	snop  }
0x6: {  	_ = 	snop  }
0x7: {  	_ = 	snop  }
__scs_overlays_trampoline_lowered:
0x8: {  	[smem:$0x3FAC] =	sst s0  }
0x9: {  	[smem:$0x3FAD] =	sst s1  }
0xa: {  	[smem:$0x3FAE] =	sst s2  }
0xb: {  	[smem:$0x3FAF] =	sst s3  }
0xc: {  	[smem:$0x3FB0] =	sst s4  }
0xd: {  	[smem:$0x3FB1] =	sst s5  }
0xe: {  	[smem:$0x3FB2] =	sst s6  }
0xf: {  	[smem:$0x3FB3] =	sst s7  }
0x10: {  	[smem:$0x3FB4] =	sst s8  }
0x11: {  	[smem:$0x3FB5] =	sst s9;
	s0 =	simm.s32 @!p0 $0x0  }
0x12: {  	s1 =	sld [smem:$0x3F9B];
	s0 =	simm.s32 @p0 $0x1  }
0x13: {  	[smem:$0x3FB6] =	sst s0;
	s0 =	simm.s32 @!p1 $0x0  }
0x14: {  	s2 =	sld [smem:$0x3F9A];
	s0 =	simm.s32 @p1 $0x1  }
0x15: {  	[smem:$0x3FB7] =	sst s0;
	s0 =	simm.s32 @!p2 $0x0  }
0x16: {  	s3 =	sld [smem:$0x3FDB];
	s0 =	simm.s32 @p2 $0x1  }
0x17: {  	s4 =	simm.s32 $0x1BF5;
	[smem:$0x3FB9] =	sst s0  }
0x18: {  	s0 =	sld [smem:$0x3F9C];
	_ =	swait.ge [sflag:s4], $0x0  }
0x19: {  	s7 =	sld [smem:$0x3F9D]  }
0x1a: {  	s8 =	sadd.s32 $0xFFFFE003, lr  }
0x1b: {  	s9 =	sadd.s32 $0xFFFFFEF7, lr;
	s5 =	simm.s32 $0xFFFFFFFF;
	p2 =	slt.u32 s8, $0xFFFFF086  }
0x1c: {  	p1 =	slt.u32 s9, $0xF7A;
	s5 =	simm.s32 @!p2 $0x0  }
0x1d: {  	s5 =	simm.s32 @p1 $0x1;
	p0 =	seq.s32 s7, s2  }
0x1e: {  	s7 =	smul.u32 @!p0 $0xF7A, s2;
	p2 =	seq.s32 @!p0 s5, $0x0  }
0x1f: {  	s9 =	smul.u32 $0xF7A, s1;
	s8 =	simm.s32 @!p0 $0x1BF5;
	p2 =	por !p2, p0  }
0x20: {  	[sflag:s8] =	ssyncset.s32 @!p0 $0xFFFFF086;
	s6 =	sadd.s32 @!p0 s3, s7;
	s7 =	simm.s32 @!p0 $0x108  }
0x21: {  	s3 =	sadd.s32 s3, s9;
	s6 =	sadd.s32 @!p0 $0x88, s6;
	s7 =	simm.s32 @p2 $0x1082  }
0x22: {  	[simem:s7], [sflag:s8] =	dma.local @!p0 [hbm:s6], $0xF7A  }
0x23: {  	s9 =	sor.u32 $0xD0000000, s2;
	s6 =	simm.s32 $0x108;
	_ =	swait.ge @!p0 [sflag:s8], $0x0  }
0x24: {  	s3 =	sadd.s32 $0x88, s3;
	s6 =	simm.s32 @!p1 $0x1082;
	[sflag:s4] =	ssyncset.s32 $0xFFFFF086  }
0x25: {  	[simem:s6], [sflag:s4] =	dma.local [hbm:s3], $0xF7A  }
0x26: {  	[smem:$0x3F9D] =	sst s1;
	(tag) =	ssettag s2;
	_ =	strace s9  }
0x27: {  	s1 =	sld [smem:$0x3FAD]  }
0x28: {  	s2 =	sld [smem:$0x3FAE]  }
0x29: {  	s4 =	sld [smem:$0x3FB0]  }
0x2a: {  	p0 =	seq.s32 s5, $0x0;
	s5 =	sld [smem:$0x3FB1]  }
0x2b: {  	s6 =	sld [smem:$0x3FB2]  }
0x2c: {  	s7 =	sld [smem:$0x3FB3]  }
0x2d: {  	s3 =	simm.s32 $0x108;
	s8 =	sld [smem:$0x3FB4]  }
0x2e: {  	s3 =	simm.s32 @!p0 $0x1082;
	s9 =	sld [smem:$0x3FB5]  }
0x2f: {  	lr =	sadd.s32 s0, s3;
	s0 =	sld [smem:$0x3FAC]  }
0x30: {  	s3 =	sld [smem:$0x3FAF]  }
0x31: {  	[smem:$0x3FB8] =	sst s10  }
0x32: {  	s10 =	sld [smem:$0x3FB6];
	_ =	sdelay $0x3  }
0x33: {  	p0 =	seq.s32 s10, $0x1;
	s10 =	sld [smem:$0x3FB8];
	_ =	sdelay $0x3  }
0x34: {  	[smem:$0x3FB8] =	sst s10  }
0x35: {  	s10 =	sld [smem:$0x3FB7];
	_ =	sdelay $0x3  }
0x36: {  	p1 =	seq.s32 s10, $0x1;
	s10 =	sld [smem:$0x3FB8];
	_ =	sdelay $0x3  }
0x37: {  	[smem:$0x3FB8] =	sst s10  }
0x38: {  	s10 =	sld [smem:$0x3FB9]  }
0x39: {  	_ = 	snop;
	(pc) =	sbr.ind lr, $3  }
0x3a: {  	_ = 	snop  }
0x3b: {  	_ = 	snop  }
0x3c: {  	p2 =	seq.s32 s10, $0x1;
	s10 =	sld [smem:$0x3FB8]  }
0x3d: {  	_ =	shalt  }
0x3e: {  	_ =	shalt  }
0x3f: {  	_ =	shalt  }
0x40: {  	_ =	shalt  }
0x41: {  	_ =	shalt  }
0x42: {  	_ =	shalt  }
0x43: {  	_ =	shalt  }
0x44: {  	_ =	shalt  }
0x45: {  	_ =	shalt  }
0x46: {  	_ =	shalt  }
0x47: {  	_ =	shalt  }
0x48: {  	_ =	shalt  }
0x49: {  	_ =	shalt  }
0x4a: {  	_ =	shalt  }
0x4b: {  	_ =	shalt  }
0x4c: {  	_ =	shalt  }
0x4d: {  	_ =	shalt  }
0x4e: {  	_ =	shalt  }
0x4f: {  	_ =	shalt  }
0x50: {  	_ =	shalt  }
0x51: {  	_ =	shalt  }
0x52: {  	_ =	shalt  }
0x53: {  	_ =	shalt  }
0x54: {  	_ =	shalt  }
0x55: {  	_ =	shalt  }
0x56: {  	_ =	shalt  }
0x57: {  	_ =	shalt  }
0x58: {  	_ =	shalt  }
0x59: {  	_ =	shalt  }
0x5a: {  	_ =	shalt  }
0x5b: {  	_ =	shalt  }
0x5c: {  	_ =	shalt  }
0x5d: {  	_ =	shalt  }
0x5e: {  	_ =	shalt  }
0x5f: {  	_ =	shalt  }
0x60: {  	_ =	shalt  }
0x61: {  	_ =	shalt  }
0x62: {  	_ =	shalt  }
0x63: {  	_ =	shalt  }
0x64: {  	_ =	shalt  }
0x65: {  	_ =	shalt  }
0x66: {  	_ =	shalt  }
0x67: {  	_ =	shalt  }
0x68: {  	_ =	shalt  }
0x69: {  	_ =	shalt  }
0x6a: {  	_ =	shalt  }
0x6b: {  	_ =	shalt  }
0x6c: {  	_ =	shalt  }
0x6d: {  	_ =	shalt  }
0x6e: {  	_ =	shalt  }
0x6f: {  	_ =	shalt  }
0x70: {  	_ =	shalt  }
0x71: {  	_ =	shalt  }
0x72: {  	_ =	shalt  }
0x73: {  	_ =	shalt  }
0x74: {  	_ =	shalt  }
0x75: {  	_ =	shalt  }
0x76: {  	_ =	shalt  }
0x77: {  	_ =	shalt  }
0x78: {  	_ =	shalt  }
0x79: {  	_ =	shalt  }
0x7a: {  	_ =	shalt  }
0x7b: {  	_ =	shalt  }
0x7c: {  	_ =	shalt  }
0x7d: {  	_ =	shalt  }
0x7e: {  	_ =	shalt  }
0x7f: {  	_ =	shalt  }
0x80: {  	_ =	shalt  }
0x81: {  	_ =	shalt  }
0x82: {  	_ =	shalt  }
0x83: {  	_ =	shalt  }
0x84: {  	_ =	shalt  }
0x85: {  	_ =	shalt  }
0x86: {  	_ =	shalt  }
0x87: {  	_ =	shalt  }
.Lfunc_end0:
.L_simem_size_0:
called_computation_lowered:
.L_overlay_start_0:
0x88: {  	s2 =	sld [smem:$0x3FD9]  }
0x89: {  	s3 =	sld [smem:$0x3FFE];
	_ =	sdelay $0x1  }
0x8a: {  	s1 =	srdreg.scid  }
0x8b: {  	s0 =	sand.u32 $0x1, s1  }
0x8c: {  	s17 =	sshll.u32 s0, $0xA;
	s2 =	sadd.s32 s3, s2  }
0x8d: {  	s2 =	sadd.s32 s2, s17  }
0x8e: {  	[smem:$0x3FC4] =	sst s2  }
0x8f: {  	_ = 	snop  }
0x90: {  	s2 =	sld [smem:$0x3FD0];
	(tm) =	ssettm $0x1  }
0x91: {  	s18 =	sld [smem:$0x3FFB];
	_ =	sdelay $0x3  }
0x92: {  	_ =	strace s18  }
0x93: {  	s3 =	sld [smem:$0x3FFC];
	_ =	sdelay $0x3  }
0x94: {  	_ =	strace s3  }
0x95: {  	s3 =	sld [smem:$0x3FFD];
	_ =	sdelay $0x3  }
0x96: {  	_ =	strace s3  }
0x97: {  	_ =	strace $0x8FFFFFFF  }
0x98: {  	s19 =	sld [smem:$0x3FDB];
	_ =	sdelay $0x1  }
0x99: {  	s4 =	simm.s32 $_scs_section_size  }
0x9a: {  	s5 =	simm.s32 $_size__tile_overlayer_lowered;
	s6 =	simm.s32 $_tile_overlayer_lowered  }
0x9b: {  	s22 =	simm.s32 $0x1BFF;
	s21 =	sshll.u32 s6, $0x1;
	s3 =	sadd.s32 s4, s19  }
0x9c: {  	s7 =	simm.s32 $0x0;
	s20 =	sshll.u32 s5, $0x1;
	s5 =	sadd.s32 s21, s3  }
0x9d: {  	[timem:s7], [sflag:s22] =	dma.local [hbm:s5], s20  }
0x9e: {  	_ =	swait.ge [sflag:s22], s20  }
0x9f: {  	s4 =	ssub.s32 $0x0, s20;
	[sflag:s22] =	ssyncset.done $0x0  }
0xa0: {  	[sflag:s22] =	ssyncadd.s32 s4;
	_ =	sdelay $0x1  }
0xa1: {  	s23 =	simm.s32 $0x1B8B  }
0xa2: {  	_ =	swait.ge [sflag:s23], $0x1  }
0xa3: {  	[sflag:s23] =	ssyncset.done $0x0  }
0xa4: {  	s25 =	simm.s32 $0x1B8E;
	s24 =	sld [smem:$0x3FFE];
	[sflag:s23] =	ssyncadd.s32 $0xFFFFFFFF  }
0xa5: {  	s26 =	simm.s32 $execute0_lowered;
	[smem:$0x3FD2] =	sst s25  }
0xa6: {  	s5 =	sshll.u32 s26, $0x1;
	_ =	strace $0x80000046;
	[dreg:$0x1] =	wrdreg $0xFFFFFFFF  }
0xa7: {  	s28 =	simm.s32 $_size_execute0_lowered;
	s3 =	sadd.s32 s3, s5;
	[dreg:$0x0] =	wrdreg $0x0  }
0xa8: {  	s5 =	sshll.u32 s28, $0x1;
	[dreg:$0x2] =	wrdreg s3  }
0xa9: {  	[dreg:$0x3] =	wrdreg s5  }
0xaa: {  	[dreg:$0x4] =	wrdreg $0xC0  }
0xab: {  	_ =	task [dreg:s7], $0x5FFFF  }
0xac: {  	[dreg:$0x1] =	wrdreg $0xFFFFFFFF  }
0xad: {  	[dreg:$0x0] =	wrdreg $0x60  }
0xae: {  	[dreg:$0x2] =	wrdreg s24  }
0xaf: {  	[dreg:$0x3] =	wrdreg s2  }
0xb0: {  	[dreg:$0x4] =	wrdreg $0x9  }
0xb1: {  	_ =	task.clear_ibuf [dreg:s7], $0x5FFFF;
	_ =	strace $0x90000046  }
0xb2: {  	s29 =	simm.s32 $0x9;
	_ =	strace $0x80000048  }
0xb3: {  	_ =	swait.ge [sflag:s29], $0x1  }
0xb4: {  	[sflag:s29] =	ssyncadd.s32 $0xFFFFFFFF  }
0xb5: {  	_ =	strace $0x90000048  }
0xb6: {  	_ =	sfence  }
0xb7: {  	s30 =	sld [smem:$0x0];
	_ =	sdelay $0x2  }
0xb8: {  	s31 =	sshll.u32 s1, $0xD;
	s1 =	sshrl.u32 s1, $0x2  }
0xb9: {  	s3 =	sand.u32 $0x4000, s31;
	s1 =	sadd.s32 s1, s30  }
0xba: {  	s0 =	sor.u32 s3, s0;
	s1 =	sshll.u32 s1, $0x11  }
0xbb: {  	s0 =	sor.u32 s1, s0  }
0xbc: {  	s0 =	sadd.s32 $0x8F2B, s0  }
0xbd: {  	[sflag:s0] =	ssyncadd.remote.s32 $0x1  }
0xbe: {  	_ =	sfence.sel $0xFFFF  }
0xbf: {  	[dreg:$0x0] =	wrdreg $0xFFFFFFFF;
	(pc) =	sbr.abs _section_cstart, $3  }
0xc0: {  	[dreg:$0x1] =	wrdreg $0xFFFFFFFF  }
0xc1: {  	_ =	task.clear_ibuf [dreg:s7], $0x2FFFF;
	_ =	strace $0x9FFFFFFF  }
0xc2: {  	(tm) =	ssettm $0x7FFFFFFF  }
0xc3: {  	_ =	shalt  }
tec
execute0_lowered:
.L_overlay_start_1:
0x0: {  	(tag) =	ssettag $0x1  }
0x1: {  	s3 =	rddreg [dreg:$0x0]  }
0x2: {  	s6 =	rddreg [dreg:$0x1]  }
0x3: {  	s2 =	simm.s32 $0x0;
	s4 =	srdreg.scid;
	s0 =	stileid.u32  }
0x4: {  	s9 =	simm.s32 $0x400;
	s10 =	simm.s32 $0x1;
	s11 =	simm.s32 $0x10100  }
0x5: {  	s12 =	simm.s32 $0x12180;
	s13 =	simm.s32 $0x2;
	s14 =	simm.s32 $0x0  }
0x6: {  	[smem:$0x7FF] =	sst s2;
	s4 =	sand.u32 $0x1, s4;
	s7 =	sshll.u32 s0, $0x1  }
.Ltmp0:
0x7: {  	s3 =	sadd.s32 $0x1C00, s3;
	s5 =	ssub.s32 $0x2, s4;
	(pc) =	sbr.rel .LBB2_1-.Ltmp0, $4  }
0x8: {  	v0 =	vlaneseq.u32;
	_ =	strace $0x80000047;
	s7 =	sor.u32 s4, s7;
	s8 =	sshrl.u32 s5, $0x1  }
0x9: {  	v1 =	vimm.s32 $0x0;
	v3 =	vimm.s32 $0x1;
	v4 =	vmul.u32 $0xFFFFFFFF, v0;
	s31 =	sshll.u32 s7, $0x3;
	s4 =	sshll.u32 s7, $0xE;
	s7 =	sshll.u32 s7, $0x4  }
0xa: {  	v2 =	vmul.u32 $0x201, v0;
	v5 =	vor.u32 $0x80000010, v0;
	v6 =	vor.u32 $0x80000000, v0;
	s8 =	ssub.s32 s5, s8;
	s4 =	sadd.s32 s3, s4;
	s5 =	sor.u32 $0x1, s31  }
0xb: {  	v7 =	vor.u32 $0x80000030, v0;
	v8 =	vor.u32 $0x80000020, v0;
	v4 =	vadd.s32 $0xF, v4;
	s6 =	sadd.s32 s6, s7;
	s7 =	smax.u32 s8, $0x1;
	s8 =	simm.s32 $0x80  }
.LBB2_94:
0xc: {  	s14 =	sadd.s32 $0x1, s14  }
0xd: {  	p0 =	sne.s32 s14, s7  }
.Ltmp1:
0xe: {  	[tilespmem:$0x12180] =	vst v9;
	(pc) =	sbr.rel @!p0 .LBB2_95-.Ltmp1, $4  }
0xf: {  	[hbm4b:s6+s2] =	stream.linear.scatter [tilespmem:s12], [sflag:$0x2], $0x80, $0x38;
	[tilespmem:$0x12200] =	vst v63  }
0x10: {  	_ =	swait.ge [sflag:s13], $0x80  }
0x11: {  	[sflag:s13] =	ssyncset.done $0x0  }
0x12: {  	[sflag:s13] =	ssyncadd.s32 $0xFFFFFF80  }
.LBB2_1:
.Ltmp2:
0x13: {  	(pc) =	sbr.rel .LBB2_2-.Ltmp2, $3  }
0x14: {  	_ =	sdelay $0x1  }
0x15: {  	[tilespmem:s2], [sflag:$0x1] =	stream.strided.gather [hbm4b:s4+s8], $0x4000, s9, s8, $0x38;
	[tilespmem:$0x12200] =	vst v63  }
0x16: {  	v9 =	vimm.f32 $0.0e+00;
	p2 =	por $0x0, $0x0;
	s15 =	simm.s32 $0x0  }
.LBB2_93:
0x17: {  	v10 =	vld [tilespmem:$0x10100]  }
0x18: {  	v11 =	vld [tilespmem:$0x10111]  }
0x19: {  	v12 =	vld [tilespmem:$0x10122]  }
0x1a: {  	v13 =	vld [tilespmem:$0x10133]  }
0x1b: {  	v14 =	vld [tilespmem:$0x10144]  }
0x1c: {  	v15 =	vld [tilespmem:$0x10155]  }
0x1d: {  	v10 =	vadd.s32 v10, v11;
	v11 =	vld [tilespmem:$0x10166]  }
0x1e: {  	v56 =	vld [tilespmem:$0x10177];
	v10 =	vadd.s32 v12, v10  }
0x1f: {  	v57 =	vld [tilespmem:$0x10188];
	v10 =	vadd.s32 v13, v10  }
0x20: {  	v58 =	vld [tilespmem:$0x10199];
	v10 =	vadd.s32 v14, v10  }
0x21: {  	v59 =	vld [tilespmem:$0x101AA];
	v10 =	vadd.s32 v15, v10  }
0x22: {  	v10 =	vadd.s32 v11, v10;
	v11 =	vld [tilespmem:$0x101BB]  }
0x23: {  	v60 =	vld [tilespmem:$0x101CC];
	v10 =	vadd.s32 v56, v10  }
0x24: {  	v61 =	vld [tilespmem:$0x101DD];
	v10 =	vadd.s32 v57, v10  }
0x25: {  	v62 =	vld [tilespmem:$0x101EE];
	v10 =	vadd.s32 v58, v10  }
0x26: {  	v63 =	vld [tilespmem:$0x101FF];
	v10 =	vadd.s32 v59, v10  }
0x27: {  	v10 =	vadd.s32 v11, v10  }
0x28: {  	v10 =	vadd.s32 v60, v10  }
0x29: {  	v10 =	vadd.s32 v61, v10  }
0x2a: {  	v10 =	vadd.s32 v62, v10  }
0x2b: {  	v10 =	vadd.s32 v63, v10  }
0x2c: {  	v11 =	vperm.xlane v10, v4;
	_ =	sdelay $0x1  }
0x2d: {  	(xrf0) =	vadd.scan.msk.s32 $0xffff, v11;
	_ =	sdelay $0x5  }
0x2e: {  	v11, _, _ =	vpop (xrf0)  }
0x2f: {  	v11 =	vperm.xlane v11, v4;
	_ =	sdelay $0x1  }
0x30: {  	v10 =	vsub.s32 v11, v10  }
0x31: {  	vm1 =	vge.s32 v11, s17;
	vm0 =	vlt.s32 v10, s17  }
0x32: {  	vm0 =	vmand vm1, vm0  }
0x33: {  	v10 =	vnsel vm0, $0x7FFFFFFF, v6  }
0x34: {  	(xrf0) =	vmax.scan.msk.u32 $0xffff, v10;
	_ =	sdelay $0x5  }
0x35: {  	v10, _, _ =	vpop (xrf0)  }
0x36: {  	(v2sf) =	vpush v10, $0xF;
	_ =	sdelay $0xe  }
0x37: {  	s0 =	spop (v2sf)  }
0x38: {  	s0 =	sxor.u32 $0x80000000, s0  }
0x39: {  	v11 =	vmov s15;
	s15 =	sadd.s32 $0x1, s15;
	s1 =	sshra.s32 s0, $0x1F  }
0x3a: {  	s31 =	sshll.u32 s19, $0x4;
	p0 =	sne.s32 s15, $0x8;
	s0 =	sor.u32 s1, s0  }
.Ltmp3:
0x3b: {  	s0 =	sor.u32 s31, s0;
	(pc) =	sbr.rel @!p0 .LBB2_94-.Ltmp3, $4  }
0x3c: {  	v10 =	vmov s0  }
0x3d: {  	v10 =	vbroadcast v10, $0x0  }
0x3e: {  	vm15 =	veq.s32 v11, v0  }
0x3f: {  	p2 =	por !p2, !p2;
	v9 =	vsel vm15, v10, v9  }
.LBB2_2:
0x40: {  	p0 =	seq.s32 s15, $0x7  }
0x41: {  	s16 =	sshll.u32 s15, $0xE;
	_ =	swait.ge [sflag:s10], $0x4000;
	s17 =	sadd.s32 @!p0 s15, s5  }
0x42: {  	s16 =	sand.u32 $0x4000, s16;
	[sflag:s10] =	ssyncset.done $0x0;
	s18 =	sshll.u32 @!p0 s17, $0x4  }
0x43: {  	s19 =	simm.s32 @!p0 $0x400;
	s17 =	sshll.u32 @!p0 s17, $0xB;
	s18 =	sand.u32 @!p0 $0x70, s18  }
0x44: {  	[sflag:s10] =	ssyncadd.s32 $0xFFFFC000;
	s17 =	sand.u32 @!p0 $0xFFFC000, s17;
	s18 =	sadd.s32 @!p0 s3, s18  }
0x45: {  	s16 =	ssub.s32 @!p0 $0x4000, s16;
	s17 =	sadd.s32 @!p0 s17, s18;
	s18 =	simm.s32 @!p0 $0x80  }
0x46: {  	[tilespmem:s16], [sflag:$0x1] =	stream.strided.gather @!p0 [hbm4b:s17+s18], $0x4000, s19, s18, $0x38;
	[tilespmem:$0x12200] =	vst v63  }
0x47: {  	s16 =	simm.s32 $0x10140  }
0x48: {  	[tilespmem:s16+$0xFFFFFFC0] =	vst v1  }
0x49: {  	[tilespmem:s16+$0x30] =	vst v1  }
0x4a: {  	[tilespmem:s16+$0x20] =	vst v1  }
0x4b: {  	s17 =	simm.s32 $0x1;
	[tilespmem:s16+$0x10] =	vst v1  }
0x4c: {  	s17 =	simm.s32 @!p2 $0x0;
	[tilespmem:s16+$0x0] =	vst v1  }
0x4d: {  	[tilespmem:s16+$0xFFFFFFF0] =	vst v1;
	s17 =	sshll.u32 s17, $0xE  }
0x4e: {  	s18 =	simm.s32 $0x0;
	[tilespmem:s16+$0xFFFFFFE0] =	vst v1;
	s17 =	sor.u32 $0x40, s17  }
.LBB2_3:
0x4f: {  	s18 =	sadd.s32 $0x8, s18;
	[tilespmem:s16+$0xFFFFFFD0] =	vst v1;
	s16 =	sadd.s32 $0x80, s16  }
0x50: {  	[tilespmem:s16+$0xFFFFFFC0] =	vst v1;
	p0 =	slt.u32 s18, $0x1F8  }
0x51: {  	[tilespmem:s16+$0x30] =	vst v1  }
.Ltmp4:
0x52: {  	[tilespmem:s16+$0x20] =	vst v1;
	(pc) =	sbr.rel @p0 .LBB2_3-.Ltmp4, $4  }
0x53: {  	[tilespmem:s16+$0x10] =	vst v1  }
0x54: {  	[tilespmem:s16+$0x0] =	vst v1  }
0x55: {  	[tilespmem:s16+$0xFFFFFFF0] =	vst v1  }
0x56: {  	[tilespmem:s16+$0xFFFFFFE0] =	vst v1  }
0x57: {  	[tilespmem:s16+$0xFFFFFFD0] =	vst v1  }
0x58: {  	[tilespmem:$0x12100] =	vst v1  }
0x59: {  	v10 =	vld [tilespmem:s17+$0x30]  }
0x5a: {  	v11 =	vld [tilespmem:s17+$0xFFFFFFD0]  }
0x5b: {  	v12 =	vld [tilespmem:s17+$0xFFFFFFE0]  }
0x5c: {  	v13 =	vld [tilespmem:s17+$0xFFFFFFF0]  }
0x5d: {  	v14 =	vld [tilespmem:s17+$0x0]  }
0x5e: {  	v10 =	vshrl.u32 v10, $0x16  }
0x5f: {  	v11 =	vshrl.u32 v11, $0x16;
	v10 =	vadd.s32 v2, v10  }
0x60: {  	v15 =	vld [tilespmem:s17+$0x10];
	v12 =	vshrl.u32 v12, $0x16;
	v11 =	vadd.s32 v2, v11  }
0x61: {  	v16 =	vld [tilespmem:s17+$0x20];
	v13 =	vshrl.u32 v13, $0x16;
	v12 =	vadd.s32 v2, v12  }
0x62: {  	v17 =	vld [tilespmem:s17+$0xFFFFFFC0];
	v14 =	vshrl.u32 v14, $0x16;
	v13 =	vadd.s32 v2, v13  }
0x63: {  	v14 =	vadd.s32 v2, v14  }
0x64: {  	[tilespmem:v10+s11+$0x0] =	vst.idx.add.s32.msk $0xffff, v3  }
0x65: {  	[tilespmem:v11+s11+$0x0] =	vst.idx.add.s32.msk $0xffff, v3  }
0x66: {  	v10 =	vshrl.u32 v15, $0x16;
	[tilespmem:v12+s11+$0x0] =	vst.idx.add.s32.msk $0xffff, v3  }
0x67: {  	v15 =	vshrl.u32 v17, $0x16;
	[tilespmem:v13+s11+$0x0] =	vst.idx.add.s32.msk $0xffff, v3;
	v11 =	vadd.s32 v2, v10;
	v10 =	vshrl.u32 v16, $0x16  }
0x68: {  	s19 =	simm.s32 $0x0;
	s16 =	simm.s32 $0x11108;
	s20 =	sadd.s32 $0x80, s17;
	[tilespmem:v14+s11+$0x0] =	vst.idx.add.s32.msk $0xffff, v3;
	v13 =	vadd.s32 v2, v15;
	v12 =	vadd.s32 v2, v10  }
.LBB2_5:
0x69: {  	v10 =	vld [tilespmem:s20+$0x30];
	s19 =	sadd.s32 $0x8, s19  }
0x6a: {  	v14 =	vld [tilespmem:s20+$0xFFFFFFD0];
	p0 =	slt.u32 s19, $0x3F8  }
0x6b: {  	v15 =	vld [tilespmem:s20+$0xFFFFFFE0]  }
0x6c: {  	v16 =	vld [tilespmem:s20+$0xFFFFFFF0]  }
0x6d: {  	v17 =	vld [tilespmem:s20+$0x0]  }
0x6e: {  	v18 =	vld [tilespmem:s20+$0x10];
	v10 =	vshrl.u32 v10, $0x16  }
0x6f: {  	v14 =	vshrl.u32 v14, $0x16;
	v19 =	vld [tilespmem:s20+$0x20];
	v10 =	vadd.s32 v2, v10  }
0x70: {  	v20 =	vld [tilespmem:s20+$0xFFFFFFC0];
	v14 =	vadd.s32 v2, v14;
	v15 =	vshrl.u32 v15, $0x16  }
0x71: {  	v15 =	vadd.s32 v2, v15;
	v16 =	vshrl.u32 v16, $0x16;
	[tilespmem:v13+s11+$0x0] =	vst.idx.add.s32.msk $0xffff, v3  }
0x72: {  	v16 =	vadd.s32 v2, v16;
	v13 =	vshrl.u32 v17, $0x16;
	[tilespmem:v11+s11+$0x0] =	vst.idx.add.s32.msk $0xffff, v3  }
0x73: {  	v17 =	vadd.s32 v2, v13;
	v11 =	vshrl.u32 v18, $0x16;
	[tilespmem:v12+s11+$0x0] =	vst.idx.add.s32.msk $0xffff, v3  }
.Ltmp5:
0x74: {  	s18 =	simm.s32 $0x0;
	v11 =	vadd.s32 v2, v11;
	v12 =	vshrl.u32 v19, $0x16;
	[tilespmem:v10+s11+$0x0] =	vst.idx.add.s32.msk $0xffff, v3;
	v10 =	vimm.s32 $0x0;
	(pc) =	sbr.rel @p0 .LBB2_5-.Ltmp5, $4  }
0x75: {  	v13 =	vshrl.u32 v20, $0x16;
	[tilespmem:v14+s11+$0x0] =	vst.idx.add.s32.msk $0xffff, v3;
	v12 =	vadd.s32 v2, v12  }
0x76: {  	v13 =	vadd.s32 v2, v13;
	[tilespmem:v15+s11+$0x0] =	vst.idx.add.s32.msk $0xffff, v3  }
0x77: {  	[tilespmem:v16+s11+$0x0] =	vst.idx.add.s32.msk $0xffff, v3  }
0x78: {  	s20 =	sadd.s32 $0x80, s20;
	[tilespmem:v17+s11+$0x0] =	vst.idx.add.s32.msk $0xffff, v3  }
0x79: {  	_ =	sdelay $0x3  }
0x7a: {  	[tilespmem:v13+s11+$0x0] =	vst.idx.add.s32.msk $0xffff, v3  }
0x7b: {  	[tilespmem:v11+s11+$0x0] =	vst.idx.add.s32.msk $0xffff, v3  }
0x7c: {  	[tilespmem:v12+s11+$0x0] =	vst.idx.add.s32.msk $0xffff, v3  }
0x7d: {  	v12 =	vld [tilespmem:s16+$0xE07]  }
0x7e: {  	v14 =	vld [tilespmem:s16+$0xC06]  }
0x7f: {  	v13 =	vld [tilespmem:s16+$0xA05]  }
0x80: {  	v15 =	vld [tilespmem:s16+$0x804]  }
0x81: {  	v16 =	vld [tilespmem:s16+$0x603]  }
0x82: {  	v17 =	vld [tilespmem:s16+$0x402]  }
0x83: {  	v18 =	vld [tilespmem:s16+$0x201]  }
0x84: {  	v19 =	vld [tilespmem:s16+$0x0]  }
0x85: {  	v20 =	vld [tilespmem:s16+$0xFFFFFDFF]  }
0x86: {  	v21 =	vld [tilespmem:s16+$0xFFFFFBFE]  }
0x87: {  	v22 =	vld [tilespmem:s16+$0xFFFFF9FD]  }
0x88: {  	v23 =	vld [tilespmem:s16+$0xFFFFF7FC]  }
0x89: {  	v24 =	vld [tilespmem:s16+$0xFFFFF5FB]  }
0x8a: {  	v25 =	vld [tilespmem:s16+$0xFFFFF3FA]  }
0x8b: {  	v26 =	vld [tilespmem:s16+$0xFFFFF008]  }
0x8c: {  	v27 =	vld [tilespmem:s16+$0xFFFFEFF8]  }
0x8d: {  	s19 =	simm.s32 $0x2;
	v11 =	vimm.s32 $0x0;
	v28 =	vld [tilespmem:s16+$0xFFFFF1F9]  }
.LBB2_7:
0x8e: {  	p0 =	slt.u32 s19, $0x1E;
	v29 =	vld [tilespmem:s16+$0xFFFFF209]  }
0x8f: {  	v30 =	vld [tilespmem:s16+$0xFFFFF40A]  }
0x90: {  	v31 =	vld [tilespmem:s16+$0xFFFFF60B]  }
0x91: {  	v32 =	vld [tilespmem:s16+$0xFFFFF80C]  }
0x92: {  	v27 =	vadd.s32 v27, v28;
	v28 =	vld [tilespmem:s16+$0xFFFFFA0D]  }
0x93: {  	v25 =	vadd.s32 v25, v27;
	v26 =	vadd.s32 v26, v29;
	v27 =	vld [tilespmem:s16+$0xFFFFFC0E]  }
0x94: {  	v24 =	vadd.s32 v24, v25;
	v25 =	vadd.s32 v30, v26;
	v26 =	vld [tilespmem:s16+$0xFFFFFE0F]  }
0x95: {  	v23 =	vadd.s32 v23, v24;
	v24 =	vadd.s32 v31, v25;
	v25 =	vld [tilespmem:s16+$0x10]  }
0x96: {  	v22 =	vadd.s32 v22, v23;
	v23 =	vadd.s32 v32, v24;
	v24 =	vld [tilespmem:s16+$0x211]  }
0x97: {  	v21 =	vadd.s32 v21, v22;
	v22 =	vadd.s32 v28, v23;
	v23 =	vld [tilespmem:s16+$0x412]  }
0x98: {  	v20 =	vadd.s32 v20, v21;
	v21 =	vadd.s32 v27, v22;
	v22 =	vld [tilespmem:s16+$0x613]  }
0x99: {  	v19 =	vadd.s32 v19, v20;
	v20 =	vadd.s32 v26, v21;
	v21 =	vld [tilespmem:s16+$0x814]  }
0x9a: {  	v18 =	vadd.s32 v18, v19;
	v19 =	vadd.s32 v25, v20;
	v20 =	vld [tilespmem:s16+$0xA15]  }
0x9b: {  	v17 =	vadd.s32 v17, v18;
	v18 =	vadd.s32 v24, v19;
	v19 =	vld [tilespmem:s16+$0xC16]  }
0x9c: {  	v16 =	vadd.s32 v16, v17;
	v17 =	vadd.s32 v23, v18;
	v18 =	vld [tilespmem:s16+$0xE17];
	s16 =	sadd.s32 $0x20, s16  }
0x9d: {  	v23 =	vld [tilespmem:s16+$0xE07];
	v15 =	vadd.s32 v15, v16;
	v16 =	vadd.s32 v22, v17  }
0x9e: {  	v22 =	vld [tilespmem:s16+$0xC06];
	v15 =	vadd.s32 v13, v15;
	v16 =	vadd.s32 v21, v16  }
0x9f: {  	v13 =	vld [tilespmem:s16+$0xA05];
	v14 =	vadd.s32 v14, v15;
	v16 =	vadd.s32 v20, v16  }
0xa0: {  	v15 =	vld [tilespmem:s16+$0x804];
	v20 =	vadd.s32 v12, v14;
	v14 =	vadd.s32 v19, v16  }
0xa1: {  	v16 =	vld [tilespmem:s16+$0x603];
	v19 =	vadd.s32 v18, v14;
	(xrf0) =	vadd.scan.msk.s32 $0xffff, v20  }
0xa2: {  	v17 =	vld [tilespmem:s16+$0x402];
	(xrf0) =	vadd.scan.msk.s32 $0xffff, v19;
	v12 =	vmov v23  }
0xa3: {  	v18 =	vld [tilespmem:s16+$0x201];
	v14 =	vmov v22  }
0xa4: {  	v19 =	vld [tilespmem:s16+$0x0]  }
0xa5: {  	v20 =	vld [tilespmem:s16+$0xFFFFFDFF]  }
0xa6: {  	s20 =	sadd.s32 $0x1, s18;
	v23 =	vmov s18;
	v21 =	vld [tilespmem:s16+$0xFFFFFBFE]  }
0xa7: {  	s21 =	sadd.s32 $0xFFFFFFF0, s18;
	v25 =	vmov s20;
	s20 =	sadd.s32 $0xFFFFFFF1, s18;
	s18 =	smov.u32 s19;
	vm0 =	veq.s32 v23, v0;
	v22 =	vld [tilespmem:s16+$0xFFFFF9FD];
	v24, _, _ =	vpop (xrf0)  }
0xa8: {  	v27 =	vmov s21;
	v28 =	vmov s20;
	v23 =	vld [tilespmem:s16+$0xFFFFF7FC];
	v26 =	vbroadcast v24, $0xF;
	v29, _, _ =	vpop (xrf0)  }
.Ltmp6:
0xa9: {  	vm1 =	veq.s32 v27, v0;
	vm2 =	veq.s32 v25, v0;
	v24 =	vld [tilespmem:s16+$0xFFFFF5FB];
	v27 =	vbroadcast v29, $0xF;
	(pc) =	sbr.rel @p0 .LBB2_7-.Ltmp6, $4  }
0xaa: {  	v25 =	vld [tilespmem:s16+$0xFFFFF3FA];
	v10 =	vsel vm0, v26, v10;
	v11 =	vsel vm1, v26, v11;
	vm0 =	veq.s32 v28, v0  }
0xab: {  	v26 =	vld [tilespmem:s16+$0xFFFFF008];
	v10 =	vsel vm2, v27, v10;
	v11 =	vsel vm0, v27, v11  }
0xac: {  	v27 =	vld [tilespmem:s16+$0xFFFFEFF8]  }
0xad: {  	s19 =	sadd.s32 $0x2, s19;
	v28 =	vld [tilespmem:s16+$0xFFFFF1F9]  }
0xae: {  	v29 =	vld [tilespmem:s16+$0xFFFFF209]  }
0xaf: {  	v30 =	vld [tilespmem:s16+$0xFFFFF40A]  }
0xb0: {  	v31 =	vld [tilespmem:s16+$0xFFFFF60B]  }
0xb1: {  	v32 =	vld [tilespmem:s16+$0xFFFFF80C]  }
0xb2: {  	v27 =	vadd.s32 v27, v28;
	v28 =	vld [tilespmem:s16+$0xFFFFFA0D]  }
0xb3: {  	v25 =	vadd.s32 v25, v27;
	v26 =	vadd.s32 v26, v29;
	v27 =	vld [tilespmem:s16+$0xFFFFFC0E]  }
0xb4: {  	v24 =	vadd.s32 v24, v25;
	v25 =	vadd.s32 v30, v26;
	v26 =	vld [tilespmem:s16+$0xFFFFFE0F]  }
0xb5: {  	v23 =	vadd.s32 v23, v24;
	v24 =	vadd.s32 v31, v25;
	v25 =	vld [tilespmem:s16+$0x10]  }
0xb6: {  	v22 =	vadd.s32 v22, v23;
	v23 =	vadd.s32 v32, v24;
	v24 =	vld [tilespmem:s16+$0x211]  }
0xb7: {  	v21 =	vadd.s32 v21, v22;
	v22 =	vadd.s32 v28, v23;
	v23 =	vld [tilespmem:s16+$0x412]  }
0xb8: {  	v20 =	vadd.s32 v20, v21;
	v21 =	vadd.s32 v27, v22;
	v22 =	vld [tilespmem:s16+$0x613]  }
0xb9: {  	v19 =	vadd.s32 v19, v20;
	v20 =	vadd.s32 v26, v21;
	v21 =	vld [tilespmem:s16+$0x814]  }
0xba: {  	v18 =	vadd.s32 v18, v19;
	v19 =	vadd.s32 v25, v20;
	v20 =	vld [tilespmem:s16+$0xA15]  }
0xbb: {  	v17 =	vadd.s32 v17, v18;
	v18 =	vadd.s32 v24, v19;
	v19 =	vld [tilespmem:s16+$0xC16]  }
0xbc: {  	v16 =	vadd.s32 v16, v17;
	v17 =	vadd.s32 v23, v18;
	v18 =	vld [tilespmem:s16+$0xE17]  }
0xbd: {  	v15 =	vadd.s32 v15, v16;
	v16 =	vadd.s32 v22, v17  }
0xbe: {  	v13 =	vadd.s32 v13, v15;
	v15 =	vadd.s32 v21, v16  }
0xbf: {  	v13 =	vadd.s32 v14, v13;
	v14 =	vadd.s32 v20, v15  }
0xc0: {  	v12 =	vadd.s32 v12, v13;
	v13 =	vadd.s32 v19, v14  }
0xc1: {  	v13 =	vadd.s32 v18, v13;
	(xrf0) =	vadd.scan.msk.s32 $0xffff, v12  }
0xc2: {  	(xrf0) =	vadd.scan.msk.s32 $0xffff, v13;
	_ =	sdelay $0x4  }
0xc3: {  	s23 =	sadd.s32 $0xFFFFFFF0, s18;
	v12 =	vmov s18;
	v13, _, _ =	vpop (xrf0)  }
0xc4: {  	s19 =	sadd.s32 $0xFFFFFFF1, s18;
	vm0 =	veq.s32 v12, v0;
	v12 =	vbroadcast v13, $0xF;
	v13 =	vmov s23;
	v14, _, _ =	vpop (xrf0)  }
0xc5: {  	s24 =	sadd.s32 $0x1, s18;
	v15 =	vmov s19;
	vm1 =	veq.s32 v13, v0;
	v13 =	vbroadcast v14, $0xF  }
0xc6: {  	v14 =	vmov s24;
	v11 =	vsel vm1, v12, v11;
	vm1 =	veq.s32 v15, v0  }
0xc7: {  	vm2 =	veq.s32 v14, v0;
	v10 =	vsel vm0, v12, v10;
	v11 =	vsel vm1, v13, v11  }
0xc8: {  	v10 =	vsel vm2, v13, v10;
	v12 =	vperm.xlane v11, v4  }
0xc9: {  	v13 =	vperm.xlane v10, v4  }
0xca: {  	(xrf0) =	vadd.scan.msk.s32 $0xffff, v12  }
0xcb: {  	(xrf0) =	vadd.scan.msk.s32 $0xffff, v13  }
0xcc: {  	(xrf0) =	vadd.scan.msk.s32 $0xffff, v11;
	_ =	sdelay $0x3  }
0xcd: {  	v12, _, _ =	vpop (xrf0)  }
0xce: {  	v13, _, _ =	vpop (xrf0)  }
0xcf: {  	v14, _, _ =	vpop (xrf0)  }
0xd0: {  	v13 =	vperm.xlane v13, v4;
	v14 =	vbroadcast v14, $0xF;
	_ =	sdelay $0x1  }
0xd1: {  	v12 =	vperm.xlane v12, v4;
	v13 =	vadd.s32 v14, v13  }
0xd2: {  	v10 =	vsub.s32 v13, v10  }
0xd3: {  	v11 =	vsub.s32 v12, v11;
	vm1 =	vgt.s32 v13, $0x332;
	vm0 =	vlt.s32 v10, $0x333  }
0xd4: {  	vm2 =	vgt.s32 v12, $0x332;
	vm0 =	vmand vm1, vm0;
	vm1 =	vlt.s32 v11, $0x333  }
0xd5: {  	vm1 =	vmand vm2, vm1;
	v12 =	vnsel vm0, $0x7FFFFFFF, v6  }
0xd6: {  	(xrf0) =	vmax.scan.msk.u32 $0xffff, v12;
	v12 =	vnsel vm1, $0x7FFFFFFF, v5  }
0xd7: {  	(xrf0) =	vmax.scan.msk.u32 $0xffff, v12;
	_ =	sdelay $0x4  }
0xd8: {  	v12, _, _ =	vpop (xrf0)  }
0xd9: {  	(v2sf) =	vpush v12, $0xF;
	v12, _, _ =	vpop (xrf0)  }
0xda: {  	(v2sf) =	vpush v12, $0xF;
	_ =	sdelay $0xd  }
0xdb: {  	s25 =	spop (v2sf)  }
0xdc: {  	s26 =	spop (v2sf)  }
0xdd: {  	s16 =	sxor.u32 $0x80000000, s25;
	s18 =	sxor.u32 $0x80000000, s26  }
0xde: {  	p0 =	sgt.s32 s16, s18  }
0xdf: {  	s18 =	smov.u32 @p0 s16  }
0xe0: {  	s16 =	sshll.u32 s18, $0x4  }
0xe1: {  	v12 =	vld [tilespmem:s16+$0x10100]  }
0xe2: {  	v13 =	vld [tilespmem:s16+$0x10301]  }
0xe3: {  	v14 =	vld [tilespmem:s16+$0x10502]  }
0xe4: {  	v10 =	vxor.u32 $0x80000000, v10;
	v15 =	vld [tilespmem:s16+$0x10703]  }
0xe5: {  	v11 =	vxor.u32 $0x80000000, v11;
	v10 =	vnsel vm0, $0x80000000, v10;
	v16 =	vld [tilespmem:s16+$0x10904]  }
0xe6: {  	(xrf0) =	vmax.scan.msk.u32 $0xffff, v10;
	v10 =	vnsel vm1, $0x80000000, v11;
	v11 =	vld [tilespmem:s16+$0x10B05]  }
0xe7: {  	(xrf0) =	vmax.scan.msk.u32 $0xffff, v10;
	v10 =	vadd.s32 v12, v13;
	v12 =	vld [tilespmem:s16+$0x10D06]  }
0xe8: {  	v13 =	vld [tilespmem:s16+$0x10F07];
	v10 =	vadd.s32 v14, v10  }
0xe9: {  	v14 =	vld [tilespmem:s16+$0x11108];
	v10 =	vadd.s32 v15, v10  }
0xea: {  	v15 =	vld [tilespmem:s16+$0x11309];
	v10 =	vadd.s32 v16, v10  }
0xeb: {  	v10 =	vadd.s32 v11, v10;
	v11 =	vld [tilespmem:s16+$0x1150A]  }
0xec: {  	v16, _, _ =	vpop (xrf0);
	v10 =	vadd.s32 v12, v10;
	v12 =	vld [tilespmem:s16+$0x1170B]  }
0xed: {  	(v2sf) =	vpush v16, $0xF;
	v16, _, _ =	vpop (xrf0);
	v10 =	vadd.s32 v13, v10;
	v13 =	vld [tilespmem:s16+$0x1190C]  }
0xee: {  	(v2sf) =	vpush v16, $0xF;
	v10 =	vadd.s32 v14, v10;
	v14 =	vld [tilespmem:s16+$0x11B0D]  }
0xef: {  	v10 =	vadd.s32 v15, v10;
	v15 =	vld [tilespmem:s16+$0x11D0E]  }
0xf0: {  	v10 =	vadd.s32 v11, v10;
	v11 =	vld [tilespmem:s16+$0x11F0F]  }
0xf1: {  	v10 =	vadd.s32 v12, v10  }
0xf2: {  	v10 =	vadd.s32 v13, v10  }
0xf3: {  	v10 =	vadd.s32 v14, v10  }
0xf4: {  	v10 =	vadd.s32 v15, v10  }
0xf5: {  	v10 =	vadd.s32 v11, v10  }
0xf6: {  	v11 =	vperm.xlane v10, v4;
	_ =	sdelay $0x1  }
0xf7: {  	(xrf0) =	vadd.scan.msk.s32 $0xffff, v11;
	_ =	sdelay $0x3  }
0xf8: {  	s28 =	spop (v2sf)  }
0xf9: {  	s29 =	spop (v2sf)  }
0xfa: {  	s18 =	sxor.u32 $0x80000000, s28;
	s19 =	sxor.u32 $0x80000000, s29;
	v11, _, _ =	vpop (xrf0)  }
0xfb: {  	p0 =	sgt.s32 s18, s19;
	v11 =	vperm.xlane v11, v4  }
0xfc: {  	s19 =	smov.u32 @p0 s18  }
0xfd: {  	v11 =	vadd.s32 s19, v11  }
0xfe: {  	v10 =	vsub.s32 v11, v10  }
0xff: {  	vm1 =	vgt.s32 v11, $0x332;
	vm0 =	vlt.s32 v10, $0x333  }
0x100: {  	v11 =	vxor.u32 s16, v6;
	vm0 =	vmand vm1, vm0  }
0x101: {  	v11 =	vnsel vm0, $0x7FFFFFFF, v11  }
0x102: {  	(xrf0) =	vmax.scan.msk.u32 $0xffff, v11;
	_ =	sdelay $0x5  }
0x103: {  	v11, _, _ =	vpop (xrf0)  }
0x104: {  	(v2sf) =	vpush v11, $0xF;
	_ =	sdelay $0x6  }
0x105: {  	v62 =	vld [tilespmem:s17+$0xFFFFFFC0]  }
0x106: {  	v17 =	vld [tilespmem:s17+$0x0]  }
0x107: {  	v20 =	vld [tilespmem:s17+$0xFFFFFFF0]  }
0x108: {  	v16 =	vld [tilespmem:s17+$0x10]  }
0x109: {  	v13 =	vld [tilespmem:s17+$0x30]  }
0x10a: {  	v14 =	vld [tilespmem:s17+$0x20]  }
0x10b: {  	v22 =	vld [tilespmem:s17+$0xFFFFFFD0]  }
0x10c: {  	v21 =	vld [tilespmem:s17+$0xFFFFFFE0]  }
0x10d: {  	v26 =	vshrl.u32 v20, $0x16;
	s16 =	spop (v2sf)  }
0x10e: {  	v18 =	vshrl.u32 v16, $0x16;
	v15 =	vshrl.u32 v17, $0x16;
	v24 =	vshrl.u32 v13, $0x16;
	s30 =	sxor.u32 $0x80000000, s16  }
0x10f: {  	v23 =	vshrl.u32 v14, $0x16;
	v11 =	vshrl.u32 v62, $0x16;
	v19 =	vmov s30  }
0x110: {  	vm2 =	veq.s32 v11, v19;
	v11 =	vshrl.u32 v22, $0x16;
	vm7 =	veq.s32 v26, v19  }
0x111: {  	s31 =	sadd.s32 $0x80, s17;
	v12 =	vmpcnt.ones.xlane vm2;
	vm3 =	veq.s32 v11, v19;
	v11 =	vshrl.u32 v21, $0x16  }
0x112: {  	vm8 =	veq.s32 v15, v19;
	v15 =	vld [tilespmem:s31+$0x10];
	v25 =	vmpcnt.ones.xlane vm3;
	vm4 =	veq.s32 v11, v19  }
0x113: {  	vm9 =	veq.s32 v18, v19;
	v18 =	vld [tilespmem:s31+$0x0];
	v27 =	vmpcnt.ones.xlane vm4;
	(v2sf) =	vpush v12, $0x0  }
0x114: {  	vm1 =	veq.s32 v23, v19;
	v23 =	vld [tilespmem:s31+$0xFFFFFFC0];
	v26 =	vmpcnt.ones.xlane vm7;
	(v2sf) =	vpush v25, $0x0  }
0x115: {  	vm5 =	veq.s32 v24, v19;
	v24 =	vld [tilespmem:s31+$0xFFFFFFD0];
	v25 =	vmpcnt.ones.xlane vm8;
	(v2sf) =	vpush v27, $0x0  }
0x116: {  	v28 =	vmpcnt.ones.xlane vm5;
	v11 =	vld [tilespmem:s31+$0x30];
	v27 =	vmpcnt.ones.xlane vm9;
	(v2sf) =	vpush v26, $0x0  }
0x117: {  	vm11 =	vmmov vm2;
	v12 =	vld [tilespmem:s31+$0x20];
	v26 =	vmpcnt.ones.xlane vm1;
	(v2sf) =	vpush v25, $0x0  }
0x118: {  	vm2 =	vmmov vm7;
	vm6 =	vmmov vm3;
	v25 =	vld [tilespmem:s31+$0xFFFFFFE0];
	(v2sf) =	vpush v27, $0x0  }
0x119: {  	vm3 =	vmmov vm8;
	vm7 =	vmmov vm4;
	(v2sf) =	vpush v26, $0x0;
	v26 =	vld [tilespmem:s31+$0xFFFFFFF0]  }
0x11a: {  	vm4 =	vmmov vm9;
	v30 =	vshrl.u32 v23, $0x16;
	(v2sf) =	vpush v28, $0x0  }
0x11b: {  	v29 =	vshrl.u32 v15, $0x16;
	v33 =	vshrl.u32 v24, $0x16;
	vm10 =	veq.s32 v30, v19  }
0x11c: {  	v30 =	vshrl.u32 v18, $0x16;
	vm9 =	veq.s32 v33, v19;
	v31 =	vmpcnt.ones.xlane vm10  }
0x11d: {  	s20 =	simm.s32 $0x0;
	v32 =	vmpcnt.ones.xlane vm9;
	v27 =	vshrl.u32 v11, $0x16;
	v63 =	vshrl.u32 v25, $0x16  }
0x11e: {  	s17 =	simm.s32 $0x0;
	s18 =	simm.s32 $0x8;
	s19 =	sadd.s32 $0x80, s31;
	[tilespmem:s20+$0x8000] =	vst.msk vm11, v62;
	v28 =	vshrl.u32 v12, $0x16;
	vm8 =	veq.s32 v63, v19;
	v33 =	vshrl.u32 v26, $0x16  }
.LBB2_9:
0x11f: {  	v35 =	vmpcnt.ones.xlane vm8;
	vm15 =	veq.s32 v33, v19;
	(v2sf) =	vpush v31, $0x0  }
0x120: {  	v34 =	vld [tilespmem:s19+$0x30];
	vm13 =	vmmov vm1;
	vm12 =	vmmov vm5;
	vm11 =	vmmov vm10  }
0x121: {  	vm14 =	veq.s32 v30, v19;
	v31 =	vld [tilespmem:s19+$0x20];
	v33 =	vmpcnt.ones.xlane vm15;
	(v2sf) =	vpush v32, $0x0  }
0x122: {  	vm10 =	veq.s32 v29, v19;
	v32 =	vmpcnt.ones.xlane vm14;
	v30 =	vld [tilespmem:s19+$0x10];
	(v2sf) =	vpush v35, $0x0;
	s21 =	spop (v2sf)  }
0x123: {  	vm1 =	veq.s32 v28, v19;
	v35 =	vmpcnt.ones.xlane vm10;
	v29 =	vld [tilespmem:s19+$0x0];
	(v2sf) =	vpush v33, $0x0;
	s20 =	sadd.s32 s20, s21;
	s21 =	spop (v2sf)  }
0x124: {  	s18 =	sadd.s32 $0x8, s18;
	vm5 =	veq.s32 v27, v19;
	v28 =	vmpcnt.ones.xlane vm1;
	v33 =	vld [tilespmem:s19+$0xFFFFFFC0];
	(v2sf) =	vpush v32, $0x0;
	[tilespmem:s20+$0x8000] =	vst.msk vm6, v22;
	s20 =	sadd.s32 s20, s21;
	s21 =	spop (v2sf);
	v22 =	vmovc v24  }
0x125: {  	p0 =	slt.u32 s18, $0x3F8;
	v27 =	vmpcnt.ones.xlane vm5;
	vm6 =	vmmov vm9;
	v24 =	vld [tilespmem:s19+$0xFFFFFFD0];
	(v2sf) =	vpush v35, $0x0;
	[tilespmem:s20+$0x8000] =	vst.msk vm7, v21;
	s20 =	sadd.s32 s20, s21;
	s21 =	spop (v2sf);
	v21 =	vmovc v25  }
0x126: {  	vm7 =	vmmov vm8;
	v25 =	vld [tilespmem:s19+$0xFFFFFFE0];
	(v2sf) =	vpush v28, $0x0;
	[tilespmem:s20+$0x8000] =	vst.msk vm2, v20;
	s20 =	sadd.s32 s20, s21;
	s21 =	spop (v2sf);
	v20 =	vmovc v26;
	vm2 =	vmmov vm15  }
0x127: {  	v26 =	vld [tilespmem:s19+$0xFFFFFFF0];
	(v2sf) =	vpush v27, $0x0;
	[tilespmem:s20+$0x8000] =	vst.msk vm3, v17;
	s20 =	sadd.s32 s20, s21;
	s21 =	spop (v2sf);
	v17 =	vmov v18;
	vm3 =	vmmov vm14  }
.Ltmp7:
0x128: {  	v27 =	vshrl.u32 v34, $0x16;
	[tilespmem:s20+$0x8000] =	vst.msk vm4, v16;
	s20 =	sadd.s32 s20, s21;
	s21 =	spop (v2sf);
	v16 =	vmovc v15;
	v15 =	vmovc v30;
	v18 =	vmov v29;
	vm4 =	vmmov vm10;
	(pc) =	sbr.rel @p0 .LBB2_9-.Ltmp7, $4  }
0x129: {  	v28 =	vshrl.u32 v31, $0x16;
	v30 =	vshrl.u32 v33, $0x16;
	v29 =	vshrl.u32 v15, $0x16;
	[tilespmem:s20+$0x8000] =	vst.msk vm13, v14;
	s20 =	sadd.s32 s20, s21;
	s21 =	spop (v2sf);
	v14 =	vmovc v12;
	v12 =	vmovc v31  }
0x12a: {  	vm10 =	veq.s32 v30, v19;
	v32 =	vshrl.u32 v24, $0x16;
	v30 =	vshrl.u32 v18, $0x16;
	[tilespmem:s20+$0x8000] =	vst.msk vm12, v13;
	s20 =	sadd.s32 s20, s21;
	v13 =	vmovc v11;
	v11 =	vmovc v34  }
0x12b: {  	v31 =	vmpcnt.ones.xlane vm10;
	vm9 =	veq.s32 v32, v19;
	v34 =	vshrl.u32 v25, $0x16;
	[tilespmem:s20+$0x8000] =	vst.msk vm11, v23;
	v23 =	vmovc v33  }
0x12c: {  	s19 =	sadd.s32 $0x80, s19;
	v32 =	vmpcnt.ones.xlane vm9;
	vm8 =	veq.s32 v34, v19;
	v33 =	vshrl.u32 v26, $0x16  }
0x12d: {  	v34 =	vmpcnt.ones.xlane vm8;
	vm14 =	veq.s32 v33, v19;
	(v2sf) =	vpush v31, $0x0  }
0x12e: {  	vm13 =	veq.s32 v30, v19;
	v63 =	vmpcnt.ones.xlane vm14;
	(v2sf) =	vpush v32, $0x0  }
0x12f: {  	vm12 =	veq.s32 v29, v19;
	v30 =	vmpcnt.ones.xlane vm13;
	(v2sf) =	vpush v34, $0x0  }
0x130: {  	vm11 =	veq.s32 v28, v19;
	v29 =	vmpcnt.ones.xlane vm12;
	(v2sf) =	vpush v63, $0x0  }
0x131: {  	v28 =	vmpcnt.ones.xlane vm11;
	(v2sf) =	vpush v30, $0x0  }
0x132: {  	(v2sf) =	vpush v29, $0x0  }
0x133: {  	s0 =	simm.s32 @!p2 $0x0;
	(v2sf) =	vpush v28, $0x0  }
0x134: {  	s0 =	simm.s32 @p2 $0x1;
	s18 =	spop (v2sf)  }
0x135: {  	[smem:$0x7FD] =	sst s0;
	s18 =	sadd.s32 s20, s18;
	s19 =	spop (v2sf)  }
0x136: {  	[tilespmem:s18+$0x8000] =	vst.msk vm6, v22;
	s31 =	spop (v2sf);
	s18 =	sadd.s32 s18, s19  }
0x137: {  	s0 =	spop (v2sf);
	[tilespmem:s18+$0x8000] =	vst.msk vm7, v21;
	s18 =	sadd.s32 s18, s31  }
0x138: {  	vm15 =	veq.s32 v27, v19;
	[tilespmem:s18+$0x8000] =	vst.msk vm2, v20;
	s18 =	sadd.s32 s18, s0;
	s1 =	spop (v2sf)  }
0x139: {  	v19 =	vmpcnt.ones.xlane vm15;
	[tilespmem:s18+$0x8000] =	vst.msk vm3, v17;
	s18 =	sadd.s32 s18, s1;
	s20 =	spop (v2sf)  }
0x13a: {  	vm1 =	vmmov vm1;
	[tilespmem:s18+$0x8000] =	vst.msk vm4, v16;
	s18 =	sadd.s32 s18, s20;
	s21 =	spop (v2sf)  }
0x13b: {  	vm2 =	vmmov vm5;
	(v2sf) =	vpush v19, $0x0;
	[tilespmem:s18+$0x8000] =	vst.msk vm1, v14;
	s18 =	sadd.s32 s18, s21;
	s22 =	spop (v2sf)  }
0x13c: {  	vm1 =	vmmov vm10;
	[tilespmem:s18+$0x8000] =	vst.msk vm2, v13;
	s18 =	sadd.s32 s18, s22;
	s23 =	spop (v2sf)  }
0x13d: {  	vm2 =	vmmov vm9;
	[tilespmem:s18+$0x8000] =	vst.msk vm1, v23;
	s18 =	sadd.s32 s18, s23;
	s24 =	spop (v2sf)  }
0x13e: {  	vm1 =	vmmov vm8;
	[tilespmem:s18+$0x8000] =	vst.msk vm2, v24;
	s18 =	sadd.s32 s18, s24;
	s25 =	spop (v2sf)  }
0x13f: {  	vm2 =	vmmov vm14;
	[tilespmem:s18+$0x8000] =	vst.msk vm1, v25;
	s18 =	sadd.s32 s18, s25;
	s26 =	spop (v2sf)  }
0x140: {  	vm1 =	vmmov vm13;
	[tilespmem:s18+$0x8000] =	vst.msk vm2, v26;
	s18 =	sadd.s32 s18, s26;
	s28 =	spop (v2sf)  }
0x141: {  	vm2 =	vmmov vm12;
	[tilespmem:s18+$0x8000] =	vst.msk vm1, v18;
	s18 =	sadd.s32 s18, s28;
	s29 =	spop (v2sf)  }
0x142: {  	vm1 =	vmmov vm11;
	[tilespmem:s18+$0x8000] =	vst.msk vm2, v15;
	s18 =	sadd.s32 s18, s29;
	s30 =	spop (v2sf)  }
0x143: {  	vm2 =	vmmov vm15;
	[tilespmem:s18+$0x8000] =	vst.msk vm1, v12;
	s18 =	sadd.s32 s18, s30  }
0x144: {  	s22 =	simm.s32 $0x10140;
	[tilespmem:s18+$0x8000] =	vst.msk vm2, v11  }
0x145: {  	[tilespmem:s22+$0xFFFFFFC0] =	vst v1  }
0x146: {  	[tilespmem:s22+$0x30] =	vst v1  }
0x147: {  	[tilespmem:s22+$0x20] =	vst v1  }
0x148: {  	[tilespmem:s22+$0x10] =	vst v1  }
0x149: {  	[tilespmem:s22+$0x0] =	vst v1  }
0x14a: {  	s31 =	spop (v2sf);
	[tilespmem:s22+$0xFFFFFFF0] =	vst v1  }
0x14b: {  	s18 =	sadd.s32 s18, s31;
	[tilespmem:s22+$0xFFFFFFE0] =	vst v1  }
.LBB2_11:
0x14c: {  	s17 =	sadd.s32 $0x8, s17;
	[tilespmem:s22+$0xFFFFFFD0] =	vst v1;
	s22 =	sadd.s32 $0x80, s22  }
0x14d: {  	[tilespmem:s22+$0xFFFFFFC0] =	vst v1;
	p0 =	slt.u32 s17, $0x38  }
0x14e: {  	[tilespmem:s22+$0x30] =	vst v1  }
.Ltmp8:
0x14f: {  	[tilespmem:s22+$0x20] =	vst v1;
	(pc) =	sbr.rel @p0 .LBB2_11-.Ltmp8, $4  }
0x150: {  	[tilespmem:s22+$0x10] =	vst v1  }
0x151: {  	[tilespmem:s22+$0x0] =	vst v1  }
0x152: {  	[tilespmem:s22+$0xFFFFFFF0] =	vst v1  }
0x153: {  	[tilespmem:s22+$0xFFFFFFE0] =	vst v1  }
0x154: {  	v10 =	vxor.u32 $0x80000000, v10  }
0x155: {  	v10 =	vnsel vm0, $0x80000000, v10  }
0x156: {  	(xrf0) =	vmax.scan.msk.u32 $0xffff, v10;
	_ =	sdelay $0x5  }
0x157: {  	v10, _, _ =	vpop (xrf0)  }
0x158: {  	(v2sf) =	vpush v10, $0xF;
	_ =	sdelay $0x6  }
0x159: {  	s21 =	sadd.s32 $0xF, s18  }
0x15a: {  	s19 =	sshrl.u32 s21, $0x4  }
0x15b: {  	s20 =	sand.u32 $0xFFFFFFE, s19  }
0x15c: {  	p2 =	seq.s32 s20, $0x0  }
.Ltmp9:
0x15d: {  	_ = 	snop;
	(pc) =	sbr.rel @p2 .LBB2_15-.Ltmp9, $3  }
0x15e: {  	_ =	sdelay $0x1  }
0x15f: {  	[tilespmem:s22+$0xFFFFFFD0] =	vst v1  }
0x160: {  	[tilespmem:$0x10500] =	vst v1;
	s17 =	spop (v2sf)  }
0x161: {  	s23 =	simm.s32 $0x8010  }
0x162: {  	v12 =	vld [tilespmem:s23+$0x0]  }
0x163: {  	p1 =	sgt.u32 s20, $0x2;
	v13 =	vld [tilespmem:s23+$0xFFFFFFF0]  }
.Ltmp10:
0x164: {  	_ = 	snop;
	(pc) =	sbr.rel @!p1 .LBB2_14-.Ltmp10, $4  }
0x165: {  	_ = 	snop  }
0x166: {  	v10 =	vmov s18;
	s22 =	simm.s32 $0x10  }
0x167: {  	v11 =	vmul.u32 $0x41, v0;
	v14 =	vor.u32 s22, v0;
	v12 =	vshrl.u32 v12, $0x10  }
0x168: {  	s24 =	simm.s32 $0x0;
	p0 =	por $0x0, $0x0;
	s22 =	simm.s32 $0x8030;
	vm0 =	vlt.s32 v14, v10;
	v13 =	vshrl.u32 v13, $0x10;
	v14 =	vand.u32 $0x3F, v12  }
0x169: {  	v15 =	vld [tilespmem:s22+$0x0]  }
0x16a: {  	v14 =	vadd.s32 v11, v14;
	v16 =	vld [tilespmem:s22+$0xFFFFFFF0];
	v12 =	vor.u32 s24, v0;
	p1 =	sgt.u32 s20, $0x4  }
.Ltmp11:
0x16b: {  	vm1 =	vlt.s32 v12, v10;
	(pc) =	sbr.rel @!p1 .LBB2_30-.Ltmp11, $4  }
0x16c: {  	v13 =	vand.u32 $0x3F, v13;
	vm1 =	vmmov vm1  }
0x16d: {  	s22 =	simm.s32 $0x30;
	v12 =	vadd.s32 v11, v13  }
0x16e: {  	s23 =	simm.s32 $0x4;
	v17 =	vor.u32 s22, v0;
	v15 =	vshrl.u32 v15, $0x10  }
0x16f: {  	s24 =	simm.s32 $0x20;
	s25 =	simm.s32 $0x8050;
	p0 =	por $0x1, $0x1;
	[tilespmem:v14+s11+$0x0] =	vst.idx.add.s32.msk vm0, v3;
	v13 =	vshrl.u32 v16, $0x10;
	vm0 =	vlt.s32 v17, v10;
	v14 =	vand.u32 $0x3F, v15  }
.LBB2_29:
0x170: {  	v15 =	vld [tilespmem:s25+$0x0];
	s23 =	sadd.s32 $0x2, s23;
	v16 =	vor.u32 s24, v0;
	v13 =	vand.u32 $0x3F, v13;
	v14 =	vadd.s32 v11, v14  }
0x171: {  	v17 =	vld [tilespmem:s25+$0xFFFFFFF0];
	p1 =	slt.u32 s23, s20;
	vm2 =	vlt.s32 v16, v10;
	v13 =	vadd.s32 v11, v13  }
.Ltmp12:
0x172: {  	[tilespmem:v12+s11+$0x0] =	vst.idx.add.s32.msk vm1, v3;
	v12 =	vmov v13;
	vm1 =	vmmov vm2;
	(pc) =	sbr.rel @p1 .LBB2_29-.Ltmp12, $4  }
0x173: {  	_ = 	snop  }
0x174: {  	s22 =	sadd.s32 $0x20, s22  }
0x175: {  	s24 =	sadd.s32 $0xFFFFFFF0, s22;
	v16 =	vor.u32 s22, v0;
	v15 =	vshrl.u32 v15, $0x10;
	[tilespmem:v14+s11+$0x0] =	vst.idx.add.s32.msk vm0, v3  }
0x176: {  	s25 =	sadd.s32 $0x20, s25;
	vm0 =	vlt.s32 v16, v10;
	v13 =	vshrl.u32 v17, $0x10;
	v14 =	vand.u32 $0x3F, v15  }
.LBB2_30:
0x177: {  	v15 =	vor.u32 s24, v0  }
0x178: {  	vm2 =	vlt.s32 v15, v10  }
0x179: {  	v63 =	vadd.s32 v11, v14;
	v10 =	vand.u32 $0x3F, v13;
	vm2 =	vmmov vm2  }
0x17a: {  	v10 =	vadd.s32 v11, v10;
	_ =	sdelay $0x2  }
0x17b: {  	[tilespmem:v12+s11+$0x0] =	vst.idx.add.s32.msk @p0 vm1, v3  }
0x17c: {  	[tilespmem:v63+s11+$0x0] =	vst.idx.add.s32.msk vm0, v3  }
0x17d: {  	[tilespmem:v10+s11+$0x0] =	vst.idx.add.s32.msk vm2, v3  }
.LBB2_15:
0x17e: {  	p1 =	seq.s32 s20, s19  }
.Ltmp13:
0x17f: {  	_ = 	snop;
	(pc) =	sbr.rel @p1 .LBB2_18-.Ltmp13, $1  }
0x180: {  	_ =	sdelay $0x3  }
0x181: {  	s22 =	sshll.u32 s21, $0x2  }
0x182: {  	s22 =	sshra.s32 s22, $0x2  }
0x183: {  	s22 =	sand.u32 $0xFFFFFFE0, s22  }
0x184: {  	v10 =	vmov s18;
	s23 =	sand.u32 $0xFFFFFFE0, s21;
	s24 =	smov.u32 s20;
	s22 =	sadd.s32 $0x8000, s22  }
.LBB2_17:
0x185: {  	v11 =	vld [tilespmem:s22+$0x0];
	_ =	sdelay $0x4  }
0x186: {  	v12 =	vor.u32 s23, v0;
	v13 =	vmul.u32 $0x41, v0;
	v11 =	vshrl.u32 v11, $0x10  }
0x187: {  	s24 =	sadd.s32 $0x1, s24;
	vm0 =	vlt.s32 v12, v10;
	v11 =	vand.u32 $0x3F, v11  }
0x188: {  	p0 =	slt.u32 s24, s19;
	v11 =	vadd.s32 v13, v11  }
.Ltmp14:
0x189: {  	_ = 	snop;
	(pc) =	sbr.rel @p0 .LBB2_17-.Ltmp14, $2  }
0x18a: {  	_ =	sdelay $0x2  }
0x18b: {  	s22 =	sadd.s32 $0x10, s22;
	s23 =	sadd.s32 $0x10, s23;
	[tilespmem:v11+s11+$0x0] =	vst.idx.add.s32.msk vm0, v3  }
.LBB2_18:
0x18c: {  	v10 =	vld [tilespmem:$0x10130]  }
0x18d: {  	v11 =	vld [tilespmem:$0x10171]  }
0x18e: {  	v12 =	vld [tilespmem:$0x101B2]  }
0x18f: {  	v13 =	vld [tilespmem:$0x101F3]  }
0x190: {  	v14 =	vld [tilespmem:$0x10234]  }
0x191: {  	v15 =	vld [tilespmem:$0x10275]  }
0x192: {  	v10 =	vadd.s32 v10, v11;
	v11 =	vld [tilespmem:$0x102B6]  }
0x193: {  	v42 =	vld [tilespmem:$0x102F7];
	v10 =	vadd.s32 v12, v10  }
0x194: {  	v43 =	vld [tilespmem:$0x10338];
	v10 =	vadd.s32 v13, v10  }
0x195: {  	v44 =	vld [tilespmem:$0x10379];
	v10 =	vadd.s32 v14, v10  }
0x196: {  	v45 =	vld [tilespmem:$0x103BA];
	v10 =	vadd.s32 v15, v10  }
0x197: {  	v10 =	vadd.s32 v11, v10;
	v11 =	vld [tilespmem:$0x103FB]  }
0x198: {  	v46 =	vld [tilespmem:$0x1043C];
	v10 =	vadd.s32 v42, v10  }
0x199: {  	v47 =	vld [tilespmem:$0x1047D];
	v10 =	vadd.s32 v43, v10  }
0x19a: {  	v48 =	vld [tilespmem:$0x104BE];
	v10 =	vadd.s32 v44, v10  }
0x19b: {  	v49 =	vld [tilespmem:$0x104FF];
	v10 =	vadd.s32 v45, v10  }
0x19c: {  	v50 =	vld [tilespmem:$0x10161];
	v10 =	vadd.s32 v11, v10  }
0x19d: {  	v11 =	vld [tilespmem:$0x10120];
	v10 =	vadd.s32 v46, v10  }
0x19e: {  	v51 =	vld [tilespmem:$0x101A2];
	v10 =	vadd.s32 v47, v10  }
0x19f: {  	v52 =	vld [tilespmem:$0x101E3];
	v10 =	vadd.s32 v48, v10  }
0x1a0: {  	v53 =	vld [tilespmem:$0x10224];
	v10 =	vadd.s32 v49, v10  }
0x1a1: {  	v17 =	vld [tilespmem:$0x10265];
	v16 =	vperm.xlane v10, v4  }
0x1a2: {  	v54 =	vld [tilespmem:$0x102A6];
	v11 =	vadd.s32 v11, v50  }
0x1a3: {  	v55 =	vld [tilespmem:$0x102E7];
	v11 =	vadd.s32 v51, v11;
	(xrf0) =	vadd.scan.msk.s32 $0xffff, v16  }
0x1a4: {  	v56 =	vld [tilespmem:$0x10328];
	v11 =	vadd.s32 v52, v11  }
0x1a5: {  	v57 =	vld [tilespmem:$0x10369];
	v11 =	vadd.s32 v53, v11  }
0x1a6: {  	v58 =	vld [tilespmem:$0x103AA];
	v11 =	vadd.s32 v17, v11  }
0x1a7: {  	v59 =	vld [tilespmem:$0x103EB];
	v11 =	vadd.s32 v54, v11  }
0x1a8: {  	v60 =	vld [tilespmem:$0x1042C];
	v11 =	vadd.s32 v55, v11  }
0x1a9: {  	v62 =	vld [tilespmem:$0x1046D];
	v11 =	vadd.s32 v56, v11;
	v61, _, _ =	vpop (xrf0)  }
0x1aa: {  	v63 =	vld [tilespmem:$0x104AE];
	v11 =	vadd.s32 v57, v11;
	v17 =	vperm.xlane v61, v4  }
0x1ab: {  	s17 =	sxor.u32 $0x80000000, s17;
	v21 =	vld [tilespmem:$0x104EF];
	v11 =	vadd.s32 v58, v11  }
0x1ac: {  	s22 =	ssub.s32 $0x333, s17;
	v11 =	vadd.s32 v59, v11;
	v18 =	vsub.s32 v17, v10  }
0x1ad: {  	vm1 =	vge.s32 v17, s22;
	v11 =	vadd.s32 v60, v11;
	vm0 =	vlt.s32 v18, s22  }
0x1ae: {  	v11 =	vadd.s32 v62, v11;
	vm0 =	vmand vm1, vm0  }
0x1af: {  	v23 =	vxor.u32 $0x80000000, v18;
	v11 =	vadd.s32 v63, v11;
	v22 =	vnsel vm0, $0x7FFFFFFF, v7  }
0x1b0: {  	v24 =	vnsel vm0, $0x80000000, v23;
	v11 =	vadd.s32 v21, v11;
	(xrf0) =	vmax.scan.msk.u32 $0xffff, v22  }
0x1b1: {  	v25 =	vperm.xlane v11, v4;
	(xrf0) =	vmax.scan.msk.u32 $0xffff, v24  }
0x1b2: {  	(xrf0) =	vadd.scan.msk.s32 $0xffff, v10  }
0x1b3: {  	(xrf0) =	vadd.scan.msk.s32 $0xffff, v25;
	_ =	sdelay $0x2  }
0x1b4: {  	v10, _, _ =	vpop (xrf0)  }
0x1b5: {  	v26, _, _ =	vpop (xrf0)  }
0x1b6: {  	v27, _, _ =	vpop (xrf0)  }
0x1b7: {  	v28, _, _ =	vpop (xrf0)  }
0x1b8: {  	v29 =	vbroadcast v27, $0xF;
	v14 =	vperm.xlane v28, v4  }
0x1b9: {  	v30 =	vld [tilespmem:$0x10110]  }
0x1ba: {  	v31 =	vld [tilespmem:$0x10151];
	v14 =	vadd.s32 v29, v14  }
0x1bb: {  	v33 =	vld [tilespmem:$0x10192];
	v32 =	vsub.s32 v14, v11  }
0x1bc: {  	v34 =	vld [tilespmem:$0x101D3];
	vm11 =	vge.s32 v14, s22;
	vm10 =	vlt.s32 v32, s22  }
0x1bd: {  	v19 =	vld [tilespmem:$0x10214];
	vm0 =	vmand vm11, vm10  }
0x1be: {  	v21 =	vld [tilespmem:$0x10255];
	v17 =	vxor.u32 $0x80000000, v32;
	v20 =	vnsel vm0, $0x7FFFFFFF, v8  }
0x1bf: {  	v35 =	vld [tilespmem:$0x10296];
	v15 =	vadd.s32 v30, v31;
	v17 =	vnsel vm0, $0x80000000, v17;
	(xrf0) =	vmax.scan.msk.u32 $0xffff, v20  }
0x1c0: {  	v36 =	vld [tilespmem:$0x102D7];
	v15 =	vadd.s32 v33, v15;
	(xrf0) =	vmax.scan.msk.u32 $0xffff, v17  }
0x1c1: {  	v37 =	vld [tilespmem:$0x10318];
	(xrf0) =	vadd.scan.msk.s32 $0xffff, v11;
	v11 =	vadd.s32 v34, v15  }
0x1c2: {  	v38 =	vld [tilespmem:$0x10359];
	v11 =	vadd.s32 v19, v11  }
0x1c3: {  	(v2sf) =	vpush v10, $0xF;
	v10 =	vadd.s32 v21, v11;
	v11 =	vld [tilespmem:$0x1039A]  }
0x1c4: {  	v39 =	vld [tilespmem:$0x103DB];
	(v2sf) =	vpush v26, $0xF;
	v10 =	vadd.s32 v35, v10  }
0x1c5: {  	v41 =	vld [tilespmem:$0x1041C];
	(v2sf) =	vpush v27, $0xF;
	v40, _, _ =	vpop (xrf0);
	v10 =	vadd.s32 v36, v10  }
0x1c6: {  	v43 =	vld [tilespmem:$0x1045D];
	(v2sf) =	vpush v40, $0xF;
	v42, _, _ =	vpop (xrf0);
	v10 =	vadd.s32 v37, v10  }
0x1c7: {  	v45 =	vld [tilespmem:$0x1049E];
	(v2sf) =	vpush v42, $0xF;
	v44, _, _ =	vpop (xrf0);
	v10 =	vadd.s32 v38, v10  }
0x1c8: {  	(v2sf) =	vpush v44, $0xF;
	v10 =	vadd.s32 v11, v10;
	v11 =	vld [tilespmem:$0x104DF]  }
0x1c9: {  	v10 =	vadd.s32 v39, v10  }
0x1ca: {  	v10 =	vadd.s32 v41, v10  }
0x1cb: {  	v10 =	vadd.s32 v43, v10  }
0x1cc: {  	v10 =	vadd.s32 v45, v10  }
0x1cd: {  	v10 =	vadd.s32 v11, v10  }
0x1ce: {  	v11 =	vperm.xlane v10, v4;
	_ =	sdelay $0x1  }
0x1cf: {  	(xrf0) =	vadd.scan.msk.s32 $0xffff, v11;
	_ =	sdelay $0x1  }
0x1d0: {  	s1 =	spop (v2sf)  }
0x1d1: {  	s23 =	spop (v2sf)  }
0x1d2: {  	s25 =	spop (v2sf)  }
0x1d3: {  	s26 =	spop (v2sf)  }
0x1d4: {  	s24 =	spop (v2sf);
	v11, _, _ =	vpop (xrf0)  }
0x1d5: {  	s28 =	spop (v2sf);
	v11 =	vperm.xlane v11, v4  }
0x1d6: {  	v46 =	vld [tilespmem:$0x10100];
	s28 =	sadd.s32 s25, s28  }
0x1d7: {  	v47 =	vld [tilespmem:$0x10141];
	v11 =	vadd.s32 s28, v11  }
0x1d8: {  	v49 =	vld [tilespmem:$0x10182];
	v48 =	vsub.s32 v11, v10  }
0x1d9: {  	vm13 =	vge.s32 v11, s22;
	v11 =	vld [tilespmem:$0x101C3];
	vm12 =	vlt.s32 v48, s22  }
0x1da: {  	v50 =	vld [tilespmem:$0x10204];
	vm0 =	vmand vm13, vm12  }
0x1db: {  	v52 =	vld [tilespmem:$0x10245];
	v14 =	vxor.u32 $0x80000000, v48;
	v51 =	vnsel vm0, $0x7FFFFFFF, v5  }
0x1dc: {  	v12 =	vadd.s32 v46, v47;
	v53 =	vld [tilespmem:$0x10286];
	v14 =	vnsel vm0, $0x80000000, v14;
	(xrf0) =	vmax.scan.msk.u32 $0xffff, v51  }
0x1dd: {  	v12 =	vadd.s32 v49, v12;
	v54 =	vld [tilespmem:$0x102C7];
	(xrf0) =	vmax.scan.msk.u32 $0xffff, v14  }
0x1de: {  	(xrf0) =	vadd.scan.msk.s32 $0xffff, v10;
	v10 =	vadd.s32 v11, v12;
	v11 =	vld [tilespmem:$0x10308]  }
0x1df: {  	v55 =	vld [tilespmem:$0x10349];
	v10 =	vadd.s32 v50, v10  }
0x1e0: {  	v56 =	vld [tilespmem:$0x1038A];
	v10 =	vadd.s32 v52, v10  }
0x1e1: {  	v57 =	vld [tilespmem:$0x103CB];
	v10 =	vadd.s32 v53, v10  }
0x1e2: {  	v59 =	vld [tilespmem:$0x1040C];
	v58, _, _ =	vpop (xrf0);
	v10 =	vadd.s32 v54, v10  }
0x1e3: {  	(v2sf) =	vpush v58, $0xF;
	v60, _, _ =	vpop (xrf0);
	v10 =	vadd.s32 v11, v10;
	v11 =	vld [tilespmem:$0x1044D]  }
0x1e4: {  	v62 =	vld [tilespmem:$0x1048E];
	(v2sf) =	vpush v60, $0xF;
	v61, _, _ =	vpop (xrf0);
	v10 =	vadd.s32 v55, v10  }
0x1e5: {  	v63 =	vld [tilespmem:$0x104CF];
	(v2sf) =	vpush v61, $0xF;
	v10 =	vadd.s32 v56, v10  }
0x1e6: {  	v10 =	vadd.s32 v57, v10  }
0x1e7: {  	v10 =	vadd.s32 v59, v10  }
0x1e8: {  	v10 =	vadd.s32 v11, v10  }
0x1e9: {  	v10 =	vadd.s32 v62, v10  }
0x1ea: {  	v10 =	vadd.s32 v63, v10  }
0x1eb: {  	v11 =	vperm.xlane v10, v4;
	_ =	sdelay $0x1  }
0x1ec: {  	(xrf0) =	vadd.scan.msk.s32 $0xffff, v11;
	_ =	sdelay $0x4  }
0x1ed: {  	s29 =	spop (v2sf)  }
0x1ee: {  	s25 =	spop (v2sf);
	v11, _, _ =	vpop (xrf0)  }
0x1ef: {  	s30 =	spop (v2sf);
	v11 =	vperm.xlane v11, v4  }
0x1f0: {  	s28 =	sadd.s32 s28, s30  }
0x1f1: {  	v11 =	vadd.s32 s28, v11  }
0x1f2: {  	v10 =	vsub.s32 v11, v10  }
0x1f3: {  	vm15 =	vge.s32 v11, s22;
	vm14 =	vlt.s32 v10, s22  }
0x1f4: {  	vm0 =	vmand vm15, vm14  }
0x1f5: {  	v11 =	vnsel vm0, $0x7FFFFFFF, v6  }
0x1f6: {  	(xrf0) =	vmax.scan.msk.u32 $0xffff, v11  }
0x1f7: {  	v10 =	vxor.u32 $0x80000000, v10  }
0x1f8: {  	v10 =	vnsel vm0, $0x80000000, v10  }
0x1f9: {  	(xrf0) =	vmax.scan.msk.u32 $0xffff, v10;
	_ =	sdelay $0x2  }
0x1fa: {  	v10, _, _ =	vpop (xrf0)  }
0x1fb: {  	(v2sf) =	vpush v10, $0xF;
	_ =	sdelay $0x1  }
0x1fc: {  	v10, _, _ =	vpop (xrf0)  }
0x1fd: {  	(v2sf) =	vpush v10, $0xF;
	_ =	sdelay $0x8  }
0x1fe: {  	p3 =	slt.s32 s1, $0x0  }
0x1ff: {  	s17 =	sxor.u32 $0x80000000, s26;
	p4 =	slt.s32 s26, $0x0;
	s30 =	sxor.u32 $0x80000000, s1  }
.Ltmp15:
0x200: {  	p5 =	slt.s32 s29, $0x0;
	s30 =	simm.s32 @!p3 $0xFFFFFFFF;
	(pc) =	sbr.rel @p2 .LBB2_19-.Ltmp15, $4  }
0x201: {  	s30 =	smov.u32 @p4 s17;
	s17 =	sxor.u32 $0x80000000, s29;
	s31 =	spop (v2sf)  }
0x202: {  	s30 =	smov.u32 @p5 s17;
	s17 =	sxor.u32 $0x80000000, s31;
	p6 =	slt.s32 s31, $0x0  }
0x203: {  	s16 =	sshll.u32 s16, $0x6;
	s30 =	smov.u32 @p6 s17  }
0x204: {  	s26 =	spop (v2sf);
	s17 =	sor.u32 s16, s30  }
0x205: {  	s0 =	simm.s32 @!p1 $0x0  }
0x206: {  	s0 =	simm.s32 @p1 $0x1  }
0x207: {  	s29 =	simm.s32 $0x8010;
	[smem:$0x7FC] =	sst s0  }
0x208: {  	v10 =	vld [tilespmem:s29+$0xFFFFFFF0]  }
0x209: {  	p1 =	sgt.u32 s20, $0x2;
	v14 =	vld [tilespmem:s29+$0x0]  }
.Ltmp16:
0x20a: {  	_ = 	snop;
	(pc) =	sbr.rel @!p1 .LBB2_32-.Ltmp16, $4  }
0x20b: {  	_ = 	snop  }
0x20c: {  	v12 =	vmov s18;
	v13 =	vmov s17;
	s28 =	simm.s32 $0x10;
	s31 =	simm.s32 $0x0  }
0x20d: {  	s16 =	simm.s32 $0x0;
	v11 =	vor.u32 s31, v0;
	v16 =	vor.u32 s28, v0;
	v15 =	vshrl.u32 v10, $0x10  }
0x20e: {  	p2 =	por $0x0, $0x0;
	p0 =	por $0x0, $0x0;
	s28 =	simm.s32 $0x8030;
	vm4 =	vlt.s32 v11, v12;
	v18 =	vshrl.u32 v14, $0x10;
	vm5 =	veq.s32 v15, v13  }
0x20f: {  	vm0 =	vmand vm4, vm5;
	vm1 =	vlt.s32 v16, v12;
	vm2 =	veq.s32 v18, v13  }
0x210: {  	v16 =	vmpcnt.ones.xlane vm0;
	vm1 =	vmand vm1, vm2  }
0x211: {  	v17 =	vmpcnt.ones.xlane vm1  }
0x212: {  	(v2sf) =	vpush v16, $0x0  }
0x213: {  	(v2sf) =	vpush v17, $0x0;
	_ =	sdelay $0x2  }
0x214: {  	v15 =	vld [tilespmem:s28+$0xFFFFFFF0]  }
0x215: {  	v11 =	vld [tilespmem:s28+$0x0];
	p1 =	sgt.u32 s20, $0x4  }
.Ltmp17:
0x216: {  	_ = 	snop;
	(pc) =	sbr.rel @!p1 .LBB2_34-.Ltmp17, $4  }
0x217: {  	_ = 	snop  }
0x218: {  	s28 =	simm.s32 $0x30;
	s29 =	simm.s32 $0x20;
	vm0 =	vmmov vm0;
	vm1 =	vmmov vm1  }
0x219: {  	v16 =	vor.u32 s28, v0;
	v17 =	vor.u32 s29, v0;
	v18 =	vshrl.u32 v15, $0x10  }
0x21a: {  	p2 =	por $0x1, $0x1;
	s28 =	simm.s32 $0x8050;
	vm4 =	vlt.s32 v17, v12;
	vm5 =	veq.s32 v18, v13;
	v18 =	vshrl.u32 v11, $0x10  }
0x21b: {  	vm4 =	vmand vm4, vm5;
	vm2 =	vlt.s32 v16, v12;
	vm3 =	veq.s32 v18, v13  }
0x21c: {  	v16 =	vmpcnt.ones.xlane vm4;
	vm5 =	vmand vm2, vm3  }
0x21d: {  	v18 =	vmpcnt.ones.xlane vm5  }
0x21e: {  	(v2sf) =	vpush v16, $0x0  }
0x21f: {  	(v2sf) =	vpush v18, $0x0;
	_ =	sdelay $0x1  }
0x220: {  	v19 =	vld [tilespmem:s28+$0xFFFFFFF0]  }
0x221: {  	v17 =	vld [tilespmem:s28+$0x0];
	p1 =	sgt.u32 s20, $0x6  }
.Ltmp18:
0x222: {  	_ = 	snop;
	(pc) =	sbr.rel @!p1 .LBB2_36-.Ltmp18, $4  }
0x223: {  	vm3 =	vmmov vm0  }
0x224: {  	s29 =	simm.s32 $0x50;
	s28 =	simm.s32 $0x40;
	vm2 =	vmmov vm1;
	vm0 =	vmmov vm4;
	vm1 =	vmmov vm5  }
0x225: {  	s30 =	simm.s32 $0x6;
	v16 =	vor.u32 s29, v0;
	v18 =	vor.u32 s28, v0;
	v20 =	vshrl.u32 v19, $0x10  }
0x226: {  	s31 =	simm.s32 $0x8070;
	p0 =	por $0x1, $0x1;
	s28 =	simm.s32 $0x0;
	vm4 =	vlt.s32 v18, v12;
	v18 =	vshrl.u32 v17, $0x10;
	vm5 =	veq.s32 v20, v13  }
.LBB2_37:
0x227: {  	v20 =	vld [tilespmem:s31+$0xFFFFFFF0];
	s30 =	sadd.s32 $0x2, s30;
	vm4 =	vmand vm4, vm5;
	vm5 =	vlt.s32 v16, v12;
	vm6 =	veq.s32 v18, v13;
	[tilespmem:s28+$0xC080] =	vst.msk vm3, v10;
	v10 =	vmovc v15  }
0x228: {  	v15 =	vmovc v19;
	v21 =	vmovc v11;
	v11 =	vmov v17;
	p1 =	slt.u32 s30, s20;
	v16 =	vmpcnt.ones.xlane vm4;
	vm5 =	vmand vm5, vm6;
	v17 =	vld [tilespmem:s31+$0x0]  }
.Ltmp19:
0x229: {  	vm3 =	vmmov vm0;
	vm0 =	vmmov vm4;
	v18 =	vmpcnt.ones.xlane vm5;
	(pc) =	sbr.rel @p1 .LBB2_37-.Ltmp19, $4  }
0x22a: {  	s29 =	sadd.s32 $0x20, s29;
	vm6 =	vmmov vm2;
	vm2 =	vmmov vm1;
	(v2sf) =	vpush v16, $0x0  }
0x22b: {  	s0 =	sadd.s32 $0xFFFFFFF0, s29;
	vm1 =	vmmov vm5;
	(v2sf) =	vpush v18, $0x0;
	s1 =	spop (v2sf)  }
0x22c: {  	v16 =	vor.u32 s29, v0;
	v18 =	vor.u32 s0, v0;
	v22 =	vshrl.u32 v20, $0x10;
	s0 =	sadd.s32 s28, s1;
	s1 =	spop (v2sf);
	v19 =	vmovc v20  }
0x22d: {  	s31 =	sadd.s32 $0x20, s31;
	vm4 =	vlt.s32 v18, v12;
	vm5 =	veq.s32 v22, v13;
	v18 =	vshrl.u32 v17, $0x10;
	[tilespmem:s0+$0xC080] =	vst.msk vm6, v14;
	s28 =	sadd.s32 s0, s1;
	v14 =	vmovc v21  }
0x22e: {  	v20 =	vmovc v10;
	v21 =	vmovc v11;
	v22 =	vmov v15;
	v10 =	vmov v19;
	v11 =	vmov v17  }
.LBB2_39:
0x22f: {  	vm4 =	vmand vm4, vm5  }
0x230: {  	v62 =	vmpcnt.ones.xlane vm4;
	_ =	sdelay $0x1  }
0x231: {  	(v2sf) =	vpush v62, $0x0  }
0x232: {  	vm12 =	vlt.s32 v16, v12;
	vm6 =	veq.s32 v18, v13  }
0x233: {  	vm5 =	vmand vm12, vm6  }
0x234: {  	v63 =	vmpcnt.ones.xlane vm5;
	_ =	sdelay $0x1  }
0x235: {  	(v2sf) =	vpush v63, $0x0;
	_ =	sdelay $0x3  }
0x236: {  	s0 =	spop @p0 (v2sf)  }
0x237: {  	s0 =	sadd.s32 @p0 s28, s0;
	s1 =	spop @p0 (v2sf)  }
0x238: {  	vm0 =	vmmov @p2 vm0;
	s29 =	simm.s32 $0x0;
	s1 =	sadd.s32 @p0 s0, s1  }
0x239: {  	[tilespmem:s28+$0xC080] =	vst.msk @p0 vm3, v20;
	v12 =	vmovc @p2 v22;
	vm2 =	vmmov @p0 vm2;
	vm1 =	vmmov @p2 vm1;
	vm13 =	vmmov vm4;
	s29 =	smov.u32 @p0 s1;
	s1 =	spop @p2 (v2sf)  }
0x23a: {  	v13 =	vmovc @p2 v21;
	v12 =	vpsel p2, v12, v0;
	vm0 =	vmmov @p2 vm0;
	vm1 =	vmmov @p2 vm1;
	[tilespmem:s0+$0xC080] =	vst.msk @p0 vm2, v14;
	s0 =	sadd.s32 @p2 s29, s1;
	s1 =	spop @p2 (v2sf)  }
0x23b: {  	vm14 =	vmmov vm5;
	vm1 =	vmmov @p2 vm1;
	[tilespmem:s29+$0xC080] =	vst.msk @p2 vm0, v12;
	v12 =	vpsel p2, v13, v0;
	s1 =	sadd.s32 @p2 s0, s1  }
0x23c: {  	vm15 =	vmmov vm13;
	vm0 =	vmmov vm14;
	[tilespmem:s0+$0xC080] =	vst.msk @p2 vm1, v12;
	s16 =	smov.u32 @p2 s1;
	s29 =	spop (v2sf)  }
0x23d: {  	vm0 =	vmmov vm0;
	[tilespmem:s16+$0xC080] =	vst.msk vm15, v10;
	s0 =	sadd.s32 s16, s29  }
.Ltmp20:
0x23e: {  	[tilespmem:s0+$0xC080] =	vst.msk vm0, v11;
	(pc) =	sbr.rel .LBB2_20-.Ltmp20, $3  }
0x23f: {  	s31 =	sld [smem:$0x7FC];
	_ =	sdelay $0x1  }
0x240: {  	s30 =	spop (v2sf)  }
0x241: {  	s16 =	sadd.s32 s0, s30;
	p1 =	seq.s32 s31, $0x1  }
.LBB2_19:
0x242: {  	s16 =	simm.s32 $0x0  }
.LBB2_20:
.Ltmp21:
0x243: {  	(pc) =	sbr.rel @p1 .LBB2_23-.Ltmp21, $1  }
0x244: {  	_ =	sdelay $0x3  }
0x245: {  	s28 =	sshll.u32 s21, $0x2  }
0x246: {  	s28 =	sshra.s32 s28, $0x2  }
0x247: {  	s28 =	sand.u32 $0xFFFFFFE0, s28  }
0x248: {  	v10 =	vmov s18;
	v11 =	vmov s17;
	s21 =	sand.u32 $0xFFFFFFE0, s21;
	s18 =	sadd.s32 $0x8000, s28  }
.LBB2_22:
0x249: {  	v12 =	vld [tilespmem:s18+$0x0];
	_ =	sdelay $0x4  }
0x24a: {  	v13 =	vor.u32 s21, v0;
	v14 =	vshrl.u32 v12, $0x10  }
0x24b: {  	vm0 =	vlt.s32 v13, v10;
	vm1 =	veq.s32 v14, v11  }
0x24c: {  	vm0 =	vmand vm0, vm1  }
0x24d: {  	v63 =	vmpcnt.ones.xlane vm0;
	_ =	sdelay $0x1  }
0x24e: {  	(v2sf) =	vpush v63, $0x0;
	_ =	sdelay $0x9  }
0x24f: {  	s20 =	sadd.s32 $0x1, s20  }
0x250: {  	p0 =	slt.u32 s20, s19  }
.Ltmp22:
0x251: {  	_ = 	snop;
	(pc) =	sbr.rel @p0 .LBB2_22-.Ltmp22, $3  }
0x252: {  	_ =	sdelay $0x1  }
0x253: {  	s0 =	spop (v2sf)  }
0x254: {  	s18 =	sadd.s32 $0x10, s18;
	s21 =	sadd.s32 $0x10, s21;
	[tilespmem:s16+$0xC080] =	vst.msk vm0, v12;
	s16 =	sadd.s32 s16, s0  }
.LBB2_23:
0x255: {  	s19 =	simm.s32 $0x10140  }
0x256: {  	[tilespmem:s19+$0xFFFFFFC0] =	vst v1  }
0x257: {  	s0 =	sxor.u32 $0x80000000, s23;
	[tilespmem:s19+$0x30] =	vst v1  }
0x258: {  	s30 =	sxor.u32 $0x80000000, s24;
	s18 =	ssub.s32 s22, s0;
	[tilespmem:s19+$0x20] =	vst v1  }
0x259: {  	s1 =	sxor.u32 $0x80000000, s25;
	s0 =	ssub.s32 s22, s30;
	[tilespmem:s19+$0x10] =	vst v1;
	s18 =	simm.s32 @!p3 $0xFFFFFFFF  }
0x25a: {  	s31 =	sxor.u32 $0x80000000, s26;
	[tilespmem:s19+$0x0] =	vst v1;
	s18 =	smov.u32 @p4 s0;
	s0 =	ssub.s32 s22, s1  }
0x25b: {  	[tilespmem:s19+$0xFFFFFFF0] =	vst v1;
	s18 =	smov.u32 @p5 s0;
	s0 =	ssub.s32 s22, s31  }
0x25c: {  	s20 =	simm.s32 $0x0;
	[tilespmem:s19+$0xFFFFFFE0] =	vst v1;
	s18 =	smov.u32 @p6 s0  }
.LBB2_24:
0x25d: {  	s20 =	sadd.s32 $0x8, s20;
	[tilespmem:s19+$0xFFFFFFD0] =	vst v1;
	s19 =	sadd.s32 $0x80, s19  }
0x25e: {  	[tilespmem:s19+$0xFFFFFFC0] =	vst v1;
	p0 =	slt.u32 s20, $0x38  }
0x25f: {  	[tilespmem:s19+$0x30] =	vst v1  }
.Ltmp23:
0x260: {  	[tilespmem:s19+$0x20] =	vst v1;
	(pc) =	sbr.rel @p0 .LBB2_24-.Ltmp23, $4  }
0x261: {  	[tilespmem:s19+$0x10] =	vst v1  }
0x262: {  	[tilespmem:s19+$0x0] =	vst v1  }
0x263: {  	[tilespmem:s19+$0xFFFFFFF0] =	vst v1  }
0x264: {  	[tilespmem:s19+$0xFFFFFFE0] =	vst v1  }
0x265: {  	s22 =	sadd.s32 $0xF, s16  }
0x266: {  	s20 =	sshrl.u32 s22, $0x4  }
0x267: {  	s21 =	sand.u32 $0xFFFFFFE, s20  }
0x268: {  	p2 =	seq.s32 s21, $0x0  }
.Ltmp24:
0x269: {  	_ = 	snop;
	(pc) =	sbr.rel @p2 .LBB2_40-.Ltmp24, $3  }
0x26a: {  	_ =	sdelay $0x1  }
0x26b: {  	[tilespmem:s19+$0xFFFFFFD0] =	vst v1  }
0x26c: {  	[tilespmem:$0x10500] =	vst v1  }
0x26d: {  	s23 =	simm.s32 $0xC090  }
0x26e: {  	v12 =	vld [tilespmem:s23+$0x0]  }
0x26f: {  	p1 =	sgt.u32 s21, $0x2;
	v13 =	vld [tilespmem:s23+$0xFFFFFFF0]  }
.Ltmp25:
0x270: {  	_ = 	snop;
	(pc) =	sbr.rel @!p1 .LBB2_27-.Ltmp25, $4  }
0x271: {  	_ = 	snop  }
0x272: {  	v10 =	vmov s16;
	s19 =	simm.s32 $0x10  }
0x273: {  	v11 =	vmul.u32 $0x41, v0;
	v14 =	vor.u32 s19, v0;
	v12 =	vshrl.u32 v12, $0xA  }
0x274: {  	s24 =	simm.s32 $0x0;
	p0 =	por $0x0, $0x0;
	s19 =	simm.s32 $0xC0B0;
	vm0 =	vlt.s32 v14, v10;
	v13 =	vshrl.u32 v13, $0xA;
	v14 =	vand.u32 $0x3F, v12  }
0x275: {  	v15 =	vld [tilespmem:s19+$0x0]  }
0x276: {  	v14 =	vadd.s32 v11, v14;
	v16 =	vld [tilespmem:s19+$0xFFFFFFF0];
	v12 =	vor.u32 s24, v0;
	p1 =	sgt.u32 s21, $0x4  }
.Ltmp26:
0x277: {  	vm1 =	vlt.s32 v12, v10;
	(pc) =	sbr.rel @!p1 .LBB2_55-.Ltmp26, $4  }
0x278: {  	v13 =	vand.u32 $0x3F, v13;
	vm1 =	vmmov vm1  }
0x279: {  	s19 =	simm.s32 $0x30;
	v12 =	vadd.s32 v11, v13  }
0x27a: {  	s23 =	simm.s32 $0x4;
	v17 =	vor.u32 s19, v0;
	v15 =	vshrl.u32 v15, $0xA  }
0x27b: {  	s24 =	simm.s32 $0x20;
	s25 =	simm.s32 $0xC0D0;
	p0 =	por $0x1, $0x1;
	[tilespmem:v14+s11+$0x0] =	vst.idx.add.s32.msk vm0, v3;
	v13 =	vshrl.u32 v16, $0xA;
	vm0 =	vlt.s32 v17, v10;
	v14 =	vand.u32 $0x3F, v15  }
.LBB2_54:
0x27c: {  	v15 =	vld [tilespmem:s25+$0x0];
	s23 =	sadd.s32 $0x2, s23;
	v16 =	vor.u32 s24, v0;
	v13 =	vand.u32 $0x3F, v13;
	v14 =	vadd.s32 v11, v14  }
0x27d: {  	v17 =	vld [tilespmem:s25+$0xFFFFFFF0];
	p1 =	slt.u32 s23, s21;
	vm2 =	vlt.s32 v16, v10;
	v13 =	vadd.s32 v11, v13  }
.Ltmp27:
0x27e: {  	[tilespmem:v12+s11+$0x0] =	vst.idx.add.s32.msk vm1, v3;
	v12 =	vmov v13;
	vm1 =	vmmov vm2;
	(pc) =	sbr.rel @p1 .LBB2_54-.Ltmp27, $4  }
0x27f: {  	_ = 	snop  }
0x280: {  	s19 =	sadd.s32 $0x20, s19  }
0x281: {  	s24 =	sadd.s32 $0xFFFFFFF0, s19;
	v16 =	vor.u32 s19, v0;
	v15 =	vshrl.u32 v15, $0xA;
	[tilespmem:v14+s11+$0x0] =	vst.idx.add.s32.msk vm0, v3  }
0x282: {  	s25 =	sadd.s32 $0x20, s25;
	vm0 =	vlt.s32 v16, v10;
	v13 =	vshrl.u32 v17, $0xA;
	v14 =	vand.u32 $0x3F, v15  }
.LBB2_55:
0x283: {  	v15 =	vor.u32 s24, v0  }
0x284: {  	vm2 =	vlt.s32 v15, v10  }
0x285: {  	v63 =	vadd.s32 v11, v14;
	v10 =	vand.u32 $0x3F, v13;
	vm2 =	vmmov vm2  }
0x286: {  	v10 =	vadd.s32 v11, v10;
	_ =	sdelay $0x2  }
0x287: {  	[tilespmem:v12+s11+$0x0] =	vst.idx.add.s32.msk @p0 vm1, v3  }
0x288: {  	[tilespmem:v63+s11+$0x0] =	vst.idx.add.s32.msk vm0, v3  }
0x289: {  	[tilespmem:v10+s11+$0x0] =	vst.idx.add.s32.msk vm2, v3  }
.LBB2_40:
0x28a: {  	p1 =	seq.s32 s21, s20  }
.Ltmp28:
0x28b: {  	_ = 	snop;
	(pc) =	sbr.rel @p1 .LBB2_43-.Ltmp28, $1  }
0x28c: {  	_ =	sdelay $0x3  }
0x28d: {  	s0 =	sshll.u32 s22, $0x2  }
0x28e: {  	s0 =	sshra.s32 s0, $0x2  }
0x28f: {  	s0 =	sand.u32 $0xFFFFFFE0, s0  }
0x290: {  	v10 =	vmov s16;
	s23 =	sand.u32 $0xFFFFFFE0, s22;
	s24 =	smov.u32 s21;
	s19 =	sadd.s32 $0xC080, s0  }
.LBB2_42:
0x291: {  	v11 =	vld [tilespmem:s19+$0x0];
	_ =	sdelay $0x4  }
0x292: {  	v12 =	vor.u32 s23, v0;
	v13 =	vmul.u32 $0x41, v0;
	v11 =	vshrl.u32 v11, $0xA  }
0x293: {  	s24 =	sadd.s32 $0x1, s24;
	vm0 =	vlt.s32 v12, v10;
	v11 =	vand.u32 $0x3F, v11  }
0x294: {  	p0 =	slt.u32 s24, s20;
	v11 =	vadd.s32 v13, v11  }
.Ltmp29:
0x295: {  	_ = 	snop;
	(pc) =	sbr.rel @p0 .LBB2_42-.Ltmp29, $2  }
0x296: {  	_ =	sdelay $0x2  }
0x297: {  	s19 =	sadd.s32 $0x10, s19;
	s23 =	sadd.s32 $0x10, s23;
	[tilespmem:v11+s11+$0x0] =	vst.idx.add.s32.msk vm0, v3  }
.LBB2_43:
0x298: {  	v10 =	vld [tilespmem:$0x10130]  }
0x299: {  	v11 =	vld [tilespmem:$0x10171]  }
0x29a: {  	v12 =	vld [tilespmem:$0x101B2]  }
0x29b: {  	v13 =	vld [tilespmem:$0x101F3]  }
0x29c: {  	v14 =	vld [tilespmem:$0x10234]  }
0x29d: {  	v15 =	vld [tilespmem:$0x10275]  }
0x29e: {  	v10 =	vadd.s32 v10, v11;
	v11 =	vld [tilespmem:$0x102B6]  }
0x29f: {  	v42 =	vld [tilespmem:$0x102F7];
	v10 =	vadd.s32 v12, v10  }
0x2a0: {  	v43 =	vld [tilespmem:$0x10338];
	v10 =	vadd.s32 v13, v10  }
0x2a1: {  	v44 =	vld [tilespmem:$0x10379];
	v10 =	vadd.s32 v14, v10  }
0x2a2: {  	v45 =	vld [tilespmem:$0x103BA];
	v10 =	vadd.s32 v15, v10  }
0x2a3: {  	v10 =	vadd.s32 v11, v10;
	v11 =	vld [tilespmem:$0x103FB]  }
0x2a4: {  	v46 =	vld [tilespmem:$0x1043C];
	v10 =	vadd.s32 v42, v10  }
0x2a5: {  	v47 =	vld [tilespmem:$0x1047D];
	v10 =	vadd.s32 v43, v10  }
0x2a6: {  	v48 =	vld [tilespmem:$0x104BE];
	v10 =	vadd.s32 v44, v10  }
0x2a7: {  	v49 =	vld [tilespmem:$0x104FF];
	v10 =	vadd.s32 v45, v10  }
0x2a8: {  	v50 =	vld [tilespmem:$0x10161];
	v10 =	vadd.s32 v11, v10  }
0x2a9: {  	v11 =	vld [tilespmem:$0x10120];
	v10 =	vadd.s32 v46, v10  }
0x2aa: {  	v51 =	vld [tilespmem:$0x101A2];
	v10 =	vadd.s32 v47, v10  }
0x2ab: {  	v52 =	vld [tilespmem:$0x101E3];
	v10 =	vadd.s32 v48, v10  }
0x2ac: {  	v53 =	vld [tilespmem:$0x10224];
	v10 =	vadd.s32 v49, v10  }
0x2ad: {  	v17 =	vld [tilespmem:$0x10265];
	v16 =	vperm.xlane v10, v4  }
0x2ae: {  	v54 =	vld [tilespmem:$0x102A6];
	v11 =	vadd.s32 v11, v50  }
0x2af: {  	v55 =	vld [tilespmem:$0x102E7];
	v11 =	vadd.s32 v51, v11;
	(xrf0) =	vadd.scan.msk.s32 $0xffff, v16  }
0x2b0: {  	v56 =	vld [tilespmem:$0x10328];
	v11 =	vadd.s32 v52, v11  }
0x2b1: {  	v57 =	vld [tilespmem:$0x10369];
	v11 =	vadd.s32 v53, v11  }
0x2b2: {  	v58 =	vld [tilespmem:$0x103AA];
	v11 =	vadd.s32 v17, v11  }
0x2b3: {  	v59 =	vld [tilespmem:$0x103EB];
	v11 =	vadd.s32 v54, v11  }
0x2b4: {  	v60 =	vld [tilespmem:$0x1042C];
	v11 =	vadd.s32 v55, v11  }
0x2b5: {  	v62 =	vld [tilespmem:$0x1046D];
	v11 =	vadd.s32 v56, v11;
	v61, _, _ =	vpop (xrf0)  }
0x2b6: {  	v63 =	vld [tilespmem:$0x104AE];
	v11 =	vadd.s32 v57, v11;
	v17 =	vperm.xlane v61, v4  }
0x2b7: {  	v21 =	vld [tilespmem:$0x104EF];
	v11 =	vadd.s32 v58, v11  }
0x2b8: {  	v11 =	vadd.s32 v59, v11;
	v18 =	vsub.s32 v17, v10  }
0x2b9: {  	vm1 =	vge.s32 v17, s18;
	v11 =	vadd.s32 v60, v11;
	vm0 =	vlt.s32 v18, s18  }
0x2ba: {  	v11 =	vadd.s32 v62, v11;
	vm0 =	vmand vm1, vm0  }
0x2bb: {  	v23 =	vxor.u32 $0x80000000, v18;
	v11 =	vadd.s32 v63, v11;
	v22 =	vnsel vm0, $0x7FFFFFFF, v7  }
0x2bc: {  	v24 =	vnsel vm0, $0x80000000, v23;
	v11 =	vadd.s32 v21, v11;
	(xrf0) =	vmax.scan.msk.u32 $0xffff, v22  }
0x2bd: {  	v25 =	vperm.xlane v11, v4;
	(xrf0) =	vmax.scan.msk.u32 $0xffff, v24  }
0x2be: {  	(xrf0) =	vadd.scan.msk.s32 $0xffff, v10  }
0x2bf: {  	(xrf0) =	vadd.scan.msk.s32 $0xffff, v25;
	_ =	sdelay $0x2  }
0x2c0: {  	v10, _, _ =	vpop (xrf0)  }
0x2c1: {  	v26, _, _ =	vpop (xrf0)  }
0x2c2: {  	v27, _, _ =	vpop (xrf0)  }
0x2c3: {  	v28, _, _ =	vpop (xrf0)  }
0x2c4: {  	v29 =	vbroadcast v27, $0xF;
	v14 =	vperm.xlane v28, v4  }
0x2c5: {  	v30 =	vld [tilespmem:$0x10110]  }
0x2c6: {  	v31 =	vld [tilespmem:$0x10151];
	v14 =	vadd.s32 v29, v14  }
0x2c7: {  	v33 =	vld [tilespmem:$0x10192];
	v32 =	vsub.s32 v14, v11  }
0x2c8: {  	v34 =	vld [tilespmem:$0x101D3];
	vm11 =	vge.s32 v14, s18;
	vm10 =	vlt.s32 v32, s18  }
0x2c9: {  	v19 =	vld [tilespmem:$0x10214];
	vm0 =	vmand vm11, vm10  }
0x2ca: {  	v21 =	vld [tilespmem:$0x10255];
	v17 =	vxor.u32 $0x80000000, v32;
	v20 =	vnsel vm0, $0x7FFFFFFF, v8  }
0x2cb: {  	v35 =	vld [tilespmem:$0x10296];
	v15 =	vadd.s32 v30, v31;
	v17 =	vnsel vm0, $0x80000000, v17;
	(xrf0) =	vmax.scan.msk.u32 $0xffff, v20  }
0x2cc: {  	v36 =	vld [tilespmem:$0x102D7];
	v15 =	vadd.s32 v33, v15;
	(xrf0) =	vmax.scan.msk.u32 $0xffff, v17  }
0x2cd: {  	v37 =	vld [tilespmem:$0x10318];
	(xrf0) =	vadd.scan.msk.s32 $0xffff, v11;
	v11 =	vadd.s32 v34, v15  }
0x2ce: {  	v38 =	vld [tilespmem:$0x10359];
	v11 =	vadd.s32 v19, v11  }
0x2cf: {  	(v2sf) =	vpush v10, $0xF;
	v10 =	vadd.s32 v21, v11;
	v11 =	vld [tilespmem:$0x1039A]  }
0x2d0: {  	v39 =	vld [tilespmem:$0x103DB];
	(v2sf) =	vpush v26, $0xF;
	v10 =	vadd.s32 v35, v10  }
0x2d1: {  	v41 =	vld [tilespmem:$0x1041C];
	(v2sf) =	vpush v27, $0xF;
	v40, _, _ =	vpop (xrf0);
	v10 =	vadd.s32 v36, v10  }
0x2d2: {  	v43 =	vld [tilespmem:$0x1045D];
	(v2sf) =	vpush v40, $0xF;
	v42, _, _ =	vpop (xrf0);
	v10 =	vadd.s32 v37, v10  }
0x2d3: {  	v45 =	vld [tilespmem:$0x1049E];
	(v2sf) =	vpush v42, $0xF;
	v44, _, _ =	vpop (xrf0);
	v10 =	vadd.s32 v38, v10  }
0x2d4: {  	(v2sf) =	vpush v44, $0xF;
	v10 =	vadd.s32 v11, v10;
	v11 =	vld [tilespmem:$0x104DF]  }
0x2d5: {  	v10 =	vadd.s32 v39, v10  }
0x2d6: {  	v10 =	vadd.s32 v41, v10  }
0x2d7: {  	v10 =	vadd.s32 v43, v10  }
0x2d8: {  	v10 =	vadd.s32 v45, v10  }
0x2d9: {  	v10 =	vadd.s32 v11, v10  }
0x2da: {  	v11 =	vperm.xlane v10, v4;
	_ =	sdelay $0x1  }
0x2db: {  	(xrf0) =	vadd.scan.msk.s32 $0xffff, v11;
	_ =	sdelay $0x1  }
0x2dc: {  	s19 =	spop (v2sf)  }
0x2dd: {  	s23 =	spop (v2sf)  }
0x2de: {  	s0 =	spop (v2sf)  }
0x2df: {  	s26 =	spop (v2sf)  }
0x2e0: {  	s24 =	spop (v2sf);
	v11, _, _ =	vpop (xrf0)  }
0x2e1: {  	s1 =	spop (v2sf);
	v11 =	vperm.xlane v11, v4  }
0x2e2: {  	v46 =	vld [tilespmem:$0x10100];
	s0 =	sadd.s32 s0, s1  }
0x2e3: {  	v47 =	vld [tilespmem:$0x10141];
	v11 =	vadd.s32 s0, v11  }
0x2e4: {  	v49 =	vld [tilespmem:$0x10182];
	v48 =	vsub.s32 v11, v10  }
0x2e5: {  	vm13 =	vge.s32 v11, s18;
	v11 =	vld [tilespmem:$0x101C3];
	vm12 =	vlt.s32 v48, s18  }
0x2e6: {  	v50 =	vld [tilespmem:$0x10204];
	vm0 =	vmand vm13, vm12  }
0x2e7: {  	v52 =	vld [tilespmem:$0x10245];
	v14 =	vxor.u32 $0x80000000, v48;
	v51 =	vnsel vm0, $0x7FFFFFFF, v5  }
0x2e8: {  	v12 =	vadd.s32 v46, v47;
	v53 =	vld [tilespmem:$0x10286];
	v14 =	vnsel vm0, $0x80000000, v14;
	(xrf0) =	vmax.scan.msk.u32 $0xffff, v51  }
0x2e9: {  	v12 =	vadd.s32 v49, v12;
	v54 =	vld [tilespmem:$0x102C7];
	(xrf0) =	vmax.scan.msk.u32 $0xffff, v14  }
0x2ea: {  	(xrf0) =	vadd.scan.msk.s32 $0xffff, v10;
	v10 =	vadd.s32 v11, v12;
	v11 =	vld [tilespmem:$0x10308]  }
0x2eb: {  	v55 =	vld [tilespmem:$0x10349];
	v10 =	vadd.s32 v50, v10  }
0x2ec: {  	v56 =	vld [tilespmem:$0x1038A];
	v10 =	vadd.s32 v52, v10  }
0x2ed: {  	v57 =	vld [tilespmem:$0x103CB];
	v10 =	vadd.s32 v53, v10  }
0x2ee: {  	v59 =	vld [tilespmem:$0x1040C];
	v58, _, _ =	vpop (xrf0);
	v10 =	vadd.s32 v54, v10  }
0x2ef: {  	(v2sf) =	vpush v58, $0xF;
	v60, _, _ =	vpop (xrf0);
	v10 =	vadd.s32 v11, v10;
	v11 =	vld [tilespmem:$0x1044D]  }
0x2f0: {  	v62 =	vld [tilespmem:$0x1048E];
	(v2sf) =	vpush v60, $0xF;
	v61, _, _ =	vpop (xrf0);
	v10 =	vadd.s32 v55, v10  }
0x2f1: {  	v63 =	vld [tilespmem:$0x104CF];
	(v2sf) =	vpush v61, $0xF;
	v10 =	vadd.s32 v56, v10  }
0x2f2: {  	v10 =	vadd.s32 v57, v10  }
0x2f3: {  	v10 =	vadd.s32 v59, v10  }
0x2f4: {  	v10 =	vadd.s32 v11, v10  }
0x2f5: {  	v10 =	vadd.s32 v62, v10  }
0x2f6: {  	v10 =	vadd.s32 v63, v10  }
0x2f7: {  	v11 =	vperm.xlane v10, v4;
	_ =	sdelay $0x1  }
0x2f8: {  	(xrf0) =	vadd.scan.msk.s32 $0xffff, v11;
	_ =	sdelay $0x4  }
0x2f9: {  	s29 =	spop (v2sf)  }
0x2fa: {  	s25 =	spop (v2sf);
	v11, _, _ =	vpop (xrf0)  }
0x2fb: {  	s28 =	spop (v2sf);
	v11 =	vperm.xlane v11, v4  }
0x2fc: {  	s0 =	sadd.s32 s0, s28  }
0x2fd: {  	v11 =	vadd.s32 s0, v11  }
0x2fe: {  	v10 =	vsub.s32 v11, v10  }
0x2ff: {  	vm15 =	vge.s32 v11, s18;
	vm14 =	vlt.s32 v10, s18  }
0x300: {  	vm0 =	vmand vm15, vm14  }
0x301: {  	v11 =	vnsel vm0, $0x7FFFFFFF, v6  }
0x302: {  	(xrf0) =	vmax.scan.msk.u32 $0xffff, v11  }
0x303: {  	v10 =	vxor.u32 $0x80000000, v10  }
0x304: {  	v10 =	vnsel vm0, $0x80000000, v10  }
0x305: {  	(xrf0) =	vmax.scan.msk.u32 $0xffff, v10;
	_ =	sdelay $0x2  }
0x306: {  	v10, _, _ =	vpop (xrf0)  }
0x307: {  	(v2sf) =	vpush v10, $0xF;
	_ =	sdelay $0x1  }
0x308: {  	v10, _, _ =	vpop (xrf0)  }
0x309: {  	(v2sf) =	vpush v10, $0xF;
	_ =	sdelay $0x8  }
0x30a: {  	p3 =	slt.s32 s19, $0x0  }
0x30b: {  	p4 =	slt.s32 s26, $0x0;
	p5 =	slt.s32 s29, $0x0;
	s28 =	sxor.u32 $0x80000000, s19  }
.Ltmp30:
0x30c: {  	s19 =	sxor.u32 $0x80000000, s26;
	s28 =	simm.s32 @!p3 $0xFFFFFFFF;
	(pc) =	sbr.rel @p2 .LBB2_44-.Ltmp30, $4  }
0x30d: {  	s28 =	smov.u32 @p4 s19;
	s19 =	sxor.u32 $0x80000000, s29;
	s30 =	spop (v2sf)  }
0x30e: {  	s28 =	smov.u32 @p5 s19;
	s1 =	sxor.u32 $0x80000000, s30;
	p6 =	slt.s32 s30, $0x0  }
0x30f: {  	s31 =	sshll.u32 s17, $0x6;
	s28 =	smov.u32 @p6 s1  }
0x310: {  	s26 =	spop (v2sf);
	s19 =	sor.u32 s31, s28  }
0x311: {  	s0 =	simm.s32 @!p1 $0x0  }
0x312: {  	s0 =	simm.s32 @p1 $0x1  }
0x313: {  	s29 =	simm.s32 $0xC090;
	[smem:$0x7FB] =	sst s0  }
0x314: {  	v10 =	vld [tilespmem:s29+$0xFFFFFFF0]  }
0x315: {  	p1 =	sgt.u32 s21, $0x2;
	v14 =	vld [tilespmem:s29+$0x0]  }
.Ltmp31:
0x316: {  	_ = 	snop;
	(pc) =	sbr.rel @!p1 .LBB2_57-.Ltmp31, $4  }
0x317: {  	_ = 	snop  }
0x318: {  	v12 =	vmov s16;
	v13 =	vmov s19;
	s28 =	simm.s32 $0x10;
	s31 =	simm.s32 $0x0  }
0x319: {  	s17 =	simm.s32 $0x0;
	v11 =	vor.u32 s31, v0;
	v16 =	vor.u32 s28, v0;
	v15 =	vshrl.u32 v10, $0xA  }
0x31a: {  	p2 =	por $0x0, $0x0;
	p0 =	por $0x0, $0x0;
	s28 =	simm.s32 $0xC0B0;
	vm4 =	vlt.s32 v11, v12;
	v18 =	vshrl.u32 v14, $0xA;
	vm5 =	veq.s32 v15, v13  }
0x31b: {  	vm0 =	vmand vm4, vm5;
	vm1 =	vlt.s32 v16, v12;
	vm2 =	veq.s32 v18, v13  }
0x31c: {  	v16 =	vmpcnt.ones.xlane vm0;
	vm1 =	vmand vm1, vm2  }
0x31d: {  	v17 =	vmpcnt.ones.xlane vm1  }
0x31e: {  	(v2sf) =	vpush v16, $0x0  }
0x31f: {  	(v2sf) =	vpush v17, $0x0;
	_ =	sdelay $0x2  }
0x320: {  	v15 =	vld [tilespmem:s28+$0xFFFFFFF0]  }
0x321: {  	v11 =	vld [tilespmem:s28+$0x0];
	p1 =	sgt.u32 s21, $0x4  }
.Ltmp32:
0x322: {  	_ = 	snop;
	(pc) =	sbr.rel @!p1 .LBB2_59-.Ltmp32, $4  }
0x323: {  	_ = 	snop  }
0x324: {  	s0 =	simm.s32 $0x30;
	s1 =	simm.s32 $0x20;
	vm0 =	vmmov vm0;
	vm1 =	vmmov vm1  }
0x325: {  	v16 =	vor.u32 s0, v0;
	v17 =	vor.u32 s1, v0;
	v18 =	vshrl.u32 v15, $0xA  }
0x326: {  	s28 =	simm.s32 $0xC0D0;
	p2 =	por $0x1, $0x1;
	vm4 =	vlt.s32 v17, v12;
	vm5 =	veq.s32 v18, v13;
	v18 =	vshrl.u32 v11, $0xA  }
0x327: {  	vm4 =	vmand vm4, vm5;
	vm2 =	vlt.s32 v16, v12;
	vm3 =	veq.s32 v18, v13  }
0x328: {  	v16 =	vmpcnt.ones.xlane vm4;
	vm5 =	vmand vm2, vm3  }
0x329: {  	v18 =	vmpcnt.ones.xlane vm5  }
0x32a: {  	(v2sf) =	vpush v16, $0x0  }
0x32b: {  	(v2sf) =	vpush v18, $0x0;
	_ =	sdelay $0x1  }
0x32c: {  	v19 =	vld [tilespmem:s28+$0xFFFFFFF0]  }
0x32d: {  	v17 =	vld [tilespmem:s28+$0x0];
	p1 =	sgt.u32 s21, $0x6  }
.Ltmp33:
0x32e: {  	_ = 	snop;
	(pc) =	sbr.rel @!p1 .LBB2_61-.Ltmp33, $4  }
0x32f: {  	vm3 =	vmmov vm0  }
0x330: {  	s29 =	simm.s32 $0x50;
	s0 =	simm.s32 $0x40;
	vm2 =	vmmov vm1;
	vm0 =	vmmov vm4;
	vm1 =	vmmov vm5  }
0x331: {  	s30 =	simm.s32 $0x6;
	v16 =	vor.u32 s29, v0;
	v18 =	vor.u32 s0, v0;
	v20 =	vshrl.u32 v19, $0xA  }
0x332: {  	s31 =	simm.s32 $0xC0F0;
	p0 =	por $0x1, $0x1;
	s28 =	simm.s32 $0x0;
	vm4 =	vlt.s32 v18, v12;
	v18 =	vshrl.u32 v17, $0xA;
	vm5 =	veq.s32 v20, v13  }
.LBB2_62:
0x333: {  	v20 =	vld [tilespmem:s31+$0xFFFFFFF0];
	s30 =	sadd.s32 $0x2, s30;
	vm4 =	vmand vm4, vm5;
	vm5 =	vlt.s32 v16, v12;
	vm6 =	veq.s32 v18, v13;
	[tilespmem:s28+$0x8000] =	vst.msk vm3, v10;
	v10 =	vmovc v15  }
0x334: {  	v15 =	vmovc v19;
	v21 =	vmovc v11;
	v11 =	vmov v17;
	p1 =	slt.u32 s30, s21;
	v16 =	vmpcnt.ones.xlane vm4;
	vm5 =	vmand vm5, vm6;
	v17 =	vld [tilespmem:s31+$0x0]  }
.Ltmp34:
0x335: {  	vm3 =	vmmov vm0;
	vm0 =	vmmov vm4;
	v18 =	vmpcnt.ones.xlane vm5;
	(pc) =	sbr.rel @p1 .LBB2_62-.Ltmp34, $4  }
0x336: {  	s29 =	sadd.s32 $0x20, s29;
	vm6 =	vmmov vm2;
	vm2 =	vmmov vm1;
	(v2sf) =	vpush v16, $0x0  }
0x337: {  	s0 =	sadd.s32 $0xFFFFFFF0, s29;
	vm1 =	vmmov vm5;
	(v2sf) =	vpush v18, $0x0;
	s1 =	spop (v2sf)  }
0x338: {  	v16 =	vor.u32 s29, v0;
	v18 =	vor.u32 s0, v0;
	v22 =	vshrl.u32 v20, $0xA;
	s0 =	sadd.s32 s28, s1;
	s1 =	spop (v2sf);
	v19 =	vmovc v20  }
0x339: {  	s31 =	sadd.s32 $0x20, s31;
	vm4 =	vlt.s32 v18, v12;
	vm5 =	veq.s32 v22, v13;
	v18 =	vshrl.u32 v17, $0xA;
	[tilespmem:s0+$0x8000] =	vst.msk vm6, v14;
	s28 =	sadd.s32 s0, s1;
	v14 =	vmovc v21  }
0x33a: {  	v20 =	vmovc v10;
	v21 =	vmovc v11;
	v22 =	vmov v15;
	v10 =	vmov v19;
	v11 =	vmov v17  }
.LBB2_64:
0x33b: {  	vm4 =	vmand vm4, vm5  }
0x33c: {  	v62 =	vmpcnt.ones.xlane vm4;
	_ =	sdelay $0x1  }
0x33d: {  	(v2sf) =	vpush v62, $0x0  }
0x33e: {  	vm12 =	vlt.s32 v16, v12;
	vm6 =	veq.s32 v18, v13  }
0x33f: {  	vm5 =	vmand vm12, vm6  }
0x340: {  	v63 =	vmpcnt.ones.xlane vm5;
	_ =	sdelay $0x1  }
0x341: {  	(v2sf) =	vpush v63, $0x0;
	_ =	sdelay $0x3  }
0x342: {  	s0 =	spop @p0 (v2sf)  }
0x343: {  	s0 =	sadd.s32 @p0 s28, s0;
	s1 =	spop @p0 (v2sf)  }
0x344: {  	vm0 =	vmmov @p2 vm0;
	s29 =	simm.s32 $0x0;
	s1 =	sadd.s32 @p0 s0, s1  }
0x345: {  	[tilespmem:s28+$0x8000] =	vst.msk @p0 vm3, v20;
	v12 =	vmovc @p2 v22;
	vm2 =	vmmov @p0 vm2;
	vm1 =	vmmov @p2 vm1;
	vm13 =	vmmov vm4;
	s29 =	smov.u32 @p0 s1;
	s1 =	spop @p2 (v2sf)  }
0x346: {  	v13 =	vmovc @p2 v21;
	v12 =	vpsel p2, v12, v0;
	vm0 =	vmmov @p2 vm0;
	vm1 =	vmmov @p2 vm1;
	[tilespmem:s0+$0x8000] =	vst.msk @p0 vm2, v14;
	s0 =	sadd.s32 @p2 s29, s1;
	s1 =	spop @p2 (v2sf)  }
0x347: {  	vm14 =	vmmov vm5;
	vm1 =	vmmov @p2 vm1;
	[tilespmem:s29+$0x8000] =	vst.msk @p2 vm0, v12;
	v12 =	vpsel p2, v13, v0;
	s1 =	sadd.s32 @p2 s0, s1  }
0x348: {  	vm15 =	vmmov vm13;
	vm0 =	vmmov vm14;
	[tilespmem:s0+$0x8000] =	vst.msk @p2 vm1, v12;
	s17 =	smov.u32 @p2 s1;
	s29 =	spop (v2sf)  }
0x349: {  	vm0 =	vmmov vm0;
	[tilespmem:s17+$0x8000] =	vst.msk vm15, v10;
	s0 =	sadd.s32 s17, s29  }
.Ltmp35:
0x34a: {  	[tilespmem:s0+$0x8000] =	vst.msk vm0, v11;
	(pc) =	sbr.rel .LBB2_45-.Ltmp35, $3  }
0x34b: {  	s31 =	sld [smem:$0x7FB];
	_ =	sdelay $0x1  }
0x34c: {  	s30 =	spop (v2sf)  }
0x34d: {  	s17 =	sadd.s32 s0, s30;
	p1 =	seq.s32 s31, $0x1  }
.LBB2_44:
0x34e: {  	s17 =	simm.s32 $0x0  }
.LBB2_45:
.Ltmp36:
0x34f: {  	(pc) =	sbr.rel @p1 .LBB2_48-.Ltmp36, $1  }
0x350: {  	_ =	sdelay $0x3  }
0x351: {  	s0 =	sshll.u32 s22, $0x2  }
0x352: {  	s0 =	sshra.s32 s0, $0x2  }
0x353: {  	s0 =	sand.u32 $0xFFFFFFE0, s0  }
0x354: {  	v10 =	vmov s16;
	v11 =	vmov s19;
	s22 =	sand.u32 $0xFFFFFFE0, s22;
	s16 =	sadd.s32 $0xC080, s0  }
.LBB2_47:
0x355: {  	v12 =	vld [tilespmem:s16+$0x0];
	_ =	sdelay $0x4  }
0x356: {  	v13 =	vor.u32 s22, v0;
	v14 =	vshrl.u32 v12, $0xA  }
0x357: {  	vm0 =	vlt.s32 v13, v10;
	vm1 =	veq.s32 v14, v11  }
0x358: {  	vm0 =	vmand vm0, vm1  }
0x359: {  	v63 =	vmpcnt.ones.xlane vm0;
	_ =	sdelay $0x1  }
0x35a: {  	(v2sf) =	vpush v63, $0x0;
	_ =	sdelay $0x9  }
0x35b: {  	s21 =	sadd.s32 $0x1, s21  }
0x35c: {  	p0 =	slt.u32 s21, s20  }
.Ltmp37:
0x35d: {  	_ = 	snop;
	(pc) =	sbr.rel @p0 .LBB2_47-.Ltmp37, $3  }
0x35e: {  	_ =	sdelay $0x1  }
0x35f: {  	s0 =	spop (v2sf)  }
0x360: {  	s16 =	sadd.s32 $0x10, s16;
	s22 =	sadd.s32 $0x10, s22;
	[tilespmem:s17+$0x8000] =	vst.msk vm0, v12;
	s17 =	sadd.s32 s17, s0  }
.LBB2_48:
0x361: {  	s22 =	simm.s32 $0x10140  }
0x362: {  	[tilespmem:s22+$0xFFFFFFC0] =	vst v1  }
0x363: {  	s0 =	sxor.u32 $0x80000000, s23;
	[tilespmem:s22+$0x30] =	vst v1  }
0x364: {  	s30 =	sxor.u32 $0x80000000, s24;
	s16 =	ssub.s32 s18, s0;
	[tilespmem:s22+$0x20] =	vst v1  }
0x365: {  	s1 =	sxor.u32 $0x80000000, s25;
	s0 =	ssub.s32 s18, s30;
	[tilespmem:s22+$0x10] =	vst v1;
	s16 =	simm.s32 @!p3 $0xFFFFFFFF  }
0x366: {  	s31 =	sxor.u32 $0x80000000, s26;
	[tilespmem:s22+$0x0] =	vst v1;
	s16 =	smov.u32 @p4 s0;
	s0 =	ssub.s32 s18, s1  }
0x367: {  	[tilespmem:s22+$0xFFFFFFF0] =	vst v1;
	s16 =	smov.u32 @p5 s0;
	s0 =	ssub.s32 s18, s31  }
0x368: {  	[tilespmem:s22+$0xFFFFFFE0] =	vst v1;
	s18 =	simm.s32 $0x0;
	s16 =	smov.u32 @p6 s0  }
.LBB2_49:
0x369: {  	s18 =	sadd.s32 $0x8, s18;
	[tilespmem:s22+$0xFFFFFFD0] =	vst v1;
	s22 =	sadd.s32 $0x80, s22  }
0x36a: {  	[tilespmem:s22+$0xFFFFFFC0] =	vst v1;
	p0 =	slt.u32 s18, $0x38  }
0x36b: {  	[tilespmem:s22+$0x30] =	vst v1  }
.Ltmp38:
0x36c: {  	[tilespmem:s22+$0x20] =	vst v1;
	(pc) =	sbr.rel @p0 .LBB2_49-.Ltmp38, $4  }
0x36d: {  	[tilespmem:s22+$0x10] =	vst v1  }
0x36e: {  	[tilespmem:s22+$0x0] =	vst v1  }
0x36f: {  	[tilespmem:s22+$0xFFFFFFF0] =	vst v1  }
0x370: {  	[tilespmem:s22+$0xFFFFFFE0] =	vst v1  }
0x371: {  	s21 =	sadd.s32 $0xF, s17  }
0x372: {  	s18 =	sshrl.u32 s21, $0x4  }
0x373: {  	s20 =	sand.u32 $0xFFFFFFE, s18  }
0x374: {  	p2 =	seq.s32 s20, $0x0  }
.Ltmp39:
0x375: {  	_ = 	snop;
	(pc) =	sbr.rel @p2 .LBB2_65-.Ltmp39, $3  }
0x376: {  	_ =	sdelay $0x1  }
0x377: {  	[tilespmem:s22+$0xFFFFFFD0] =	vst v1  }
0x378: {  	[tilespmem:$0x10500] =	vst v1  }
0x379: {  	s23 =	simm.s32 $0x8010  }
0x37a: {  	v12 =	vld [tilespmem:s23+$0x0]  }
0x37b: {  	p1 =	sgt.u32 s20, $0x2;
	v13 =	vld [tilespmem:s23+$0xFFFFFFF0]  }
.Ltmp40:
0x37c: {  	_ = 	snop;
	(pc) =	sbr.rel @!p1 .LBB2_52-.Ltmp40, $4  }
0x37d: {  	_ = 	snop  }
0x37e: {  	v10 =	vmov s17;
	s22 =	simm.s32 $0x10  }
0x37f: {  	v11 =	vmul.u32 $0x41, v0;
	v14 =	vor.u32 s22, v0;
	v12 =	vshrl.u32 v12, $0x4  }
0x380: {  	s24 =	simm.s32 $0x0;
	p0 =	por $0x0, $0x0;
	s22 =	simm.s32 $0x8030;
	vm0 =	vlt.s32 v14, v10;
	v13 =	vshrl.u32 v13, $0x4;
	v14 =	vand.u32 $0x3F, v12  }
0x381: {  	v15 =	vld [tilespmem:s22+$0x0]  }
0x382: {  	v14 =	vadd.s32 v11, v14;
	v16 =	vld [tilespmem:s22+$0xFFFFFFF0];
	v12 =	vor.u32 s24, v0;
	p1 =	sgt.u32 s20, $0x4  }
.Ltmp41:
0x383: {  	vm1 =	vlt.s32 v12, v10;
	(pc) =	sbr.rel @!p1 .LBB2_80-.Ltmp41, $4  }
0x384: {  	v13 =	vand.u32 $0x3F, v13;
	vm1 =	vmmov vm1  }
0x385: {  	s22 =	simm.s32 $0x30;
	v12 =	vadd.s32 v11, v13  }
0x386: {  	s23 =	simm.s32 $0x4;
	v17 =	vor.u32 s22, v0;
	v15 =	vshrl.u32 v15, $0x4  }
0x387: {  	s24 =	simm.s32 $0x20;
	s25 =	simm.s32 $0x8050;
	p0 =	por $0x1, $0x1;
	[tilespmem:v14+s11+$0x0] =	vst.idx.add.s32.msk vm0, v3;
	v13 =	vshrl.u32 v16, $0x4;
	vm0 =	vlt.s32 v17, v10;
	v14 =	vand.u32 $0x3F, v15  }
.LBB2_79:
0x388: {  	v15 =	vld [tilespmem:s25+$0x0];
	s23 =	sadd.s32 $0x2, s23;
	v16 =	vor.u32 s24, v0;
	v13 =	vand.u32 $0x3F, v13;
	v14 =	vadd.s32 v11, v14  }
0x389: {  	v17 =	vld [tilespmem:s25+$0xFFFFFFF0];
	p1 =	slt.u32 s23, s20;
	vm2 =	vlt.s32 v16, v10;
	v13 =	vadd.s32 v11, v13  }
.Ltmp42:
0x38a: {  	[tilespmem:v12+s11+$0x0] =	vst.idx.add.s32.msk vm1, v3;
	v12 =	vmov v13;
	vm1 =	vmmov vm2;
	(pc) =	sbr.rel @p1 .LBB2_79-.Ltmp42, $4  }
0x38b: {  	_ = 	snop  }
0x38c: {  	s22 =	sadd.s32 $0x20, s22  }
0x38d: {  	s24 =	sadd.s32 $0xFFFFFFF0, s22;
	v16 =	vor.u32 s22, v0;
	v15 =	vshrl.u32 v15, $0x4;
	[tilespmem:v14+s11+$0x0] =	vst.idx.add.s32.msk vm0, v3  }
0x38e: {  	s25 =	sadd.s32 $0x20, s25;
	vm0 =	vlt.s32 v16, v10;
	v13 =	vshrl.u32 v17, $0x4;
	v14 =	vand.u32 $0x3F, v15  }
.LBB2_80:
0x38f: {  	v15 =	vor.u32 s24, v0  }
0x390: {  	vm2 =	vlt.s32 v15, v10  }
0x391: {  	v63 =	vadd.s32 v11, v14;
	v10 =	vand.u32 $0x3F, v13;
	vm2 =	vmmov vm2  }
0x392: {  	v10 =	vadd.s32 v11, v10;
	_ =	sdelay $0x2  }
0x393: {  	[tilespmem:v12+s11+$0x0] =	vst.idx.add.s32.msk @p0 vm1, v3  }
0x394: {  	[tilespmem:v63+s11+$0x0] =	vst.idx.add.s32.msk vm0, v3  }
0x395: {  	[tilespmem:v10+s11+$0x0] =	vst.idx.add.s32.msk vm2, v3  }
.LBB2_65:
0x396: {  	p1 =	seq.s32 s20, s18  }
.Ltmp43:
0x397: {  	_ = 	snop;
	(pc) =	sbr.rel @p1 .LBB2_68-.Ltmp43, $1  }
0x398: {  	_ =	sdelay $0x3  }
0x399: {  	s0 =	sshll.u32 s21, $0x2  }
0x39a: {  	s0 =	sshra.s32 s0, $0x2  }
0x39b: {  	s0 =	sand.u32 $0xFFFFFFE0, s0  }
0x39c: {  	v10 =	vmov s17;
	s23 =	sand.u32 $0xFFFFFFE0, s21;
	s24 =	smov.u32 s20;
	s22 =	sadd.s32 $0x8000, s0  }
.LBB2_67:
0x39d: {  	v11 =	vld [tilespmem:s22+$0x0];
	_ =	sdelay $0x4  }
0x39e: {  	v12 =	vor.u32 s23, v0;
	v13 =	vmul.u32 $0x41, v0;
	v11 =	vshrl.u32 v11, $0x4  }
0x39f: {  	s24 =	sadd.s32 $0x1, s24;
	vm0 =	vlt.s32 v12, v10;
	v11 =	vand.u32 $0x3F, v11  }
0x3a0: {  	p0 =	slt.u32 s24, s18;
	v11 =	vadd.s32 v13, v11  }
.Ltmp44:
0x3a1: {  	_ = 	snop;
	(pc) =	sbr.rel @p0 .LBB2_67-.Ltmp44, $2  }
0x3a2: {  	_ =	sdelay $0x2  }
0x3a3: {  	s22 =	sadd.s32 $0x10, s22;
	s23 =	sadd.s32 $0x10, s23;
	[tilespmem:v11+s11+$0x0] =	vst.idx.add.s32.msk vm0, v3  }
.LBB2_68:
0x3a4: {  	v10 =	vld [tilespmem:$0x10130]  }
0x3a5: {  	v11 =	vld [tilespmem:$0x10171]  }
0x3a6: {  	v12 =	vld [tilespmem:$0x101B2]  }
0x3a7: {  	v13 =	vld [tilespmem:$0x101F3]  }
0x3a8: {  	v14 =	vld [tilespmem:$0x10234]  }
0x3a9: {  	v15 =	vld [tilespmem:$0x10275]  }
0x3aa: {  	v10 =	vadd.s32 v10, v11;
	v11 =	vld [tilespmem:$0x102B6]  }
0x3ab: {  	v42 =	vld [tilespmem:$0x102F7];
	v10 =	vadd.s32 v12, v10  }
0x3ac: {  	v43 =	vld [tilespmem:$0x10338];
	v10 =	vadd.s32 v13, v10  }
0x3ad: {  	v44 =	vld [tilespmem:$0x10379];
	v10 =	vadd.s32 v14, v10  }
0x3ae: {  	v45 =	vld [tilespmem:$0x103BA];
	v10 =	vadd.s32 v15, v10  }
0x3af: {  	v10 =	vadd.s32 v11, v10;
	v11 =	vld [tilespmem:$0x103FB]  }
0x3b0: {  	v46 =	vld [tilespmem:$0x1043C];
	v10 =	vadd.s32 v42, v10  }
0x3b1: {  	v47 =	vld [tilespmem:$0x1047D];
	v10 =	vadd.s32 v43, v10  }
0x3b2: {  	v48 =	vld [tilespmem:$0x104BE];
	v10 =	vadd.s32 v44, v10  }
0x3b3: {  	v49 =	vld [tilespmem:$0x104FF];
	v10 =	vadd.s32 v45, v10  }
0x3b4: {  	v50 =	vld [tilespmem:$0x10161];
	v10 =	vadd.s32 v11, v10  }
0x3b5: {  	v11 =	vld [tilespmem:$0x10120];
	v10 =	vadd.s32 v46, v10  }
0x3b6: {  	v51 =	vld [tilespmem:$0x101A2];
	v10 =	vadd.s32 v47, v10  }
0x3b7: {  	v52 =	vld [tilespmem:$0x101E3];
	v10 =	vadd.s32 v48, v10  }
0x3b8: {  	v53 =	vld [tilespmem:$0x10224];
	v10 =	vadd.s32 v49, v10  }
0x3b9: {  	v17 =	vld [tilespmem:$0x10265];
	v16 =	vperm.xlane v10, v4  }
0x3ba: {  	v54 =	vld [tilespmem:$0x102A6];
	v11 =	vadd.s32 v11, v50  }
0x3bb: {  	v55 =	vld [tilespmem:$0x102E7];
	v11 =	vadd.s32 v51, v11;
	(xrf0) =	vadd.scan.msk.s32 $0xffff, v16  }
0x3bc: {  	v56 =	vld [tilespmem:$0x10328];
	v11 =	vadd.s32 v52, v11  }
0x3bd: {  	v57 =	vld [tilespmem:$0x10369];
	v11 =	vadd.s32 v53, v11  }
0x3be: {  	v58 =	vld [tilespmem:$0x103AA];
	v11 =	vadd.s32 v17, v11  }
0x3bf: {  	v59 =	vld [tilespmem:$0x103EB];
	v11 =	vadd.s32 v54, v11  }
0x3c0: {  	v60 =	vld [tilespmem:$0x1042C];
	v11 =	vadd.s32 v55, v11  }
0x3c1: {  	v62 =	vld [tilespmem:$0x1046D];
	v11 =	vadd.s32 v56, v11;
	v61, _, _ =	vpop (xrf0)  }
0x3c2: {  	v63 =	vld [tilespmem:$0x104AE];
	v11 =	vadd.s32 v57, v11;
	v17 =	vperm.xlane v61, v4  }
0x3c3: {  	v21 =	vld [tilespmem:$0x104EF];
	v11 =	vadd.s32 v58, v11  }
0x3c4: {  	v11 =	vadd.s32 v59, v11;
	v18 =	vsub.s32 v17, v10  }
0x3c5: {  	vm1 =	vge.s32 v17, s16;
	v11 =	vadd.s32 v60, v11;
	vm0 =	vlt.s32 v18, s16  }
0x3c6: {  	v11 =	vadd.s32 v62, v11;
	vm0 =	vmand vm1, vm0  }
0x3c7: {  	v23 =	vxor.u32 $0x80000000, v18;
	v11 =	vadd.s32 v63, v11;
	v22 =	vnsel vm0, $0x7FFFFFFF, v7  }
0x3c8: {  	v24 =	vnsel vm0, $0x80000000, v23;
	v11 =	vadd.s32 v21, v11;
	(xrf0) =	vmax.scan.msk.u32 $0xffff, v22  }
0x3c9: {  	v25 =	vperm.xlane v11, v4;
	(xrf0) =	vmax.scan.msk.u32 $0xffff, v24  }
0x3ca: {  	(xrf0) =	vadd.scan.msk.s32 $0xffff, v10  }
0x3cb: {  	(xrf0) =	vadd.scan.msk.s32 $0xffff, v25;
	_ =	sdelay $0x2  }
0x3cc: {  	v10, _, _ =	vpop (xrf0)  }
0x3cd: {  	v26, _, _ =	vpop (xrf0)  }
0x3ce: {  	v27, _, _ =	vpop (xrf0)  }
0x3cf: {  	v28, _, _ =	vpop (xrf0)  }
0x3d0: {  	v29 =	vbroadcast v27, $0xF;
	v14 =	vperm.xlane v28, v4  }
0x3d1: {  	v30 =	vld [tilespmem:$0x10110]  }
0x3d2: {  	v31 =	vld [tilespmem:$0x10151];
	v14 =	vadd.s32 v29, v14  }
0x3d3: {  	v33 =	vld [tilespmem:$0x10192];
	v32 =	vsub.s32 v14, v11  }
0x3d4: {  	v34 =	vld [tilespmem:$0x101D3];
	vm11 =	vge.s32 v14, s16;
	vm10 =	vlt.s32 v32, s16  }
0x3d5: {  	v19 =	vld [tilespmem:$0x10214];
	vm0 =	vmand vm11, vm10  }
0x3d6: {  	v21 =	vld [tilespmem:$0x10255];
	v17 =	vxor.u32 $0x80000000, v32;
	v20 =	vnsel vm0, $0x7FFFFFFF, v8  }
0x3d7: {  	v35 =	vld [tilespmem:$0x10296];
	v15 =	vadd.s32 v30, v31;
	v17 =	vnsel vm0, $0x80000000, v17;
	(xrf0) =	vmax.scan.msk.u32 $0xffff, v20  }
0x3d8: {  	v36 =	vld [tilespmem:$0x102D7];
	v15 =	vadd.s32 v33, v15;
	(xrf0) =	vmax.scan.msk.u32 $0xffff, v17  }
0x3d9: {  	v37 =	vld [tilespmem:$0x10318];
	(xrf0) =	vadd.scan.msk.s32 $0xffff, v11;
	v11 =	vadd.s32 v34, v15  }
0x3da: {  	v38 =	vld [tilespmem:$0x10359];
	v11 =	vadd.s32 v19, v11  }
0x3db: {  	(v2sf) =	vpush v10, $0xF;
	v10 =	vadd.s32 v21, v11;
	v11 =	vld [tilespmem:$0x1039A]  }
0x3dc: {  	v39 =	vld [tilespmem:$0x103DB];
	(v2sf) =	vpush v26, $0xF;
	v10 =	vadd.s32 v35, v10  }
0x3dd: {  	v41 =	vld [tilespmem:$0x1041C];
	(v2sf) =	vpush v27, $0xF;
	v40, _, _ =	vpop (xrf0);
	v10 =	vadd.s32 v36, v10  }
0x3de: {  	v43 =	vld [tilespmem:$0x1045D];
	(v2sf) =	vpush v40, $0xF;
	v42, _, _ =	vpop (xrf0);
	v10 =	vadd.s32 v37, v10  }
0x3df: {  	v45 =	vld [tilespmem:$0x1049E];
	(v2sf) =	vpush v42, $0xF;
	v44, _, _ =	vpop (xrf0);
	v10 =	vadd.s32 v38, v10  }
0x3e0: {  	(v2sf) =	vpush v44, $0xF;
	v10 =	vadd.s32 v11, v10;
	v11 =	vld [tilespmem:$0x104DF]  }
0x3e1: {  	v10 =	vadd.s32 v39, v10  }
0x3e2: {  	v10 =	vadd.s32 v41, v10  }
0x3e3: {  	v10 =	vadd.s32 v43, v10  }
0x3e4: {  	v10 =	vadd.s32 v45, v10  }
0x3e5: {  	v10 =	vadd.s32 v11, v10  }
0x3e6: {  	v11 =	vperm.xlane v10, v4;
	_ =	sdelay $0x1  }
0x3e7: {  	(xrf0) =	vadd.scan.msk.s32 $0xffff, v11;
	_ =	sdelay $0x1  }
0x3e8: {  	s25 =	spop (v2sf)  }
0x3e9: {  	s22 =	spop (v2sf)  }
0x3ea: {  	s0 =	spop (v2sf)  }
0x3eb: {  	s26 =	spop (v2sf)  }
0x3ec: {  	s23 =	spop (v2sf);
	v11, _, _ =	vpop (xrf0)  }
0x3ed: {  	s1 =	spop (v2sf);
	v11 =	vperm.xlane v11, v4  }
0x3ee: {  	v46 =	vld [tilespmem:$0x10100];
	s0 =	sadd.s32 s0, s1  }
0x3ef: {  	v47 =	vld [tilespmem:$0x10141];
	v11 =	vadd.s32 s0, v11  }
0x3f0: {  	v49 =	vld [tilespmem:$0x10182];
	v48 =	vsub.s32 v11, v10  }
0x3f1: {  	vm13 =	vge.s32 v11, s16;
	v11 =	vld [tilespmem:$0x101C3];
	vm12 =	vlt.s32 v48, s16  }
0x3f2: {  	v50 =	vld [tilespmem:$0x10204];
	vm0 =	vmand vm13, vm12  }
0x3f3: {  	v52 =	vld [tilespmem:$0x10245];
	v14 =	vxor.u32 $0x80000000, v48;
	v51 =	vnsel vm0, $0x7FFFFFFF, v5  }
0x3f4: {  	v12 =	vadd.s32 v46, v47;
	v53 =	vld [tilespmem:$0x10286];
	v14 =	vnsel vm0, $0x80000000, v14;
	(xrf0) =	vmax.scan.msk.u32 $0xffff, v51  }
0x3f5: {  	v12 =	vadd.s32 v49, v12;
	v54 =	vld [tilespmem:$0x102C7];
	(xrf0) =	vmax.scan.msk.u32 $0xffff, v14  }
0x3f6: {  	(xrf0) =	vadd.scan.msk.s32 $0xffff, v10;
	v10 =	vadd.s32 v11, v12;
	v11 =	vld [tilespmem:$0x10308]  }
0x3f7: {  	v55 =	vld [tilespmem:$0x10349];
	v10 =	vadd.s32 v50, v10  }
0x3f8: {  	v56 =	vld [tilespmem:$0x1038A];
	v10 =	vadd.s32 v52, v10  }
0x3f9: {  	v57 =	vld [tilespmem:$0x103CB];
	v10 =	vadd.s32 v53, v10  }
0x3fa: {  	v59 =	vld [tilespmem:$0x1040C];
	v58, _, _ =	vpop (xrf0);
	v10 =	vadd.s32 v54, v10  }
0x3fb: {  	(v2sf) =	vpush v58, $0xF;
	v60, _, _ =	vpop (xrf0);
	v10 =	vadd.s32 v11, v10;
	v11 =	vld [tilespmem:$0x1044D]  }
0x3fc: {  	v62 =	vld [tilespmem:$0x1048E];
	(v2sf) =	vpush v60, $0xF;
	v61, _, _ =	vpop (xrf0);
	v10 =	vadd.s32 v55, v10  }
0x3fd: {  	v63 =	vld [tilespmem:$0x104CF];
	(v2sf) =	vpush v61, $0xF;
	v10 =	vadd.s32 v56, v10  }
0x3fe: {  	v10 =	vadd.s32 v57, v10  }
0x3ff: {  	v10 =	vadd.s32 v59, v10  }
0x400: {  	v10 =	vadd.s32 v11, v10  }
0x401: {  	v10 =	vadd.s32 v62, v10  }
0x402: {  	v10 =	vadd.s32 v63, v10  }
0x403: {  	v11 =	vperm.xlane v10, v4;
	_ =	sdelay $0x1  }
0x404: {  	(xrf0) =	vadd.scan.msk.s32 $0xffff, v11;
	_ =	sdelay $0x4  }
0x405: {  	s29 =	spop (v2sf)  }
0x406: {  	s24 =	spop (v2sf);
	v11, _, _ =	vpop (xrf0)  }
0x407: {  	s28 =	spop (v2sf);
	v11 =	vperm.xlane v11, v4  }
0x408: {  	s0 =	sadd.s32 s0, s28  }
0x409: {  	v11 =	vadd.s32 s0, v11  }
0x40a: {  	v10 =	vsub.s32 v11, v10  }
0x40b: {  	vm15 =	vge.s32 v11, s16;
	vm14 =	vlt.s32 v10, s16  }
0x40c: {  	vm0 =	vmand vm15, vm14  }
0x40d: {  	v11 =	vnsel vm0, $0x7FFFFFFF, v6  }
0x40e: {  	(xrf0) =	vmax.scan.msk.u32 $0xffff, v11  }
0x40f: {  	v10 =	vxor.u32 $0x80000000, v10  }
0x410: {  	v10 =	vnsel vm0, $0x80000000, v10  }
0x411: {  	(xrf0) =	vmax.scan.msk.u32 $0xffff, v10;
	_ =	sdelay $0x2  }
0x412: {  	v10, _, _ =	vpop (xrf0)  }
0x413: {  	(v2sf) =	vpush v10, $0xF;
	_ =	sdelay $0x1  }
0x414: {  	v10, _, _ =	vpop (xrf0)  }
0x415: {  	(v2sf) =	vpush v10, $0xF;
	_ =	sdelay $0x8  }
0x416: {  	p3 =	slt.s32 s25, $0x0  }
0x417: {  	p4 =	slt.s32 s26, $0x0;
	p5 =	slt.s32 s29, $0x0;
	s28 =	sxor.u32 $0x80000000, s25  }
.Ltmp45:
0x418: {  	s25 =	sxor.u32 $0x80000000, s26;
	s28 =	simm.s32 @!p3 $0xFFFFFFFF;
	(pc) =	sbr.rel @p2 .LBB2_69-.Ltmp45, $4  }
0x419: {  	s28 =	smov.u32 @p4 s25;
	s25 =	sxor.u32 $0x80000000, s29;
	s30 =	spop (v2sf)  }
0x41a: {  	s28 =	smov.u32 @p5 s25;
	s1 =	sxor.u32 $0x80000000, s30;
	p6 =	slt.s32 s30, $0x0  }
0x41b: {  	s31 =	sshll.u32 s19, $0x6;
	s28 =	smov.u32 @p6 s1  }
0x41c: {  	s25 =	spop (v2sf);
	s19 =	sor.u32 s31, s28  }
0x41d: {  	s0 =	simm.s32 @!p1 $0x0  }
0x41e: {  	s0 =	simm.s32 @p1 $0x1  }
0x41f: {  	s29 =	simm.s32 $0x8010;
	[smem:$0x7FA] =	sst s0  }
0x420: {  	v10 =	vld [tilespmem:s29+$0xFFFFFFF0]  }
0x421: {  	p1 =	sgt.u32 s20, $0x2;
	v14 =	vld [tilespmem:s29+$0x0]  }
.Ltmp46:
0x422: {  	_ = 	snop;
	(pc) =	sbr.rel @!p1 .LBB2_82-.Ltmp46, $4  }
0x423: {  	_ = 	snop  }
0x424: {  	v12 =	vmov s17;
	v13 =	vmov s19;
	s28 =	simm.s32 $0x10;
	s31 =	simm.s32 $0x0  }
0x425: {  	s26 =	simm.s32 $0x0;
	v11 =	vor.u32 s31, v0;
	v16 =	vor.u32 s28, v0;
	v15 =	vshrl.u32 v10, $0x4  }
0x426: {  	p2 =	por $0x0, $0x0;
	p0 =	por $0x0, $0x0;
	s28 =	simm.s32 $0x8030;
	vm4 =	vlt.s32 v11, v12;
	v18 =	vshrl.u32 v14, $0x4;
	vm5 =	veq.s32 v15, v13  }
0x427: {  	vm0 =	vmand vm4, vm5;
	vm1 =	vlt.s32 v16, v12;
	vm2 =	veq.s32 v18, v13  }
0x428: {  	v16 =	vmpcnt.ones.xlane vm0;
	vm1 =	vmand vm1, vm2  }
0x429: {  	v17 =	vmpcnt.ones.xlane vm1  }
0x42a: {  	(v2sf) =	vpush v16, $0x0  }
0x42b: {  	(v2sf) =	vpush v17, $0x0;
	_ =	sdelay $0x2  }
0x42c: {  	v15 =	vld [tilespmem:s28+$0xFFFFFFF0]  }
0x42d: {  	v11 =	vld [tilespmem:s28+$0x0];
	p1 =	sgt.u32 s20, $0x4  }
.Ltmp47:
0x42e: {  	_ = 	snop;
	(pc) =	sbr.rel @!p1 .LBB2_84-.Ltmp47, $4  }
0x42f: {  	_ = 	snop  }
0x430: {  	s0 =	simm.s32 $0x30;
	s1 =	simm.s32 $0x20;
	vm0 =	vmmov vm0;
	vm1 =	vmmov vm1  }
0x431: {  	v16 =	vor.u32 s0, v0;
	v17 =	vor.u32 s1, v0;
	v18 =	vshrl.u32 v15, $0x4  }
0x432: {  	s28 =	simm.s32 $0x8050;
	p2 =	por $0x1, $0x1;
	vm4 =	vlt.s32 v17, v12;
	vm5 =	veq.s32 v18, v13;
	v18 =	vshrl.u32 v11, $0x4  }
0x433: {  	vm4 =	vmand vm4, vm5;
	vm2 =	vlt.s32 v16, v12;
	vm3 =	veq.s32 v18, v13  }
0x434: {  	v16 =	vmpcnt.ones.xlane vm4;
	vm5 =	vmand vm2, vm3  }
0x435: {  	v18 =	vmpcnt.ones.xlane vm5  }
0x436: {  	(v2sf) =	vpush v16, $0x0  }
0x437: {  	(v2sf) =	vpush v18, $0x0;
	_ =	sdelay $0x1  }
0x438: {  	v19 =	vld [tilespmem:s28+$0xFFFFFFF0]  }
0x439: {  	v17 =	vld [tilespmem:s28+$0x0];
	p1 =	sgt.u32 s20, $0x6  }
.Ltmp48:
0x43a: {  	_ = 	snop;
	(pc) =	sbr.rel @!p1 .LBB2_86-.Ltmp48, $4  }
0x43b: {  	vm3 =	vmmov vm0  }
0x43c: {  	s29 =	simm.s32 $0x50;
	s0 =	simm.s32 $0x40;
	vm2 =	vmmov vm1;
	vm0 =	vmmov vm4;
	vm1 =	vmmov vm5  }
0x43d: {  	s30 =	simm.s32 $0x6;
	v16 =	vor.u32 s29, v0;
	v18 =	vor.u32 s0, v0;
	v20 =	vshrl.u32 v19, $0x4  }
0x43e: {  	s31 =	simm.s32 $0x8070;
	p0 =	por $0x1, $0x1;
	s28 =	simm.s32 $0x0;
	vm4 =	vlt.s32 v18, v12;
	v18 =	vshrl.u32 v17, $0x4;
	vm5 =	veq.s32 v20, v13  }
.LBB2_87:
0x43f: {  	v20 =	vld [tilespmem:s31+$0xFFFFFFF0];
	s30 =	sadd.s32 $0x2, s30;
	vm4 =	vmand vm4, vm5;
	vm5 =	vlt.s32 v16, v12;
	vm6 =	veq.s32 v18, v13;
	[tilespmem:s28+$0xC080] =	vst.msk vm3, v10;
	v10 =	vmovc v15  }
0x440: {  	v15 =	vmovc v19;
	v21 =	vmovc v11;
	v11 =	vmov v17;
	p1 =	slt.u32 s30, s20;
	v16 =	vmpcnt.ones.xlane vm4;
	vm5 =	vmand vm5, vm6;
	v17 =	vld [tilespmem:s31+$0x0]  }
.Ltmp49:
0x441: {  	vm3 =	vmmov vm0;
	vm0 =	vmmov vm4;
	v18 =	vmpcnt.ones.xlane vm5;
	(pc) =	sbr.rel @p1 .LBB2_87-.Ltmp49, $4  }
0x442: {  	s29 =	sadd.s32 $0x20, s29;
	vm6 =	vmmov vm2;
	vm2 =	vmmov vm1;
	(v2sf) =	vpush v16, $0x0  }
0x443: {  	s0 =	sadd.s32 $0xFFFFFFF0, s29;
	vm1 =	vmmov vm5;
	(v2sf) =	vpush v18, $0x0;
	s1 =	spop (v2sf)  }
0x444: {  	v16 =	vor.u32 s29, v0;
	v18 =	vor.u32 s0, v0;
	v22 =	vshrl.u32 v20, $0x4;
	s0 =	sadd.s32 s28, s1;
	s1 =	spop (v2sf);
	v19 =	vmovc v20  }
0x445: {  	s31 =	sadd.s32 $0x20, s31;
	vm4 =	vlt.s32 v18, v12;
	vm5 =	veq.s32 v22, v13;
	v18 =	vshrl.u32 v17, $0x4;
	[tilespmem:s0+$0xC080] =	vst.msk vm6, v14;
	s28 =	sadd.s32 s0, s1;
	v14 =	vmovc v21  }
0x446: {  	v20 =	vmovc v10;
	v21 =	vmovc v11;
	v22 =	vmov v15;
	v10 =	vmov v19;
	v11 =	vmov v17  }
.LBB2_89:
0x447: {  	vm4 =	vmand vm4, vm5  }
0x448: {  	v62 =	vmpcnt.ones.xlane vm4;
	_ =	sdelay $0x1  }
0x449: {  	(v2sf) =	vpush v62, $0x0  }
0x44a: {  	vm12 =	vlt.s32 v16, v12;
	vm6 =	veq.s32 v18, v13  }
0x44b: {  	vm5 =	vmand vm12, vm6  }
0x44c: {  	v63 =	vmpcnt.ones.xlane vm5;
	_ =	sdelay $0x1  }
0x44d: {  	(v2sf) =	vpush v63, $0x0;
	_ =	sdelay $0x3  }
0x44e: {  	s0 =	spop @p0 (v2sf)  }
0x44f: {  	s0 =	sadd.s32 @p0 s28, s0;
	s1 =	spop @p0 (v2sf)  }
0x450: {  	vm0 =	vmmov @p2 vm0;
	s29 =	simm.s32 $0x0;
	s1 =	sadd.s32 @p0 s0, s1  }
0x451: {  	[tilespmem:s28+$0xC080] =	vst.msk @p0 vm3, v20;
	v12 =	vmovc @p2 v22;
	vm2 =	vmmov @p0 vm2;
	vm1 =	vmmov @p2 vm1;
	vm13 =	vmmov vm4;
	s29 =	smov.u32 @p0 s1;
	s1 =	spop @p2 (v2sf)  }
0x452: {  	v13 =	vmovc @p2 v21;
	v12 =	vpsel p2, v12, v0;
	vm0 =	vmmov @p2 vm0;
	vm1 =	vmmov @p2 vm1;
	[tilespmem:s0+$0xC080] =	vst.msk @p0 vm2, v14;
	s0 =	sadd.s32 @p2 s29, s1;
	s1 =	spop @p2 (v2sf)  }
0x453: {  	vm14 =	vmmov vm5;
	vm1 =	vmmov @p2 vm1;
	[tilespmem:s29+$0xC080] =	vst.msk @p2 vm0, v12;
	v12 =	vpsel p2, v13, v0;
	s1 =	sadd.s32 @p2 s0, s1  }
0x454: {  	vm15 =	vmmov vm13;
	vm0 =	vmmov vm14;
	[tilespmem:s0+$0xC080] =	vst.msk @p2 vm1, v12;
	s26 =	smov.u32 @p2 s1;
	s29 =	spop (v2sf)  }
0x455: {  	vm0 =	vmmov vm0;
	[tilespmem:s26+$0xC080] =	vst.msk vm15, v10;
	s0 =	sadd.s32 s26, s29  }
.Ltmp50:
0x456: {  	[tilespmem:s0+$0xC080] =	vst.msk vm0, v11;
	(pc) =	sbr.rel .LBB2_70-.Ltmp50, $3  }
0x457: {  	s31 =	sld [smem:$0x7FA];
	_ =	sdelay $0x1  }
0x458: {  	s30 =	spop (v2sf)  }
0x459: {  	s26 =	sadd.s32 s0, s30;
	p1 =	seq.s32 s31, $0x1  }
.LBB2_69:
0x45a: {  	s26 =	simm.s32 $0x0  }
.LBB2_70:
.Ltmp51:
0x45b: {  	(pc) =	sbr.rel @p1 .LBB2_73-.Ltmp51, $2  }
0x45c: {  	s0 =	sld [smem:$0x7FD];
	_ =	sdelay $0x2  }
0x45d: {  	p2 =	seq.s32 s0, $0x1  }
0x45e: {  	s0 =	sshll.u32 s21, $0x2  }
0x45f: {  	s0 =	sshra.s32 s0, $0x2  }
0x460: {  	s0 =	sand.u32 $0xFFFFFFE0, s0  }
0x461: {  	v10 =	vmov s17;
	v11 =	vmov s19;
	s21 =	sand.u32 $0xFFFFFFE0, s21;
	s17 =	sadd.s32 $0x8000, s0  }
.LBB2_72:
0x462: {  	v12 =	vld [tilespmem:s17+$0x0];
	_ =	sdelay $0x4  }
0x463: {  	v13 =	vor.u32 s21, v0;
	v14 =	vshrl.u32 v12, $0x4  }
0x464: {  	vm0 =	vlt.s32 v13, v10;
	vm1 =	veq.s32 v14, v11  }
0x465: {  	vm0 =	vmand vm0, vm1  }
0x466: {  	v63 =	vmpcnt.ones.xlane vm0;
	_ =	sdelay $0x1  }
0x467: {  	(v2sf) =	vpush v63, $0x0;
	_ =	sdelay $0x9  }
0x468: {  	s20 =	sadd.s32 $0x1, s20  }
0x469: {  	p0 =	slt.u32 s20, s18  }
.Ltmp52:
0x46a: {  	_ = 	snop;
	(pc) =	sbr.rel @p0 .LBB2_72-.Ltmp52, $3  }
0x46b: {  	_ =	sdelay $0x1  }
0x46c: {  	s0 =	spop (v2sf)  }
0x46d: {  	s17 =	sadd.s32 $0x10, s17;
	s21 =	sadd.s32 $0x10, s21;
	[tilespmem:s26+$0xC080] =	vst.msk vm0, v12;
	s26 =	sadd.s32 s26, s0  }
.LBB2_73:
0x46e: {  	s0 =	sxor.u32 $0x80000000, s22  }
0x46f: {  	s30 =	sxor.u32 $0x80000000, s23;
	s17 =	ssub.s32 s16, s0  }
0x470: {  	s1 =	sxor.u32 $0x80000000, s24;
	s0 =	ssub.s32 s16, s30;
	s17 =	simm.s32 @!p3 $0xFFFFFFFF  }
0x471: {  	s31 =	sxor.u32 $0x80000000, s25;
	s17 =	smov.u32 @p4 s0;
	s0 =	ssub.s32 s16, s1  }
0x472: {  	s17 =	smov.u32 @p5 s0;
	s0 =	ssub.s32 s16, s31  }
0x473: {  	p0 =	por $0x1, $0x1;
	s16 =	simm.s32 $0x0;
	s17 =	smov.u32 @p6 s0  }
.LBB2_74:
0x474: {  	s0 =	sshra.s32 s16, $0x2  }
0x475: {  	[tilespmem:s0+$0x10100] =	vst v1  }
0x476: {  	[tilespmem:s0+$0x10110] =	vst v1  }
0x477: {  	p1 =	por p0, p0;
	[tilespmem:s0+$0x10120] =	vst v1  }
.Ltmp53:
0x478: {  	[tilespmem:s0+$0x10130] =	vst v1;
	(pc) =	sbr.rel @p1 .LBB2_74-.Ltmp53, $4  }
0x479: {  	[tilespmem:s0+$0x10140] =	vst v1  }
0x47a: {  	[tilespmem:s0+$0x10150] =	vst v1  }
0x47b: {  	[tilespmem:s0+$0x10160] =	vst v1  }
0x47c: {  	s16 =	simm.s32 $0x200;
	p0 =	por $0x0, $0x0;
	[tilespmem:s0+$0x10170] =	vst v1  }
0x47d: {  	s20 =	sadd.s32 $0xF, s26  }
0x47e: {  	s16 =	sshrl.u32 s20, $0x4  }
0x47f: {  	s18 =	sand.u32 $0xFFFFFFE, s16  }
0x480: {  	p0 =	seq.s32 s18, $0x0  }
.Ltmp54:
0x481: {  	_ = 	snop;
	(pc) =	sbr.rel @p0 .LBB2_90-.Ltmp54, $2  }
0x482: {  	_ =	sdelay $0x2  }
0x483: {  	[tilespmem:$0x10200] =	vst v1  }
0x484: {  	p1 =	sgt.u32 s18, $0x2  }
.Ltmp55:
0x485: {  	_ = 	snop;
	(pc) =	sbr.rel @!p1 .LBB2_77-.Ltmp55, $4  }
0x486: {  	_ = 	snop  }
0x487: {  	s22 =	simm.s32 $0xC090  }
0x488: {  	s21 =	simm.s32 $0x10;
	v16 =	vld [tilespmem:s22+$0xFFFFFFF0]  }
0x489: {  	v10 =	vmov s26;
	s23 =	simm.s32 $0x0;
	v11 =	vmul.u32 $0x11, v0;
	s24 =	simm.s32 $0xC0B0;
	p0 =	por $0x0, $0x0;
	v12 =	vld [tilespmem:s22+$0x0]  }
0x48a: {  	_ = 	snop  }
0x48b: {  	p1 =	sgt.u32 s18, $0x4  }
.Ltmp56:
0x48c: {  	v13 =	vor.u32 s23, v0;
	(pc) =	sbr.rel @!p1 .LBB2_97-.Ltmp56, $4  }
0x48d: {  	v14 =	vor.u32 s21, v0;
	v15 =	vld [tilespmem:s24+$0xFFFFFFF0];
	vm0 =	vlt.s32 v13, v10;
	v13 =	vand.u32 $0xF, v16  }
0x48e: {  	vm1 =	vlt.s32 v14, v10;
	v16 =	vand.u32 $0xF, v12;
	v13 =	vadd.s32 v11, v13  }
0x48f: {  	s22 =	simm.s32 $0x4;
	s21 =	simm.s32 $0x30;
	v12 =	vld [tilespmem:s24+$0x0];
	v14 =	vadd.s32 v11, v16  }
0x490: {  	s23 =	simm.s32 $0x20;
	p0 =	por $0x1, $0x1;
	s24 =	simm.s32 $0xC0D0  }
.LBB2_98:
0x491: {  	s22 =	sadd.s32 $0x2, s22  }
0x492: {  	v16 =	vor.u32 s23, v0;
	v17 =	vand.u32 $0xF, v15;
	v15 =	vld [tilespmem:s24+$0xFFFFFFF0];
	p1 =	slt.u32 s22, s18  }
.Ltmp57:
0x493: {  	v18 =	vor.u32 s21, v0;
	[tilespmem:v13+s11+$0x0] =	vst.idx.add.s32.msk vm0, v3;
	v13 =	vadd.s32 v11, v17;
	vm0 =	vlt.s32 v16, v10;
	(pc) =	sbr.rel @p1 .LBB2_98-.Ltmp57, $3  }
0x494: {  	v16 =	vand.u32 $0xF, v12;
	[tilespmem:v14+s11+$0x0] =	vst.idx.add.s32.msk vm1, v3;
	vm1 =	vlt.s32 v18, v10  }
0x495: {  	s21 =	sadd.s32 $0x20, s21;
	v12 =	vld [tilespmem:s24+$0x0];
	v14 =	vadd.s32 v11, v16;
	_ =	sdelay $0x1  }
0x496: {  	s23 =	sadd.s32 $0xFFFFFFF0, s21;
	s24 =	sadd.s32 $0x20, s24  }
0x497: {  	v16 =	vmov v15  }
.LBB2_100:
0x498: {  	v15 =	vor.u32 s23, v0  }
0x499: {  	v16 =	vand.u32 $0xF, v16;
	v63 =	vor.u32 s21, v0;
	vm2 =	vlt.s32 v15, v10  }
0x49a: {  	v16 =	vadd.s32 v11, v16;
	vm3 =	vlt.s32 v63, v10;
	v10 =	vand.u32 $0xF, v12  }
0x49b: {  	v10 =	vadd.s32 v11, v10;
	_ =	sdelay $0x1  }
0x49c: {  	[tilespmem:v13+s11+$0x0] =	vst.idx.add.s32.msk @p0 vm0, v3  }
0x49d: {  	[tilespmem:v14+s11+$0x0] =	vst.idx.add.s32.msk @p0 vm1, v3  }
0x49e: {  	[tilespmem:v16+s11+$0x0] =	vst.idx.add.s32.msk vm2, v3  }
0x49f: {  	[tilespmem:v10+s11+$0x0] =	vst.idx.add.s32.msk vm3, v3  }
.LBB2_90:
0x4a0: {  	p0 =	seq.s32 s18, s16  }
.Ltmp58:
0x4a1: {  	_ = 	snop;
	(pc) =	sbr.rel @p0 .LBB2_93-.Ltmp58, $1  }
0x4a2: {  	_ =	sdelay $0x3  }
0x4a3: {  	s0 =	sshll.u32 s20, $0x2  }
0x4a4: {  	s0 =	sshra.s32 s0, $0x2  }
0x4a5: {  	s0 =	sand.u32 $0xFFFFFFE0, s0  }
0x4a6: {  	v10 =	vmov s26;
	s20 =	sand.u32 $0xFFFFFFE0, s20;
	s21 =	sadd.s32 $0xC080, s0  }
.LBB2_92:
0x4a7: {  	v11 =	vld [tilespmem:s21+$0x0];
	_ =	sdelay $0x3  }
0x4a8: {  	v12 =	vor.u32 s20, v0;
	v13 =	vmul.u32 $0x11, v0  }
0x4a9: {  	s18 =	sadd.s32 $0x1, s18;
	vm0 =	vlt.s32 v12, v10;
	v11 =	vand.u32 $0xF, v11  }
0x4aa: {  	p0 =	slt.u32 s18, s16;
	v11 =	vadd.s32 v13, v11  }
.Ltmp59:
0x4ab: {  	_ = 	snop;
	(pc) =	sbr.rel @p0 .LBB2_92-.Ltmp59, $2  }
0x4ac: {  	_ =	sdelay $0x2  }
0x4ad: {  	s21 =	sadd.s32 $0x10, s21;
	s20 =	sadd.s32 $0x10, s20;
	[tilespmem:v11+s11+$0x0] =	vst.idx.add.s32.msk vm0, v3  }
.Ltmp60:
0x4ae: {  	_ = 	snop;
	(pc) =	sbr.rel .LBB2_93-.Ltmp60, $1  }
0x4af: {  	_ =	sdelay $0x3  }
.LBB2_14:
.Ltmp61:
0x4b0: {  	(pc) =	sbr.rel .LBB2_30-.Ltmp61, $2  }
0x4b1: {  	_ =	sdelay $0x2  }
0x4b2: {  	_ = 	snop  }
.LBB2_32:
.Ltmp62:
0x4b3: {  	(pc) =	sbr.rel .LBB2_39-.Ltmp62, $2  }
0x4b4: {  	_ =	sdelay $0x2  }
0x4b5: {  	v11 =	vmov v14;
	s28 =	simm.s32 $0x0  }
.LBB2_27:
.Ltmp63:
0x4b6: {  	(pc) =	sbr.rel .LBB2_55-.Ltmp63, $2  }
0x4b7: {  	_ =	sdelay $0x2  }
0x4b8: {  	_ = 	snop  }
.LBB2_57:
.Ltmp64:
0x4b9: {  	(pc) =	sbr.rel .LBB2_64-.Ltmp64, $2  }
0x4ba: {  	_ =	sdelay $0x2  }
0x4bb: {  	v11 =	vmov v14;
	s28 =	simm.s32 $0x0  }
.LBB2_52:
.Ltmp65:
0x4bc: {  	(pc) =	sbr.rel .LBB2_80-.Ltmp65, $2  }
0x4bd: {  	_ =	sdelay $0x2  }
0x4be: {  	_ = 	snop  }
.LBB2_82:
.Ltmp66:
0x4bf: {  	(pc) =	sbr.rel .LBB2_89-.Ltmp66, $2  }
0x4c0: {  	_ =	sdelay $0x2  }
0x4c1: {  	v11 =	vmov v14;
	s28 =	simm.s32 $0x0  }
.LBB2_77:
.Ltmp67:
0x4c2: {  	(pc) =	sbr.rel .LBB2_100-.Ltmp67, $2  }
0x4c3: {  	_ =	sdelay $0x2  }
0x4c4: {  	_ = 	snop  }
.LBB2_34:
.Ltmp68:
0x4c5: {  	(pc) =	sbr.rel .LBB2_39-.Ltmp68, $2  }
0x4c6: {  	_ =	sdelay $0x2  }
0x4c7: {  	v22 =	vmov v10;
	v21 =	vmov v14;
	s28 =	simm.s32 $0x0;
	v10 =	vmov v15  }
.LBB2_59:
.Ltmp69:
0x4c8: {  	(pc) =	sbr.rel .LBB2_64-.Ltmp69, $2  }
0x4c9: {  	_ =	sdelay $0x2  }
0x4ca: {  	v22 =	vmov v10;
	v21 =	vmov v14;
	s28 =	simm.s32 $0x0;
	v10 =	vmov v15  }
.LBB2_84:
.Ltmp70:
0x4cb: {  	(pc) =	sbr.rel .LBB2_89-.Ltmp70, $2  }
0x4cc: {  	_ =	sdelay $0x2  }
0x4cd: {  	v22 =	vmov v10;
	v21 =	vmov v14;
	s28 =	simm.s32 $0x0;
	v10 =	vmov v15  }
.LBB2_97:
.Ltmp71:
0x4ce: {  	(pc) =	sbr.rel .LBB2_100-.Ltmp71, $2  }
0x4cf: {  	_ =	sdelay $0x2  }
0x4d0: {  	v16 =	vmov v15  }
.LBB2_36:
.Ltmp72:
0x4d1: {  	(pc) =	sbr.rel .LBB2_39-.Ltmp72, $2  }
0x4d2: {  	_ =	sdelay $0x2  }
0x4d3: {  	v20 =	vmovc v10;
	v21 =	vmovc v11;
	s28 =	simm.s32 $0x0;
	v22 =	vmov v15;
	v10 =	vmov v19;
	v11 =	vmov v17  }
.LBB2_61:
.Ltmp73:
0x4d4: {  	(pc) =	sbr.rel .LBB2_64-.Ltmp73, $2  }
0x4d5: {  	_ =	sdelay $0x2  }
0x4d6: {  	v20 =	vmovc v10;
	v21 =	vmovc v11;
	s28 =	simm.s32 $0x0;
	v22 =	vmov v15;
	v10 =	vmov v19;
	v11 =	vmov v17  }
.LBB2_86:
.Ltmp74:
0x4d7: {  	(pc) =	sbr.rel .LBB2_89-.Ltmp74, $2  }
0x4d8: {  	_ =	sdelay $0x2  }
0x4d9: {  	v20 =	vmovc v10;
	v21 =	vmovc v11;
	s28 =	simm.s32 $0x0;
	v22 =	vmov v15;
	v10 =	vmov v19;
	v11 =	vmov v17  }
.LBB2_95:
0x4da: {  	_ =	sfence.sel $0x180000  }
0x4db: {  	[bflag:$0x0] =	sbarrier.arrive $0xFFFF  }
0x4dc: {  	_ =	strace $0x90000047  }
0x4dd: {  	s0 =	stileid.u32;
	[bflag:$0x2] =	sbarrier.arrive $0xFFFF  }
0x4de: {  	p0 =	sne.s32 s0, $0x0;
	s0 =	rddreg [dreg:$0x2]  }
0x4df: {  	s0 =	sadd.s32 @!p0 $0x100000, s0  }
0x4e0: {  	[sflag:s0] =	ssyncadd.tile.s32 @!p0 $0x1;
	_ =	shalt  }
.Lfunc_end2:
_tile_overlayer_lowered:
.L_overlay_start_2:
0x4e1: {  	(tag) =	ssettag $0x2  }
0x4e2: {  	s0 =	rddreg [dreg:$0x0];
	s2 =	stileid.u32  }
0x4e3: {  	s1 =	rddreg [dreg:$0x1];
	p0 =	sne.s32 s2, $0x0  }
0x4e4: {  	s3 =	rddreg [dreg:$0x2];
	[bflag:$0x3] =	sbarrier.arrive $0xFFFF;
	s2 =	simm.s32 @!p0 $0x1C02  }
0x4e5: {  	[timem:s3], [sflag:s2] =	dma.local @!p0 [hbm:s0], s1  }
0x4e6: {  	s0 =	simm.s32 @!p0 $0x2  }
0x4e7: {  	_ =	swait.ge @!p0 [sflag:s0], s1  }
0x4e8: {  	s1 =	ssub.s32 @!p0 $0x0, s1;
	[sflag:s0] =	ssyncset.done @!p0 $0x0  }
0x4e9: {  	[sflag:s0] =	ssyncadd.s32 @!p0 s1  }
0x4ea: {  	[bflag:$0x3] =	sbarrier.arrive $0xFFFF  }
0x4eb: {  	_ =	shalt  }

</sc_bundles>
